<compile_context>
chip_gen: v7x
topology: tpu7x:2x2x1
jax: 0.10.2.dev20260603
libtpu: 0.0.44.dev20260713+nightly
codegen_flags: <defaults>
</compile_context>

<pallas_src>
import functools

import jax
import jax.numpy as jnp
from jax import lax
from jax.experimental import pallas as pl
from jax.experimental.pallas import tpu as pltpu
from jax.experimental.pallas import tpu_sc as plsc

_N_PAD = 10240
_WORDS = 384
_ROW_BLK = 512
_TGT_BLK = 512


def _h_body(x_ref, w1_ref, b1_ref, w2_ref, b2_ref, out_ref):
    xb = x_ref[...]
    t = jnp.maximum(jnp.dot(xb, w1_ref[...], preferred_element_type=jnp.float32)
                    + b1_ref[...], 0.0)
    t = jnp.maximum(jnp.dot(t, w2_ref[...], preferred_element_type=jnp.float32)
                    + b2_ref[...], 0.0)
    hb = xb + t
    out_ref[...] = hb.reshape(_ROW_BLK // 32, 32, 128)


def _main_body(r0_ref, r1_ref, xi_ref, xj_ref, h3_ref,
               wcn1_ref, bcn1_ref, wcn2_ref, bcn2_ref,
               wij_ref, bij_ref, wl1_ref, bl1_ref, wl2_ref, bl2_ref,
               beta_ref, out_ref):
    acc = jnp.zeros((_TGT_BLK, 128), jnp.float32)
    for wt in range(_WORDS // 128):
        sl = slice(wt * 128, (wt + 1) * 128)
        words = r0_ref[:, sl] & r1_ref[:, sl]
        for p in range(32):
            plane = ((words >> p) & 1).astype(jnp.float32)
            hsub = h3_ref[sl, p, :]
            acc += jnp.dot(plane, hsub, preferred_element_type=jnp.float32)
    xcn2 = jnp.maximum(
        jnp.dot(acc, wcn1_ref[...], preferred_element_type=jnp.float32)
        + bcn1_ref[...], 0.0)
    xcn2 = jnp.maximum(
        jnp.dot(xcn2, wcn2_ref[...], preferred_element_type=jnp.float32)
        + bcn2_ref[...], 0.0)
    xij = jnp.maximum(
        jnp.dot(xi_ref[...] * xj_ref[...], wij_ref[...],
                preferred_element_type=jnp.float32)
        + bij_ref[...], 0.0)
    z = xcn2 * beta_ref[0] + xij
    z = jnp.maximum(
        jnp.dot(z, wl1_ref[...], preferred_element_type=jnp.float32)
        + bl1_ref[...], 0.0)
    out_ref[...] = jnp.dot(z, wl2_ref[...], preferred_element_type=jnp.float32) \
        + bl2_ref[...]


def _sc_gather(abits, x, ti, tj):
    b = ti.shape[0]
    info = plsc.get_sparse_core_info()
    nc, ns = info.num_cores, info.num_subcores
    per_w = b // (nc * ns)
    mesh = plsc.VectorSubcoreMesh(core_axis_name="c", subcore_axis_name="s")

    @functools.partial(
        pl.kernel, mesh=mesh,
        out_type=[
            jax.ShapeDtypeStruct((b, _WORDS), jnp.int32),
            jax.ShapeDtypeStruct((b, _WORDS), jnp.int32),
            jax.ShapeDtypeStruct((b, 128), jnp.float32),
            jax.ShapeDtypeStruct((b, 128), jnp.float32),
        ],
        scratch_types=[
            pltpu.VMEM((per_w,), jnp.int32),
            pltpu.VMEM((per_w, _WORDS), jnp.int32),
            pltpu.VMEM((per_w, 128), jnp.float32),
            pltpu.SemaphoreType.DMA,
        ],
    )
    def k(abits_hbm, x_hbm, ti_hbm, tj_hbm,
          r0_hbm, r1_hbm, xi_hbm, xj_hbm,
          idx_v, rows_v, xrows_v, sem):
        wid = lax.axis_index("s") * nc + lax.axis_index("c")
        base = wid * per_w
        pltpu.sync_copy(ti_hbm.at[pl.ds(base, per_w)], idx_v)
        pltpu.async_copy(abits_hbm.at[idx_v], rows_v, sem).wait()
        pltpu.sync_copy(rows_v, r0_hbm.at[pl.ds(base, per_w)])
        pltpu.async_copy(x_hbm.at[idx_v], xrows_v, sem).wait()
        pltpu.sync_copy(xrows_v, xi_hbm.at[pl.ds(base, per_w)])
        pltpu.sync_copy(tj_hbm.at[pl.ds(base, per_w)], idx_v)
        pltpu.async_copy(abits_hbm.at[idx_v], rows_v, sem).wait()
        pltpu.sync_copy(rows_v, r1_hbm.at[pl.ds(base, per_w)])
        pltpu.async_copy(x_hbm.at[idx_v], xrows_v, sem).wait()
        pltpu.sync_copy(xrows_v, xj_hbm.at[pl.ds(base, per_w)])

    return k(abits, x, ti, tj)


@jax.jit
def kernel(x, edge_index, tar_ei, beta,
           W_xlin1, b_xlin1, W_xlin2, b_xlin2,
           W_cn1, b_cn1, W_cn2, b_cn2,
           W_ij1, b_ij1, W_l1, b_l1, W_l2, b_l2):
    n, d = x.shape
    b = tar_ei.shape[1]

    src = edge_index[0].astype(jnp.int32)
    dst = edge_index[1].astype(jnp.int32)
    keys = (src << 14) | dst
    skeys, = lax.sort([keys], is_stable=False)
    dup = jnp.concatenate(
        [jnp.zeros((1,), jnp.bool_), skeys[1:] == skeys[:-1]])
    su = skeys >> 14
    sv = skeys & 16383
    word_idx = su * _WORDS + (sv >> 5)
    bitval = jnp.where(dup, 0, jnp.left_shift(jnp.int32(1), sv & 31))
    abits = jnp.zeros((n * _WORDS,), jnp.int32).at[word_idx].add(
        bitval, mode="drop").reshape(n, _WORDS)

    ti = tar_ei[0].astype(jnp.int32)
    tj = tar_ei[1].astype(jnp.int32)
    r0, r1, xi, xj = _sc_gather(abits, x, ti, tj)

    x_pad = jnp.pad(x, ((0, _N_PAD - n), (0, 0)))
    h3 = pl.pallas_call(
        _h_body,
        grid=(_N_PAD // _ROW_BLK,),
        in_specs=[
            pl.BlockSpec((_ROW_BLK, 128), lambda i: (i, 0)),
            pl.BlockSpec((128, 128), lambda i: (0, 0)),
            pl.BlockSpec((128,), lambda i: (0,)),
            pl.BlockSpec((128, 128), lambda i: (0, 0)),
            pl.BlockSpec((128,), lambda i: (0,)),
        ],
        out_specs=pl.BlockSpec((_ROW_BLK // 32, 32, 128), lambda i: (i, 0, 0)),
        out_shape=jax.ShapeDtypeStruct((_WORDS, 32, 128), jnp.float32),
    )(x_pad, W_xlin1, b_xlin1, W_xlin2, b_xlin2)
    h3 = jnp.pad(h3[: _N_PAD // 32], ((0, _WORDS - _N_PAD // 32), (0, 0), (0, 0)))

    beta_s = beta.astype(jnp.float32).reshape((1,))

    out = pl.pallas_call(
        _main_body,
        grid=(b // _TGT_BLK,),
        in_specs=[
            pl.BlockSpec((_TGT_BLK, _WORDS), lambda i: (i, 0)),
            pl.BlockSpec((_TGT_BLK, _WORDS), lambda i: (i, 0)),
            pl.BlockSpec((_TGT_BLK, 128), lambda i: (i, 0)),
            pl.BlockSpec((_TGT_BLK, 128), lambda i: (i, 0)),
            pl.BlockSpec((_WORDS, 32, 128), lambda i: (0, 0, 0)),
            pl.BlockSpec((128, 128), lambda i: (0, 0)),
            pl.BlockSpec((128,), lambda i: (0,)),
            pl.BlockSpec((128, 128), lambda i: (0, 0)),
            pl.BlockSpec((128,), lambda i: (0,)),
            pl.BlockSpec((128, 128), lambda i: (0, 0)),
            pl.BlockSpec((128,), lambda i: (0,)),
            pl.BlockSpec((128, 128), lambda i: (0, 0)),
            pl.BlockSpec((128,), lambda i: (0,)),
            pl.BlockSpec((128, 1), lambda i: (0, 0)),
            pl.BlockSpec((1,), lambda i: (0,)),
            pl.BlockSpec(memory_space=pltpu.SMEM),
        ],
        out_specs=pl.BlockSpec((_TGT_BLK, 1), lambda i: (i, 0)),
        out_shape=jax.ShapeDtypeStruct((b, 1), jnp.float32),
    )(r0, r1, xi, xj, h3,
      W_cn1, b_cn1, W_cn2, b_cn2,
      W_ij1, b_ij1, W_l1, b_l1, W_l2, b_l2,
      beta_s)
    return out

# --- scband reference (transcript-rebuilt; emitter-appended) ---
"""Pipeline reference for scband-cnlink-predictor-39556648796289 (READ-ONLY COPY).

The authoritative reference and input builder live on the scoring server;
editing this copy changes nothing except your own understanding.
"""

import jax, jax.numpy as jnp
import numpy as np

N = 10000
E = 160000
B = 4096
D = 128
H = 128
OUT = 1


def _lin_params(key, fan_in, fan_out):
    k1, k2 = jax.random.split(key)
    bound = 1.0 / np.sqrt(fan_in)
    W = jax.random.uniform(k1, (fan_in, fan_out), jnp.float32, -bound, bound)
    b = jax.random.uniform(k2, (fan_out,), jnp.float32, -bound, bound)
    return W, b


def setup_inputs(seed: int = 0) -> dict:
    key = jax.random.key(seed)
    ks = jax.random.split(key, 12)
    x = jax.random.normal(ks[0], (N, D), jnp.float32)
    edge_index = jax.random.randint(ks[1], (2, E), 0, N, jnp.int32)
    tar_ei = jax.random.randint(ks[2], (2, B), 0, N, jnp.int32)
    beta = jnp.ones((1,), jnp.float32)
    W_xlin1, b_xlin1 = _lin_params(ks[3], H, H)
    W_xlin2, b_xlin2 = _lin_params(ks[4], H, H)
    W_cn1, b_cn1 = _lin_params(ks[5], D, H)
    W_cn2, b_cn2 = _lin_params(ks[6], H, H)
    W_ij1, b_ij1 = _lin_params(ks[7], D, H)
    W_l1, b_l1 = _lin_params(ks[8], H, H)
    W_l2, b_l2 = _lin_params(ks[9], H, OUT)
    return {
        "x": x, "edge_index": edge_index, "tar_ei": tar_ei, "beta": beta,
        "W_xlin1": W_xlin1, "b_xlin1": b_xlin1, "W_xlin2": W_xlin2, "b_xlin2": b_xlin2,
        "W_cn1": W_cn1, "b_cn1": b_cn1, "W_cn2": W_cn2, "b_cn2": b_cn2,
        "W_ij1": W_ij1, "b_ij1": b_ij1,
        "W_l1": W_l1, "b_l1": b_l1, "W_l2": W_l2, "b_l2": b_l2,
    }


def reference(x, edge_index, tar_ei, beta,
              W_xlin1, b_xlin1, W_xlin2, b_xlin2,
              W_cn1, b_cn1, W_cn2, b_cn2,
              W_ij1, b_ij1, W_l1, b_l1, W_l2, b_l2):
    n = x.shape[0]
    # adjacency as dense boolean matrix built by scatter (values implicitly 1)
    A = jnp.zeros((n, n), dtype=jnp.bool_).at[edge_index[0], edge_index[1]].set(True)
    # gather endpoint features (from original x, before the residual xlin)
    xi = x[tar_ei[0]]
    xj = x[tar_ei[1]]
    # x = x + xlin(x); eval mode so dropout is identity, ln=False so Identity
    h = x + jax.nn.relu(jax.nn.relu(x @ W_xlin1 + b_xlin1) @ W_xlin2 + b_xlin2)
    # adjoverlap(adj, adj, tar_ei): common-neighbor indicator rows, value 1*1=1
    cn = (A[tar_ei[0]] & A[tar_ei[1]]).astype(x.dtype)
    # spmm_add(cn, x): sum features of common neighbors
    xcn = cn @ h
    # xijlin(xi * xj): Linear -> Identity(ln) -> Dropout(id) -> ReLU -> Identity(tailact)
    xij = jax.nn.relu((xi * xj) @ W_ij1 + b_ij1)
    # xcnlin(xcn): Linear -> Drop -> ReLU -> Linear -> Identity(ln) -> Drop -> ReLU -> Identity
    xcn2 = jax.nn.relu(jax.nn.relu(xcn @ W_cn1 + b_cn1) @ W_cn2 + b_cn2)
    z = xcn2 * beta + xij
    # lin: Linear -> Identity(ln) -> Drop -> ReLU -> (4x Identity, twolayerlin=False) -> Linear
    out = jax.nn.relu(z @ W_l1 + b_l1) @ W_l2 + b_l2
    return out

if __name__ == "__main__":
    import jax
    _d = setup_inputs()
    print(jax.jit(kernel)(*tuple(_d.values())))

</pallas_src>

<mosaic_0001>
#map = affine_map<(d0, d1) -> (0, 0)>
#map1 = affine_map<(d0, d1) -> (0)>
module attributes {stable_mosaic.version = 14 : i64} {
  func.func @k(%arg0: i32, %arg1: i32, %arg2: memref<10000x384xi32, #tpu.memory_space<hbm>>, %arg3: memref<10000x128xf32, #tpu.memory_space<hbm>>, %arg4: memref<4096xi32, #tpu.memory_space<hbm>>, %arg5: memref<4096xi32, #tpu.memory_space<hbm>>, %arg6: memref<4096x384xi32, #tpu.memory_space<hbm>>, %arg7: memref<4096x384xi32, #tpu.memory_space<hbm>>, %arg8: memref<4096x128xf32, #tpu.memory_space<hbm>>, %arg9: memref<4096x128xf32, #tpu.memory_space<hbm>>, %arg10: memref<128xi32, #tpu.memory_space<vmem>>, %arg11: memref<128x384xi32, #tpu.memory_space<vmem>>, %arg12: memref<128x128xf32, #tpu.memory_space<vmem>>, %arg13: memref<!tpu.dma_semaphore, #tpu.memory_space<semaphore_mem>>) attributes {dimension_semantics = [#tpu.dimension_semantics<core_parallel>, #tpu.dimension_semantics<subcore_parallel>], iteration_bounds = array<i64: 2, 16>, scalar_prefetch = 0 : i64, scratch_operands = 4 : i64, tpu.core_type = #tpu.core_type<sc_vector_subcore>, window_params = [{transform_indices = #map}, {transform_indices = #map}, {transform_indices = #map1}, {transform_indices = #map1}, {transform_indices = #map}, {transform_indices = #map}, {transform_indices = #map}, {transform_indices = #map}]} {
    %mul3A = arith.constant 2 : i32
    %mul3A_0 = arith.muli %arg1, %mul3A : i32
    %add3A = arith.addi %mul3A_0, %arg0 : i32
    %mul3A_1 = arith.constant 128 : i32
    %mul3A_2 = arith.muli %add3A, %mul3A_1 : i32
    "tpu.region"() ({
      %run_scoped3A = tpu.sem_alloc : memref<!tpu.dma_semaphore, #tpu.memory_space<semaphore_mem>>
      %dma_start3A_25 = tpu.memref_slice %arg4[%mul3A_2] : memref<4096xi32, #tpu.memory_space<hbm>> -> memref<128xi32, #tpu.memory_space<hbm>>
      %dma_start3A_26 = tpu.memref_slice %arg4[%mul3A_2] : memref<4096xi32, #tpu.memory_space<hbm>> -> memref<128xi32, #tpu.memory_space<hbm>>
      tpu.enqueue_dma source(%dma_start3A_26 : memref<128xi32, #tpu.memory_space<hbm>>) target(%arg10 : memref<128xi32, #tpu.memory_space<vmem>>) target_semaphore(%run_scoped3A : memref<!tpu.dma_semaphore, #tpu.memory_space<semaphore_mem>>)
      %dma_wait3A_27 = tpu.memref_slice %arg4[%mul3A_2] : memref<4096xi32, #tpu.memory_space<hbm>> -> memref<128xi32, #tpu.memory_space<hbm>>
      %dma_wait3A_28 = tpu.memref_slice %arg4[%mul3A_2] : memref<4096xi32, #tpu.memory_space<hbm>> -> memref<128xi32, #tpu.memory_space<hbm>>
      tpu.wait_dma2 semaphore(%run_scoped3A : memref<!tpu.dma_semaphore, #tpu.memory_space<semaphore_mem>>) src(%dma_wait3A_28 : memref<128xi32, #tpu.memory_space<hbm>>) dst(%arg10 : memref<128xi32, #tpu.memory_space<vmem>>)
      tpu.yield
    }) : () -> ()
    %dma_start3A = arith.constant 0 : i32
    %dma_start3A_3 = arith.constant 0 : i32
    %dma_start3A_4 = tpu.memref_slice %arg2[%dma_start3A, %dma_start3A_3] : memref<10000x384xi32, #tpu.memory_space<hbm>> -> memref<10000x384xi32, #tpu.memory_space<hbm>>
    tpu.enqueue_indirect_dma source(%dma_start3A_4 : memref<10000x384xi32, #tpu.memory_space<hbm>>) target(%arg11 : memref<128x384xi32, #tpu.memory_space<vmem>>) offsets(%arg10 : memref<128xi32, #tpu.memory_space<vmem>>) semaphore(%arg13 : memref<!tpu.dma_semaphore, #tpu.memory_space<semaphore_mem>>)
    %dma_wait3A = arith.constant 0 : i32
    %dma_wait3A_5 = arith.constant 0 : i32
    %dma_wait3A_6 = tpu.memref_slice %arg2[%dma_wait3A, %dma_wait3A_5] : memref<10000x384xi32, #tpu.memory_space<hbm>> -> memref<10000x384xi32, #tpu.memory_space<hbm>>
    tpu.wait_indirect_dma semaphore(%arg13 : memref<!tpu.dma_semaphore, #tpu.memory_space<semaphore_mem>>) src(%dma_wait3A_6 : memref<10000x384xi32, #tpu.memory_space<hbm>>) dst(%arg11 : memref<128x384xi32, #tpu.memory_space<vmem>>)
    "tpu.region"() ({
      %run_scoped3A = tpu.sem_alloc : memref<!tpu.dma_semaphore, #tpu.memory_space<semaphore_mem>>
      %dma_start3A_25 = arith.constant 0 : i32
      %dma_start3A_26 = tpu.memref_slice %arg6[%mul3A_2, %dma_start3A_25] : memref<4096x384xi32, #tpu.memory_space<hbm>> -> memref<128x384xi32, #tpu.memory_space<hbm>>
      %dma_start3A_27 = arith.constant 0 : i32
      %dma_start3A_28 = tpu.memref_slice %arg6[%mul3A_2, %dma_start3A_27] : memref<4096x384xi32, #tpu.memory_space<hbm>> -> memref<128x384xi32, #tpu.memory_space<hbm>>
      tpu.enqueue_dma source(%arg11 : memref<128x384xi32, #tpu.memory_space<vmem>>) target(%dma_start3A_28 : memref<128x384xi32, #tpu.memory_space<hbm>>) target_semaphore(%run_scoped3A : memref<!tpu.dma_semaphore, #tpu.memory_space<semaphore_mem>>)
      %dma_wait3A_29 = arith.constant 0 : i32
      %dma_wait3A_30 = tpu.memref_slice %arg6[%mul3A_2, %dma_wait3A_29] : memref<4096x384xi32, #tpu.memory_space<hbm>> -> memref<128x384xi32, #tpu.memory_space<hbm>>
      %dma_wait3A_31 = arith.constant 0 : i32
      %dma_wait3A_32 = tpu.memref_slice %arg6[%mul3A_2, %dma_wait3A_31] : memref<4096x384xi32, #tpu.memory_space<hbm>> -> memref<128x384xi32, #tpu.memory_space<hbm>>
      tpu.wait_dma2 semaphore(%run_scoped3A : memref<!tpu.dma_semaphore, #tpu.memory_space<semaphore_mem>>) src(%arg11 : memref<128x384xi32, #tpu.memory_space<vmem>>) dst(%dma_wait3A_32 : memref<128x384xi32, #tpu.memory_space<hbm>>)
      tpu.yield
    }) : () -> ()
    %dma_start3A_7 = arith.constant 0 : i32
    %dma_start3A_8 = arith.constant 0 : i32
    %dma_start3A_9 = tpu.memref_slice %arg3[%dma_start3A_7, %dma_start3A_8] : memref<10000x128xf32, #tpu.memory_space<hbm>> -> memref<10000x128xf32, #tpu.memory_space<hbm>>
    tpu.enqueue_indirect_dma source(%dma_start3A_9 : memref<10000x128xf32, #tpu.memory_space<hbm>>) target(%arg12 : memref<128x128xf32, #tpu.memory_space<vmem>>) offsets(%arg10 : memref<128xi32, #tpu.memory_space<vmem>>) semaphore(%arg13 : memref<!tpu.dma_semaphore, #tpu.memory_space<semaphore_mem>>)
    %dma_wait3A_10 = arith.constant 0 : i32
    %dma_wait3A_11 = arith.constant 0 : i32
    %dma_wait3A_12 = tpu.memref_slice %arg3[%dma_wait3A_10, %dma_wait3A_11] : memref<10000x128xf32, #tpu.memory_space<hbm>> -> memref<10000x128xf32, #tpu.memory_space<hbm>>
    tpu.wait_indirect_dma semaphore(%arg13 : memref<!tpu.dma_semaphore, #tpu.memory_space<semaphore_mem>>) src(%dma_wait3A_12 : memref<10000x128xf32, #tpu.memory_space<hbm>>) dst(%arg12 : memref<128x128xf32, #tpu.memory_space<vmem>>)
    "tpu.region"() ({
      %run_scoped3A = tpu.sem_alloc : memref<!tpu.dma_semaphore, #tpu.memory_space<semaphore_mem>>
      %dma_start3A_25 = arith.constant 0 : i32
      %dma_start3A_26 = tpu.memref_slice %arg8[%mul3A_2, %dma_start3A_25] : memref<4096x128xf32, #tpu.memory_space<hbm>> -> memref<128x128xf32, #tpu.memory_space<hbm>>
      %dma_start3A_27 = arith.constant 0 : i32
      %dma_start3A_28 = tpu.memref_slice %arg8[%mul3A_2, %dma_start3A_27] : memref<4096x128xf32, #tpu.memory_space<hbm>> -> memref<128x128xf32, #tpu.memory_space<hbm>>
      tpu.enqueue_dma source(%arg12 : memref<128x128xf32, #tpu.memory_space<vmem>>) target(%dma_start3A_28 : memref<128x128xf32, #tpu.memory_space<hbm>>) target_semaphore(%run_scoped3A : memref<!tpu.dma_semaphore, #tpu.memory_space<semaphore_mem>>)
      %dma_wait3A_29 = arith.constant 0 : i32
      %dma_wait3A_30 = tpu.memref_slice %arg8[%mul3A_2, %dma_wait3A_29] : memref<4096x128xf32, #tpu.memory_space<hbm>> -> memref<128x128xf32, #tpu.memory_space<hbm>>
      %dma_wait3A_31 = arith.constant 0 : i32
      %dma_wait3A_32 = tpu.memref_slice %arg8[%mul3A_2, %dma_wait3A_31] : memref<4096x128xf32, #tpu.memory_space<hbm>> -> memref<128x128xf32, #tpu.memory_space<hbm>>
      tpu.wait_dma2 semaphore(%run_scoped3A : memref<!tpu.dma_semaphore, #tpu.memory_space<semaphore_mem>>) src(%arg12 : memref<128x128xf32, #tpu.memory_space<vmem>>) dst(%dma_wait3A_32 : memref<128x128xf32, #tpu.memory_space<hbm>>)
      tpu.yield
    }) : () -> ()
    "tpu.region"() ({
      %run_scoped3A = tpu.sem_alloc : memref<!tpu.dma_semaphore, #tpu.memory_space<semaphore_mem>>
      %dma_start3A_25 = tpu.memref_slice %arg5[%mul3A_2] : memref<4096xi32, #tpu.memory_space<hbm>> -> memref<128xi32, #tpu.memory_space<hbm>>
      %dma_start3A_26 = tpu.memref_slice %arg5[%mul3A_2] : memref<4096xi32, #tpu.memory_space<hbm>> -> memref<128xi32, #tpu.memory_space<hbm>>
      tpu.enqueue_dma source(%dma_start3A_26 : memref<128xi32, #tpu.memory_space<hbm>>) target(%arg10 : memref<128xi32, #tpu.memory_space<vmem>>) target_semaphore(%run_scoped3A : memref<!tpu.dma_semaphore, #tpu.memory_space<semaphore_mem>>)
      %dma_wait3A_27 = tpu.memref_slice %arg5[%mul3A_2] : memref<4096xi32, #tpu.memory_space<hbm>> -> memref<128xi32, #tpu.memory_space<hbm>>
      %dma_wait3A_28 = tpu.memref_slice %arg5[%mul3A_2] : memref<4096xi32, #tpu.memory_space<hbm>> -> memref<128xi32, #tpu.memory_space<hbm>>
      tpu.wait_dma2 semaphore(%run_scoped3A : memref<!tpu.dma_semaphore, #tpu.memory_space<semaphore_mem>>) src(%dma_wait3A_28 : memref<128xi32, #tpu.memory_space<hbm>>) dst(%arg10 : memref<128xi32, #tpu.memory_space<vmem>>)
      tpu.yield
    }) : () -> ()
    %dma_start3A_13 = arith.constant 0 : i32
    %dma_start3A_14 = arith.constant 0 : i32
    %dma_start3A_15 = tpu.memref_slice %arg2[%dma_start3A_13, %dma_start3A_14] : memref<10000x384xi32, #tpu.memory_space<hbm>> -> memref<10000x384xi32, #tpu.memory_space<hbm>>
    tpu.enqueue_indirect_dma source(%dma_start3A_15 : memref<10000x384xi32, #tpu.memory_space<hbm>>) target(%arg11 : memref<128x384xi32, #tpu.memory_space<vmem>>) offsets(%arg10 : memref<128xi32, #tpu.memory_space<vmem>>) semaphore(%arg13 : memref<!tpu.dma_semaphore, #tpu.memory_space<semaphore_mem>>)
    %dma_wait3A_16 = arith.constant 0 : i32
    %dma_wait3A_17 = arith.constant 0 : i32
    %dma_wait3A_18 = tpu.memref_slice %arg2[%dma_wait3A_16, %dma_wait3A_17] : memref<10000x384xi32, #tpu.memory_space<hbm>> -> memref<10000x384xi32, #tpu.memory_space<hbm>>
    tpu.wait_indirect_dma semaphore(%arg13 : memref<!tpu.dma_semaphore, #tpu.memory_space<semaphore_mem>>) src(%dma_wait3A_18 : memref<10000x384xi32, #tpu.memory_space<hbm>>) dst(%arg11 : memref<128x384xi32, #tpu.memory_space<vmem>>)
    "tpu.region"() ({
      %run_scoped3A = tpu.sem_alloc : memref<!tpu.dma_semaphore, #tpu.memory_space<semaphore_mem>>
      %dma_start3A_25 = arith.constant 0 : i32
      %dma_start3A_26 = tpu.memref_slice %arg7[%mul3A_2, %dma_start3A_25] : memref<4096x384xi32, #tpu.memory_space<hbm>> -> memref<128x384xi32, #tpu.memory_space<hbm>>
      %dma_start3A_27 = arith.constant 0 : i32
      %dma_start3A_28 = tpu.memref_slice %arg7[%mul3A_2, %dma_start3A_27] : memref<4096x384xi32, #tpu.memory_space<hbm>> -> memref<128x384xi32, #tpu.memory_space<hbm>>
      tpu.enqueue_dma source(%arg11 : memref<128x384xi32, #tpu.memory_space<vmem>>) target(%dma_start3A_28 : memref<128x384xi32, #tpu.memory_space<hbm>>) target_semaphore(%run_scoped3A : memref<!tpu.dma_semaphore, #tpu.memory_space<semaphore_mem>>)
      %dma_wait3A_29 = arith.constant 0 : i32
      %dma_wait3A_30 = tpu.memref_slice %arg7[%mul3A_2, %dma_wait3A_29] : memref<4096x384xi32, #tpu.memory_space<hbm>> -> memref<128x384xi32, #tpu.memory_space<hbm>>
      %dma_wait3A_31 = arith.constant 0 : i32
      %dma_wait3A_32 = tpu.memref_slice %arg7[%mul3A_2, %dma_wait3A_31] : memref<4096x384xi32, #tpu.memory_space<hbm>> -> memref<128x384xi32, #tpu.memory_space<hbm>>
      tpu.wait_dma2 semaphore(%run_scoped3A : memref<!tpu.dma_semaphore, #tpu.memory_space<semaphore_mem>>) src(%arg11 : memref<128x384xi32, #tpu.memory_space<vmem>>) dst(%dma_wait3A_32 : memref<128x384xi32, #tpu.memory_space<hbm>>)
      tpu.yield
    }) : () -> ()
    %dma_start3A_19 = arith.constant 0 : i32
    %dma_start3A_20 = arith.constant 0 : i32
    %dma_start3A_21 = tpu.memref_slice %arg3[%dma_start3A_19, %dma_start3A_20] : memref<10000x128xf32, #tpu.memory_space<hbm>> -> memref<10000x128xf32, #tpu.memory_space<hbm>>
    tpu.enqueue_indirect_dma source(%dma_start3A_21 : memref<10000x128xf32, #tpu.memory_space<hbm>>) target(%arg12 : memref<128x128xf32, #tpu.memory_space<vmem>>) offsets(%arg10 : memref<128xi32, #tpu.memory_space<vmem>>) semaphore(%arg13 : memref<!tpu.dma_semaphore, #tpu.memory_space<semaphore_mem>>)
    %dma_wait3A_22 = arith.constant 0 : i32
    %dma_wait3A_23 = arith.constant 0 : i32
    %dma_wait3A_24 = tpu.memref_slice %arg3[%dma_wait3A_22, %dma_wait3A_23] : memref<10000x128xf32, #tpu.memory_space<hbm>> -> memref<10000x128xf32, #tpu.memory_space<hbm>>
    tpu.wait_indirect_dma semaphore(%arg13 : memref<!tpu.dma_semaphore, #tpu.memory_space<semaphore_mem>>) src(%dma_wait3A_24 : memref<10000x128xf32, #tpu.memory_space<hbm>>) dst(%arg12 : memref<128x128xf32, #tpu.memory_space<vmem>>)
    "tpu.region"() ({
      %run_scoped3A = tpu.sem_alloc : memref<!tpu.dma_semaphore, #tpu.memory_space<semaphore_mem>>
      %dma_start3A_25 = arith.constant 0 : i32
      %dma_start3A_26 = tpu.memref_slice %arg9[%mul3A_2, %dma_start3A_25] : memref<4096x128xf32, #tpu.memory_space<hbm>> -> memref<128x128xf32, #tpu.memory_space<hbm>>
      %dma_start3A_27 = arith.constant 0 : i32
      %dma_start3A_28 = tpu.memref_slice %arg9[%mul3A_2, %dma_start3A_27] : memref<4096x128xf32, #tpu.memory_space<hbm>> -> memref<128x128xf32, #tpu.memory_space<hbm>>
      tpu.enqueue_dma source(%arg12 : memref<128x128xf32, #tpu.memory_space<vmem>>) target(%dma_start3A_28 : memref<128x128xf32, #tpu.memory_space<hbm>>) target_semaphore(%run_scoped3A : memref<!tpu.dma_semaphore, #tpu.memory_space<semaphore_mem>>)
      %dma_wait3A_29 = arith.constant 0 : i32
      %dma_wait3A_30 = tpu.memref_slice %arg9[%mul3A_2, %dma_wait3A_29] : memref<4096x128xf32, #tpu.memory_space<hbm>> -> memref<128x128xf32, #tpu.memory_space<hbm>>
      %dma_wait3A_31 = arith.constant 0 : i32
      %dma_wait3A_32 = tpu.memref_slice %arg9[%mul3A_2, %dma_wait3A_31] : memref<4096x128xf32, #tpu.memory_space<hbm>> -> memref<128x128xf32, #tpu.memory_space<hbm>>
      tpu.wait_dma2 semaphore(%run_scoped3A : memref<!tpu.dma_semaphore, #tpu.memory_space<semaphore_mem>>) src(%arg12 : memref<128x128xf32, #tpu.memory_space<vmem>>) dst(%dma_wait3A_32 : memref<128x128xf32, #tpu.memory_space<hbm>>)
      tpu.yield
    }) : () -> ()
    return
  }
}

module attributes {stable_mosaic.version = 14 : i64} {
  func.func @_h_body(%arg0: i32, %arg1: memref<512x128xf32, #tpu.memory_space<vmem>>, %arg2: memref<128x128xf32, #tpu.memory_space<vmem>>, %arg3: memref<128xf32, #tpu.memory_space<vmem>>, %arg4: memref<128x128xf32, #tpu.memory_space<vmem>>, %arg5: memref<128xf32, #tpu.memory_space<vmem>>, %arg6: memref<16x32x128xf32, #tpu.memory_space<vmem>>) attributes {dimension_semantics = [#tpu.dimension_semantics<arbitrary>], iteration_bounds = array<i64: 20>, scalar_prefetch = 0 : i64, scratch_operands = 0 : i64, tpu.core_type = #tpu.core_type<tc>, window_params = [{transform_indices = @transform_0, window_bounds = array<i64: 512, 128>}, {pipeline_mode = #tpu.pipeline_mode<synchronous>, transform_indices = @transform_1, window_bounds = array<i64: 128, 128>}, {pipeline_mode = #tpu.pipeline_mode<synchronous>, transform_indices = @transform_2, window_bounds = array<i64: 128>}, {pipeline_mode = #tpu.pipeline_mode<synchronous>, transform_indices = @transform_3, window_bounds = array<i64: 128, 128>}, {pipeline_mode = #tpu.pipeline_mode<synchronous>, transform_indices = @transform_4, window_bounds = array<i64: 128>}, {transform_indices = @transform_5, window_bounds = array<i64: 16, 32, 128>}]} {
    %get3A = arith.constant 0 : index
    %get3A_0 = arith.constant 0 : index
    %get3A_1 = vector.load %arg1[%get3A, %get3A_0] : memref<512x128xf32, #tpu.memory_space<vmem>>, vector<512x128xf32>
    %get3A_2 = arith.constant 0 : index
    %get3A_3 = arith.constant 0 : index
    %get3A_4 = vector.load %arg2[%get3A_2, %get3A_3] : memref<128x128xf32, #tpu.memory_space<vmem>>, vector<128x128xf32>
    %dot_general3A = arith.constant dense<0.000000e+00> : vector<512x128xf32>
    %dot_general3A_5 = tpu.matmul %get3A_1, %get3A_4, %dot_general3A {dimension_numbers = #tpu.dot_dimension_numbers<[1], [0], [0], [1], [0, 0, 1, 1], [], []>, transpose_lhs_hint = false} : vector<512x128xf32>, vector<128x128xf32>, vector<512x128xf32> -> vector<512x128xf32>
    %get3A_6 = arith.constant 0 : index
    %get3A_7 = vector.load %arg3[%get3A_6] : memref<128xf32, #tpu.memory_space<vmem>>, vector<128xf32>
    %broadcast_in_dim3A = vector.shape_cast %get3A_7 : vector<128xf32> to vector<1x128xf32>
    %add3A = vector.broadcast %broadcast_in_dim3A : vector<1x128xf32> to vector<512x128xf32>
    %add3A_8 = arith.addf %dot_general3A_5, %add3A : vector<512x128xf32>
    %max3A = arith.constant 0.000000e+00 : f32
    %max3A_9 = vector.broadcast %max3A : f32 to vector<512x128xf32>
    %max3A_10 = arith.maximumf %add3A_8, %max3A_9 : vector<512x128xf32>
    %get3A_11 = arith.constant 0 : index
    %get3A_12 = arith.constant 0 : index
    %get3A_13 = vector.load %arg4[%get3A_11, %get3A_12] : memref<128x128xf32, #tpu.memory_space<vmem>>, vector<128x128xf32>
    %dot_general3A_14 = arith.constant dense<0.000000e+00> : vector<512x128xf32>
    %dot_general3A_15 = tpu.matmul %max3A_10, %get3A_13, %dot_general3A_14 {dimension_numbers = #tpu.dot_dimension_numbers<[1], [0], [0], [1], [0, 0, 1, 1], [], []>, transpose_lhs_hint = false} : vector<512x128xf32>, vector<128x128xf32>, vector<512x128xf32> -> vector<512x128xf32>
    %get3A_16 = arith.constant 0 : index
    %get3A_17 = vector.load %arg5[%get3A_16] : memref<128xf32, #tpu.memory_space<vmem>>, vector<128xf32>
    %broadcast_in_dim3A_18 = vector.shape_cast %get3A_17 : vector<128xf32> to vector<1x128xf32>
    %add3A_19 = vector.broadcast %broadcast_in_dim3A_18 : vector<1x128xf32> to vector<512x128xf32>
    %add3A_20 = arith.addf %dot_general3A_15, %add3A_19 : vector<512x128xf32>
    %max3A_21 = arith.constant 0.000000e+00 : f32
    %max3A_22 = vector.broadcast %max3A_21 : f32 to vector<512x128xf32>
    %max3A_23 = arith.maximumf %add3A_20, %max3A_22 : vector<512x128xf32>
    %add3A_24 = arith.addf %get3A_1, %max3A_23 : vector<512x128xf32>
    %reshape3A = vector.shape_cast %add3A_24 : vector<512x128xf32> to vector<16x32x128xf32>
    %swap3A = arith.constant 0 : index
    %swap3A_25 = arith.constant 0 : index
    %swap3A_26 = arith.constant 0 : index
    %swap3A_27 = vector.load %arg6[%swap3A, %swap3A_25, %swap3A_26] : memref<16x32x128xf32, #tpu.memory_space<vmem>>, vector<16x32x128xf32>
    tpu.vector_store %arg6[%swap3A, %swap3A_25, %swap3A_26], %reshape3A {strides = array<i32>} : memref<16x32x128xf32, #tpu.memory_space<vmem>>, vector<16x32x128xf32>,
    return
  }
  func.func @transform_0(%arg0: i32) -> (i32, i32) {
    %c0_i32 = arith.constant 0 : i32
    %c0_i32_0 = arith.constant 0 : i32
    return %arg0, %c0_i32 : i32, i32
  }
  func.func @transform_1(%arg0: i32) -> (i32, i32) {
    %c0_i32 = arith.constant 0 : i32
    %c0_i32_0 = arith.constant 0 : i32
    %c0_i32_1 = arith.constant 0 : i32
    return %c0_i32, %c0_i32_0 : i32, i32
  }
  func.func @transform_2(%arg0: i32) -> i32 {
    %c0_i32 = arith.constant 0 : i32
    %c0_i32_0 = arith.constant 0 : i32
    return %c0_i32 : i32
  }
  func.func @transform_3(%arg0: i32) -> (i32, i32) {
    %c0_i32 = arith.constant 0 : i32
    %c0_i32_0 = arith.constant 0 : i32
    %c0_i32_1 = arith.constant 0 : i32
    return %c0_i32, %c0_i32_0 : i32, i32
  }
  func.func @transform_4(%arg0: i32) -> i32 {
    %c0_i32 = arith.constant 0 : i32
    %c0_i32_0 = arith.constant 0 : i32
    return %c0_i32 : i32
  }
  func.func @transform_5(%arg0: i32) -> (i32, i32, i32) {
    %c0_i32 = arith.constant 0 : i32
    %c0_i32_0 = arith.constant 0 : i32
    %c0_i32_1 = arith.constant 0 : i32
    return %arg0, %c0_i32, %c0_i32_0 : i32, i32, i32
  }
}

module attributes {stable_mosaic.version = 14 : i64} {
  func.func @_main_body(%arg0: i32, %arg1: memref<512x384xi32, #tpu.memory_space<vmem>>, %arg2: memref<512x384xi32, #tpu.memory_space<vmem>>, %arg3: memref<512x128xf32, #tpu.memory_space<vmem>>, %arg4: memref<512x128xf32, #tpu.memory_space<vmem>>, %arg5: memref<384x32x128xf32, #tpu.memory_space<vmem>>, %arg6: memref<128x128xf32, #tpu.memory_space<vmem>>, %arg7: memref<128xf32, #tpu.memory_space<vmem>>, %arg8: memref<128x128xf32, #tpu.memory_space<vmem>>, %arg9: memref<128xf32, #tpu.memory_space<vmem>>, %arg10: memref<128x128xf32, #tpu.memory_space<vmem>>, %arg11: memref<128xf32, #tpu.memory_space<vmem>>, %arg12: memref<128x128xf32, #tpu.memory_space<vmem>>, %arg13: memref<128xf32, #tpu.memory_space<vmem>>, %arg14: memref<128x1xf32, #tpu.memory_space<vmem>>, %arg15: memref<1xf32, #tpu.memory_space<vmem>>, %arg16: memref<1xf32, #tpu.memory_space<smem>>, %arg17: memref<512x1xf32, #tpu.memory_space<vmem>>) attributes {dimension_semantics = [#tpu.dimension_semantics<arbitrary>], iteration_bounds = array<i64: 8>, scalar_prefetch = 0 : i64, scratch_operands = 0 : i64, tpu.core_type = #tpu.core_type<tc>, window_params = [{transform_indices = @transform_0, window_bounds = array<i64: 512, 384>}, {transform_indices = @transform_1, window_bounds = array<i64: 512, 384>}, {transform_indices = @transform_2, window_bounds = array<i64: 512, 128>}, {transform_indices = @transform_3, window_bounds = array<i64: 512, 128>}, {pipeline_mode = #tpu.pipeline_mode<synchronous>, transform_indices = @transform_4, window_bounds = array<i64: 384, 32, 128>}, {pipeline_mode = #tpu.pipeline_mode<synchronous>, transform_indices = @transform_5, window_bounds = array<i64: 128, 128>}, {pipeline_mode = #tpu.pipeline_mode<synchronous>, transform_indices = @transform_6, window_bounds = array<i64: 128>}, {pipeline_mode = #tpu.pipeline_mode<synchronous>, transform_indices = @transform_7, window_bounds = array<i64: 128, 128>}, {pipeline_mode = #tpu.pipeline_mode<synchronous>, transform_indices = @transform_8, window_bounds = array<i64: 128>}, {pipeline_mode = #tpu.pipeline_mode<synchronous>, transform_indices = @transform_9, window_bounds = array<i64: 128, 128>}, {pipeline_mode = #tpu.pipeline_mode<synchronous>, transform_indices = @transform_10, window_bounds = array<i64: 128>}, {pipeline_mode = #tpu.pipeline_mode<synchronous>, transform_indices = @transform_11, window_bounds = array<i64: 128, 128>}, {pipeline_mode = #tpu.pipeline_mode<synchronous>, transform_indices = @transform_12, window_bounds = array<i64: 128>}, {pipeline_mode = #tpu.pipeline_mode<synchronous>, transform_indices = @transform_13, window_bounds = array<i64: 128, 1>}, {pipeline_mode = #tpu.pipeline_mode<synchronous>, transform_indices = @transform_14, window_bounds = array<i64: 1>}, {transform_indices = @transform_15, window_bounds = array<i64: 1>}, {transform_indices = @transform_16, window_bounds = array<i64: 512, 1>}]} {
    %broadcast_in_dim3A = arith.constant 0.000000e+00 : f32
    %broadcast_in_dim3A_0 = vector.broadcast %broadcast_in_dim3A : f32 to vector<512x128xf32>
    %get3A = arith.constant 0 : index
    %get3A_1 = arith.constant 0 : index
    %get3A_2 = vector.load %arg1[%get3A, %get3A_1] : memref<512x384xi32, #tpu.memory_space<vmem>>, vector<512x128xi32>
    %get3A_3 = arith.constant 0 : index
    %get3A_4 = arith.constant 0 : index
    %get3A_5 = vector.load %arg2[%get3A_3, %get3A_4] : memref<512x384xi32, #tpu.memory_space<vmem>>, vector<512x128xi32>
    %and3A = arith.andi %get3A_2, %get3A_5 : vector<512x128xi32>
    %shift_right_arithmetic3A = arith.constant 0 : i32
    %shift_right_arithmetic3A_6 = vector.broadcast %shift_right_arithmetic3A : i32 to vector<512x128xi32>
    %shift_right_arithmetic3A_7 = arith.shrsi %and3A, %shift_right_arithmetic3A_6 : vector<512x128xi32>
    %and3A_8 = arith.constant 1 : i32
    %and3A_9 = vector.broadcast %and3A_8 : i32 to vector<512x128xi32>
    %and3A_10 = arith.andi %shift_right_arithmetic3A_7, %and3A_9 : vector<512x128xi32>
    %convert_element_type3A = arith.sitofp %and3A_10 : vector<512x128xi32> to vector<512x128xf32>
    %get3A_11 = arith.constant 0 : index
    %get3A_12 = arith.constant 0 : index
    %get3A_13 = arith.constant 0 : index
    %get3A_14 = vector.load %arg5[%get3A_11, %get3A_12, %get3A_13] : memref<384x32x128xf32, #tpu.memory_space<vmem>>, vector<128x1x128xf32>
    %get3A_15 = vector.shape_cast %get3A_14 : vector<128x1x128xf32> to vector<128x128xf32>
    %dot_general3A = arith.constant dense<0.000000e+00> : vector<512x128xf32>
    %dot_general3A_16 = tpu.matmul %convert_element_type3A, %get3A_15, %dot_general3A {dimension_numbers = #tpu.dot_dimension_numbers<[1], [0], [0], [1], [0, 0, 1, 1], [], []>, transpose_lhs_hint = false} : vector<512x128xf32>, vector<128x128xf32>, vector<512x128xf32> -> vector<512x128xf32>
    %add3A = arith.addf %broadcast_in_dim3A_0, %dot_general3A_16 : vector<512x128xf32>
    %shift_right_arithmetic3A_17 = arith.constant 1 : i32
    %shift_right_arithmetic3A_18 = vector.broadcast %shift_right_arithmetic3A_17 : i32 to vector<512x128xi32>
    %shift_right_arithmetic3A_19 = arith.shrsi %and3A, %shift_right_arithmetic3A_18 : vector<512x128xi32>
    %and3A_20 = arith.constant 1 : i32
    %and3A_21 = vector.broadcast %and3A_20 : i32 to vector<512x128xi32>
    %and3A_22 = arith.andi %shift_right_arithmetic3A_19, %and3A_21 : vector<512x128xi32>
    %convert_element_type3A_23 = arith.sitofp %and3A_22 : vector<512x128xi32> to vector<512x128xf32>
    %get3A_24 = arith.constant 0 : index
    %get3A_25 = arith.constant 1 : index
    %get3A_26 = arith.constant 0 : index
    %get3A_27 = vector.load %arg5[%get3A_24, %get3A_25, %get3A_26] : memref<384x32x128xf32, #tpu.memory_space<vmem>>, vector<128x1x128xf32>
    %get3A_28 = vector.shape_cast %get3A_27 : vector<128x1x128xf32> to vector<128x128xf32>
    %dot_general3A_29 = arith.constant dense<0.000000e+00> : vector<512x128xf32>
    %dot_general3A_30 = tpu.matmul %convert_element_type3A_23, %get3A_28, %dot_general3A_29 {dimension_numbers = #tpu.dot_dimension_numbers<[1], [0], [0], [1], [0, 0, 1, 1], [], []>, transpose_lhs_hint = false} : vector<512x128xf32>, vector<128x128xf32>, vector<512x128xf32> -> vector<512x128xf32>
    %add3A_31 = arith.addf %add3A, %dot_general3A_30 : vector<512x128xf32>
    %shift_right_arithmetic3A_32 = arith.constant 2 : i32
    %shift_right_arithmetic3A_33 = vector.broadcast %shift_right_arithmetic3A_32 : i32 to vector<512x128xi32>
    %shift_right_arithmetic3A_34 = arith.shrsi %and3A, %shift_right_arithmetic3A_33 : vector<512x128xi32>
    %and3A_35 = arith.constant 1 : i32
    %and3A_36 = vector.broadcast %and3A_35 : i32 to vector<512x128xi32>
    %and3A_37 = arith.andi %shift_right_arithmetic3A_34, %and3A_36 : vector<512x128xi32>
    %convert_element_type3A_38 = arith.sitofp %and3A_37 : vector<512x128xi32> to vector<512x128xf32>
    %get3A_39 = arith.constant 0 : index
    %get3A_40 = arith.constant 2 : index
    %get3A_41 = arith.constant 0 : index
    %get3A_42 = vector.load %arg5[%get3A_39, %get3A_40, %get3A_41] : memref<384x32x128xf32, #tpu.memory_space<vmem>>, vector<128x1x128xf32>
    %get3A_43 = vector.shape_cast %get3A_42 : vector<128x1x128xf32> to vector<128x128xf32>
    %dot_general3A_44 = arith.constant dense<0.000000e+00> : vector<512x128xf32>
    %dot_general3A_45 = tpu.matmul %convert_element_type3A_38, %get3A_43, %dot_general3A_44 {dimension_numbers = #tpu.dot_dimension_numbers<[1], [0], [0], [1], [0, 0, 1, 1], [], []>, transpose_lhs_hint = false} : vector<512x128xf32>, vector<128x128xf32>, vector<512x128xf32> -> vector<512x128xf32>
    %add3A_46 = arith.addf %add3A_31, %dot_general3A_45 : vector<512x128xf32>
    %shift_right_arithmetic3A_47 = arith.constant 3 : i32
    %shift_right_arithmetic3A_48 = vector.broadcast %shift_right_arithmetic3A_47 : i32 to vector<512x128xi32>
    %shift_right_arithmetic3A_49 = arith.shrsi %and3A, %shift_right_arithmetic3A_48 : vector<512x128xi32>
    %and3A_50 = arith.constant 1 : i32
    %and3A_51 = vector.broadcast %and3A_50 : i32 to vector<512x128xi32>
    %and3A_52 = arith.andi %shift_right_arithmetic3A_49, %and3A_51 : vector<512x128xi32>
    %convert_element_type3A_53 = arith.sitofp %and3A_52 : vector<512x128xi32> to vector<512x128xf32>
    %get3A_54 = arith.constant 0 : index
    %get3A_55 = arith.constant 3 : index
    %get3A_56 = arith.constant 0 : index
    %get3A_57 = vector.load %arg5[%get3A_54, %get3A_55, %get3A_56] : memref<384x32x128xf32, #tpu.memory_space<vmem>>, vector<128x1x128xf32>
    %get3A_58 = vector.shape_cast %get3A_57 : vector<128x1x128xf32> to vector<128x128xf32>
    %dot_general3A_59 = arith.constant dense<0.000000e+00> : vector<512x128xf32>
    %dot_general3A_60 = tpu.matmul %convert_element_type3A_53, %get3A_58, %dot_general3A_59 {dimension_numbers = #tpu.dot_dimension_numbers<[1], [0], [0], [1], [0, 0, 1, 1], [], []>, transpose_lhs_hint = false} : vector<512x128xf32>, vector<128x128xf32>, vector<512x128xf32> -> vector<512x128xf32>
    %add3A_61 = arith.addf %add3A_46, %dot_general3A_60 : vector<512x128xf32>
    %shift_right_arithmetic3A_62 = arith.constant 4 : i32
    %shift_right_arithmetic3A_63 = vector.broadcast %shift_right_arithmetic3A_62 : i32 to vector<512x128xi32>
    %shift_right_arithmetic3A_64 = arith.shrsi %and3A, %shift_right_arithmetic3A_63 : vector<512x128xi32>
    %and3A_65 = arith.constant 1 : i32
    %and3A_66 = vector.broadcast %and3A_65 : i32 to vector<512x128xi32>
    %and3A_67 = arith.andi %shift_right_arithmetic3A_64, %and3A_66 : vector<512x128xi32>
    %convert_element_type3A_68 = arith.sitofp %and3A_67 : vector<512x128xi32> to vector<512x128xf32>
    %get3A_69 = arith.constant 0 : index
    %get3A_70 = arith.constant 4 : index
    %get3A_71 = arith.constant 0 : index
    %get3A_72 = vector.load %arg5[%get3A_69, %get3A_70, %get3A_71] : memref<384x32x128xf32, #tpu.memory_space<vmem>>, vector<128x1x128xf32>
    %get3A_73 = vector.shape_cast %get3A_72 : vector<128x1x128xf32> to vector<128x128xf32>
    %dot_general3A_74 = arith.constant dense<0.000000e+00> : vector<512x128xf32>
    %dot_general3A_75 = tpu.matmul %convert_element_type3A_68, %get3A_73, %dot_general3A_74 {dimension_numbers = #tpu.dot_dimension_numbers<[1], [0], [0], [1], [0, 0, 1, 1], [], []>, transpose_lhs_hint = false} : vector<512x128xf32>, vector<128x128xf32>, vector<512x128xf32> -> vector<512x128xf32>
    %add3A_76 = arith.addf %add3A_61, %dot_general3A_75 : vector<512x128xf32>
    %shift_right_arithmetic3A_77 = arith.constant 5 : i32
    %shift_right_arithmetic3A_78 = vector.broadcast %shift_right_arithmetic3A_77 : i32 to vector<512x128xi32>
    %shift_right_arithmetic3A_79 = arith.shrsi %and3A, %shift_right_arithmetic3A_78 : vector<512x128xi32>
    %and3A_80 = arith.constant 1 : i32
    %and3A_81 = vector.broadcast %and3A_80 : i32 to vector<512x128xi32>
    %and3A_82 = arith.andi %shift_right_arithmetic3A_79, %and3A_81 : vector<512x128xi32>
    %convert_element_type3A_83 = arith.sitofp %and3A_82 : vector<512x128xi32> to vector<512x128xf32>
    %get3A_84 = arith.constant 0 : index
    %get3A_85 = arith.constant 5 : index
    %get3A_86 = arith.constant 0 : index
    %get3A_87 = vector.load %arg5[%get3A_84, %get3A_85, %get3A_86] : memref<384x32x128xf32, #tpu.memory_space<vmem>>, vector<128x1x128xf32>
    %get3A_88 = vector.shape_cast %get3A_87 : vector<128x1x128xf32> to vector<128x128xf32>
    %dot_general3A_89 = arith.constant dense<0.000000e+00> : vector<512x128xf32>
    %dot_general3A_90 = tpu.matmul %convert_element_type3A_83, %get3A_88, %dot_general3A_89 {dimension_numbers = #tpu.dot_dimension_numbers<[1], [0], [0], [1], [0, 0, 1, 1], [], []>, transpose_lhs_hint = false} : vector<512x128xf32>, vector<128x128xf32>, vector<512x128xf32> -> vector<512x128xf32>
    %add3A_91 = arith.addf %add3A_76, %dot_general3A_90 : vector<512x128xf32>
    %shift_right_arithmetic3A_92 = arith.constant 6 : i32
    %shift_right_arithmetic3A_93 = vector.broadcast %shift_right_arithmetic3A_92 : i32 to vector<512x128xi32>
    %shift_right_arithmetic3A_94 = arith.shrsi %and3A, %shift_right_arithmetic3A_93 : vector<512x128xi32>
    %and3A_95 = arith.constant 1 : i32
    %and3A_96 = vector.broadcast %and3A_95 : i32 to vector<512x128xi32>
    %and3A_97 = arith.andi %shift_right_arithmetic3A_94, %and3A_96 : vector<512x128xi32>
    %convert_element_type3A_98 = arith.sitofp %and3A_97 : vector<512x128xi32> to vector<512x128xf32>
    %get3A_99 = arith.constant 0 : index
    %get3A_100 = arith.constant 6 : index
    %get3A_101 = arith.constant 0 : index
    %get3A_102 = vector.load %arg5[%get3A_99, %get3A_100, %get3A_101] : memref<384x32x128xf32, #tpu.memory_space<vmem>>, vector<128x1x128xf32>
    %get3A_103 = vector.shape_cast %get3A_102 : vector<128x1x128xf32> to vector<128x128xf32>
    %dot_general3A_104 = arith.constant dense<0.000000e+00> : vector<512x128xf32>
    %dot_general3A_105 = tpu.matmul %convert_element_type3A_98, %get3A_103, %dot_general3A_104 {dimension_numbers = #tpu.dot_dimension_numbers<[1], [0], [0], [1], [0, 0, 1, 1], [], []>, transpose_lhs_hint = false} : vector<512x128xf32>, vector<128x128xf32>, vector<512x128xf32> -> vector<512x128xf32>
    %add3A_106 = arith.addf %add3A_91, %dot_general3A_105 : vector<512x128xf32>
    %shift_right_arithmetic3A_107 = arith.constant 7 : i32
    %shift_right_arithmetic3A_108 = vector.broadcast %shift_right_arithmetic3A_107 : i32 to vector<512x128xi32>
    %shift_right_arithmetic3A_109 = arith.shrsi %and3A, %shift_right_arithmetic3A_108 : vector<512x128xi32>
    %and3A_110 = arith.constant 1 : i32
    %and3A_111 = vector.broadcast %and3A_110 : i32 to vector<512x128xi32>
    %and3A_112 = arith.andi %shift_right_arithmetic3A_109, %and3A_111 : vector<512x128xi32>
    %convert_element_type3A_113 = arith.sitofp %and3A_112 : vector<512x128xi32> to vector<512x128xf32>
    %get3A_114 = arith.constant 0 : index
    %get3A_115 = arith.constant 7 : index
    %get3A_116 = arith.constant 0 : index
    %get3A_117 = vector.load %arg5[%get3A_114, %get3A_115, %get3A_116] : memref<384x32x128xf32, #tpu.memory_space<vmem>>, vector<128x1x128xf32>
    %get3A_118 = vector.shape_cast %get3A_117 : vector<128x1x128xf32> to vector<128x128xf32>
    %dot_general3A_119 = arith.constant dense<0.000000e+00> : vector<512x128xf32>
    %dot_general3A_120 = tpu.matmul %convert_element_type3A_113, %get3A_118, %dot_general3A_119 {dimension_numbers = #tpu.dot_dimension_numbers<[1], [0], [0], [1], [0, 0, 1, 1], [], []>, transpose_lhs_hint = false} : vector<512x128xf32>, vector<128x128xf32>, vector<512x128xf32> -> vector<512x128xf32>
    %add3A_121 = arith.addf %add3A_106, %dot_general3A_120 : vector<512x128xf32>
    %shift_right_arithmetic3A_122 = arith.constant 8 : i32
    %shift_right_arithmetic3A_123 = vector.broadcast %shift_right_arithmetic3A_122 : i32 to vector<512x128xi32>
    %shift_right_arithmetic3A_124 = arith.shrsi %and3A, %shift_right_arithmetic3A_123 : vector<512x128xi32>
    %and3A_125 = arith.constant 1 : i32
    %and3A_126 = vector.broadcast %and3A_125 : i32 to vector<512x128xi32>
    %and3A_127 = arith.andi %shift_right_arithmetic3A_124, %and3A_126 : vector<512x128xi32>
    %convert_element_type3A_128 = arith.sitofp %and3A_127 : vector<512x128xi32> to vector<512x128xf32>
    %get3A_129 = arith.constant 0 : index
    %get3A_130 = arith.constant 8 : index
    %get3A_131 = arith.constant 0 : index
    %get3A_132 = vector.load %arg5[%get3A_129, %get3A_130, %get3A_131] : memref<384x32x128xf32, #tpu.memory_space<vmem>>, vector<128x1x128xf32>
    %get3A_133 = vector.shape_cast %get3A_132 : vector<128x1x128xf32> to vector<128x128xf32>
    %dot_general3A_134 = arith.constant dense<0.000000e+00> : vector<512x128xf32>
    %dot_general3A_135 = tpu.matmul %convert_element_type3A_128, %get3A_133, %dot_general3A_134 {dimension_numbers = #tpu.dot_dimension_numbers<[1], [0], [0], [1], [0, 0, 1, 1], [], []>, transpose_lhs_hint = false} : vector<512x128xf32>, vector<128x128xf32>, vector<512x128xf32> -> vector<512x128xf32>
    %add3A_136 = arith.addf %add3A_121, %dot_general3A_135 : vector<512x128xf32>
    %shift_right_arithmetic3A_137 = arith.constant 9 : i32
    %shift_right_arithmetic3A_138 = vector.broadcast %shift_right_arithmetic3A_137 : i32 to vector<512x128xi32>
    %shift_right_arithmetic3A_139 = arith.shrsi %and3A, %shift_right_arithmetic3A_138 : vector<512x128xi32>
    %and3A_140 = arith.constant 1 : i32
    %and3A_141 = vector.broadcast %and3A_140 : i32 to vector<512x128xi32>
    %and3A_142 = arith.andi %shift_right_arithmetic3A_139, %and3A_141 : vector<512x128xi32>
    %convert_element_type3A_143 = arith.sitofp %and3A_142 : vector<512x128xi32> to vector<512x128xf32>
    %get3A_144 = arith.constant 0 : index
    %get3A_145 = arith.constant 9 : index
    %get3A_146 = arith.constant 0 : index
    %get3A_147 = vector.load %arg5[%get3A_144, %get3A_145, %get3A_146] : memref<384x32x128xf32, #tpu.memory_space<vmem>>, vector<128x1x128xf32>
    %get3A_148 = vector.shape_cast %get3A_147 : vector<128x1x128xf32> to vector<128x128xf32>
    %dot_general3A_149 = arith.constant dense<0.000000e+00> : vector<512x128xf32>
    %dot_general3A_150 = tpu.matmul %convert_element_type3A_143, %get3A_148, %dot_general3A_149 {dimension_numbers = #tpu.dot_dimension_numbers<[1], [0], [0], [1], [0, 0, 1, 1], [], []>, transpose_lhs_hint = false} : vector<512x128xf32>, vector<128x128xf32>, vector<512x128xf32> -> vector<512x128xf32>
    %add3A_151 = arith.addf %add3A_136, %dot_general3A_150 : vector<512x128xf32>
    %shift_right_arithmetic3A_152 = arith.constant 10 : i32
    %shift_right_arithmetic3A_153 = vector.broadcast %shift_right_arithmetic3A_152 : i32 to vector<512x128xi32>
    %shift_right_arithmetic3A_154 = arith.shrsi %and3A, %shift_right_arithmetic3A_153 : vector<512x128xi32>
    %and3A_155 = arith.constant 1 : i32
    %and3A_156 = vector.broadcast %and3A_155 : i32 to vector<512x128xi32>
    %and3A_157 = arith.andi %shift_right_arithmetic3A_154, %and3A_156 : vector<512x128xi32>
    %convert_element_type3A_158 = arith.sitofp %and3A_157 : vector<512x128xi32> to vector<512x128xf32>
    %get3A_159 = arith.constant 0 : index
    %get3A_160 = arith.constant 10 : index
    %get3A_161 = arith.constant 0 : index
    %get3A_162 = vector.load %arg5[%get3A_159, %get3A_160, %get3A_161] : memref<384x32x128xf32, #tpu.memory_space<vmem>>, vector<128x1x128xf32>
    %get3A_163 = vector.shape_cast %get3A_162 : vector<128x1x128xf32> to vector<128x128xf32>
    %dot_general3A_164 = arith.constant dense<0.000000e+00> : vector<512x128xf32>
    %dot_general3A_165 = tpu.matmul %convert_element_type3A_158, %get3A_163, %dot_general3A_164 {dimension_numbers = #tpu.dot_dimension_numbers<[1], [0], [0], [1], [0, 0, 1, 1], [], []>, transpose_lhs_hint = false} : vector<512x128xf32>, vector<128x128xf32>, vector<512x128xf32> -> vector<512x128xf32>
    %add3A_166 = arith.addf %add3A_151, %dot_general3A_165 : vector<512x128xf32>
    %shift_right_arithmetic3A_167 = arith.constant 11 : i32
    %shift_right_arithmetic3A_168 = vector.broadcast %shift_right_arithmetic3A_167 : i32 to vector<512x128xi32>
    %shift_right_arithmetic3A_169 = arith.shrsi %and3A, %shift_right_arithmetic3A_168 : vector<512x128xi32>
    %and3A_170 = arith.constant 1 : i32
    %and3A_171 = vector.broadcast %and3A_170 : i32 to vector<512x128xi32>
    %and3A_172 = arith.andi %shift_right_arithmetic3A_169, %and3A_171 : vector<512x128xi32>
    %convert_element_type3A_173 = arith.sitofp %and3A_172 : vector<512x128xi32> to vector<512x128xf32>
    %get3A_174 = arith.constant 0 : index
    %get3A_175 = arith.constant 11 : index
    %get3A_176 = arith.constant 0 : index
    %get3A_177 = vector.load %arg5[%get3A_174, %get3A_175, %get3A_176] : memref<384x32x128xf32, #tpu.memory_space<vmem>>, vector<128x1x128xf32>
    %get3A_178 = vector.shape_cast %get3A_177 : vector<128x1x128xf32> to vector<128x128xf32>
    %dot_general3A_179 = arith.constant dense<0.000000e+00> : vector<512x128xf32>
    %dot_general3A_180 = tpu.matmul %convert_element_type3A_173, %get3A_178, %dot_general3A_179 {dimension_numbers = #tpu.dot_dimension_numbers<[1], [0], [0], [1], [0, 0, 1, 1], [], []>, transpose_lhs_hint = false} : vector<512x128xf32>, vector<128x128xf32>, vector<512x128xf32> -> vector<512x128xf32>
    %add3A_181 = arith.addf %add3A_166, %dot_general3A_180 : vector<512x128xf32>
    %shift_right_arithmetic3A_182 = arith.constant 12 : i32
    %shift_right_arithmetic3A_183 = vector.broadcast %shift_right_arithmetic3A_182 : i32 to vector<512x128xi32>
    %shift_right_arithmetic3A_184 = arith.shrsi %and3A, %shift_right_arithmetic3A_183 : vector<512x128xi32>
    %and3A_185 = arith.constant 1 : i32
    %and3A_186 = vector.broadcast %and3A_185 : i32 to vector<512x128xi32>
    %and3A_187 = arith.andi %shift_right_arithmetic3A_184, %and3A_186 : vector<512x128xi32>
    %convert_element_type3A_188 = arith.sitofp %and3A_187 : vector<512x128xi32> to vector<512x128xf32>
    %get3A_189 = arith.constant 0 : index
    %get3A_190 = arith.constant 12 : index
    %get3A_191 = arith.constant 0 : index
    %get3A_192 = vector.load %arg5[%get3A_189, %get3A_190, %get3A_191] : memref<384x32x128xf32, #tpu.memory_space<vmem>>, vector<128x1x128xf32>
    %get3A_193 = vector.shape_cast %get3A_192 : vector<128x1x128xf32> to vector<128x128xf32>
    %dot_general3A_194 = arith.constant dense<0.000000e+00> : vector<512x128xf32>
    %dot_general3A_195 = tpu.matmul %convert_element_type3A_188, %get3A_193, %dot_general3A_194 {dimension_numbers = #tpu.dot_dimension_numbers<[1], [0], [0], [1], [0, 0, 1, 1], [], []>, transpose_lhs_hint = false} : vector<512x128xf32>, vector<128x128xf32>, vector<512x128xf32> -> vector<512x128xf32>
    %add3A_196 = arith.addf %add3A_181, %dot_general3A_195 : vector<512x128xf32>
    %shift_right_arithmetic3A_197 = arith.constant 13 : i32
    %shift_right_arithmetic3A_198 = vector.broadcast %shift_right_arithmetic3A_197 : i32 to vector<512x128xi32>
    %shift_right_arithmetic3A_199 = arith.shrsi %and3A, %shift_right_arithmetic3A_198 : vector<512x128xi32>
    %and3A_200 = arith.constant 1 : i32
    %and3A_201 = vector.broadcast %and3A_200 : i32 to vector<512x128xi32>
    %and3A_202 = arith.andi %shift_right_arithmetic3A_199, %and3A_201 : vector<512x128xi32>
    %convert_element_type3A_203 = arith.sitofp %and3A_202 : vector<512x128xi32> to vector<512x128xf32>
    %get3A_204 = arith.constant 0 : index
    %get3A_205 = arith.constant 13 : index
    %get3A_206 = arith.constant 0 : index
    %get3A_207 = vector.load %arg5[%get3A_204, %get3A_205, %get3A_206] : memref<384x32x128xf32, #tpu.memory_space<vmem>>, vector<128x1x128xf32>
    %get3A_208 = vector.shape_cast %get3A_207 : vector<128x1x128xf32> to vector<128x128xf32>
    %dot_general3A_209 = arith.constant dense<0.000000e+00> : vector<512x128xf32>
    %dot_general3A_210 = tpu.matmul %convert_element_type3A_203, %get3A_208, %dot_general3A_209 {dimension_numbers = #tpu.dot_dimension_numbers<[1], [0], [0], [1], [0, 0, 1, 1], [], []>, transpose_lhs_hint = false} : vector<512x128xf32>, vector<128x128xf32>, vector<512x128xf32> -> vector<512x128xf32>
    %add3A_211 = arith.addf %add3A_196, %dot_general3A_210 : vector<512x128xf32>
    %shift_right_arithmetic3A_212 = arith.constant 14 : i32
    %shift_right_arithmetic3A_213 = vector.broadcast %shift_right_arithmetic3A_212 : i32 to vector<512x128xi32>
    %shift_right_arithmetic3A_214 = arith.shrsi %and3A, %shift_right_arithmetic3A_213 : vector<512x128xi32>
    %and3A_215 = arith.constant 1 : i32
    %and3A_216 = vector.broadcast %and3A_215 : i32 to vector<512x128xi32>
    %and3A_217 = arith.andi %shift_right_arithmetic3A_214, %and3A_216 : vector<512x128xi32>
    %convert_element_type3A_218 = arith.sitofp %and3A_217 : vector<512x128xi32> to vector<512x128xf32>
    %get3A_219 = arith.constant 0 : index
    %get3A_220 = arith.constant 14 : index
    %get3A_221 = arith.constant 0 : index
    %get3A_222 = vector.load %arg5[%get3A_219, %get3A_220, %get3A_221] : memref<384x32x128xf32, #tpu.memory_space<vmem>>, vector<128x1x128xf32>
    %get3A_223 = vector.shape_cast %get3A_222 : vector<128x1x128xf32> to vector<128x128xf32>
    %dot_general3A_224 = arith.constant dense<0.000000e+00> : vector<512x128xf32>
    %dot_general3A_225 = tpu.matmul %convert_element_type3A_218, %get3A_223, %dot_general3A_224 {dimension_numbers = #tpu.dot_dimension_numbers<[1], [0], [0], [1], [0, 0, 1, 1], [], []>, transpose_lhs_hint = false} : vector<512x128xf32>, vector<128x128xf32>, vector<512x128xf32> -> vector<512x128xf32>
    %add3A_226 = arith.addf %add3A_211, %dot_general3A_225 : vector<512x128xf32>
    %shift_right_arithmetic3A_227 = arith.constant 15 : i32
    %shift_right_arithmetic3A_228 = vector.broadcast %shift_right_arithmetic3A_227 : i32 to vector<512x128xi32>
    %shift_right_arithmetic3A_229 = arith.shrsi %and3A, %shift_right_arithmetic3A_228 : vector<512x128xi32>
    %and3A_230 = arith.constant 1 : i32
    %and3A_231 = vector.broadcast %and3A_230 : i32 to vector<512x128xi32>
    %and3A_232 = arith.andi %shift_right_arithmetic3A_229, %and3A_231 : vector<512x128xi32>
    %convert_element_type3A_233 = arith.sitofp %and3A_232 : vector<512x128xi32> to vector<512x128xf32>
    %get3A_234 = arith.constant 0 : index
    %get3A_235 = arith.constant 15 : index
    %get3A_236 = arith.constant 0 : index
    %get3A_237 = vector.load %arg5[%get3A_234, %get3A_235, %get3A_236] : memref<384x32x128xf32, #tpu.memory_space<vmem>>, vector<128x1x128xf32>
    %get3A_238 = vector.shape_cast %get3A_237 : vector<128x1x128xf32> to vector<128x128xf32>
    %dot_general3A_239 = arith.constant dense<0.000000e+00> : vector<512x128xf32>
    %dot_general3A_240 = tpu.matmul %convert_element_type3A_233, %get3A_238, %dot_general3A_239 {dimension_numbers = #tpu.dot_dimension_numbers<[1], [0], [0], [1], [0, 0, 1, 1], [], []>, transpose_lhs_hint = false} : vector<512x128xf32>, vector<128x128xf32>, vector<512x128xf32> -> vector<512x128xf32>
    %add3A_241 = arith.addf %add3A_226, %dot_general3A_240 : vector<512x128xf32>
    %shift_right_arithmetic3A_242 = arith.constant 16 : i32
    %shift_right_arithmetic3A_243 = vector.broadcast %shift_right_arithmetic3A_242 : i32 to vector<512x128xi32>
    %shift_right_arithmetic3A_244 = arith.shrsi %and3A, %shift_right_arithmetic3A_243 : vector<512x128xi32>
    %and3A_245 = arith.constant 1 : i32
    %and3A_246 = vector.broadcast %and3A_245 : i32 to vector<512x128xi32>
    %and3A_247 = arith.andi %shift_right_arithmetic3A_244, %and3A_246 : vector<512x128xi32>
    %convert_element_type3A_248 = arith.sitofp %and3A_247 : vector<512x128xi32> to vector<512x128xf32>
    %get3A_249 = arith.constant 0 : index
    %get3A_250 = arith.constant 16 : index
    %get3A_251 = arith.constant 0 : index
    %get3A_252 = vector.load %arg5[%get3A_249, %get3A_250, %get3A_251] : memref<384x32x128xf32, #tpu.memory_space<vmem>>, vector<128x1x128xf32>
    %get3A_253 = vector.shape_cast %get3A_252 : vector<128x1x128xf32> to vector<128x128xf32>
    %dot_general3A_254 = arith.constant dense<0.000000e+00> : vector<512x128xf32>
    %dot_general3A_255 = tpu.matmul %convert_element_type3A_248, %get3A_253, %dot_general3A_254 {dimension_numbers = #tpu.dot_dimension_numbers<[1], [0], [0], [1], [0, 0, 1, 1], [], []>, transpose_lhs_hint = false} : vector<512x128xf32>, vector<128x128xf32>, vector<512x128xf32> -> vector<512x128xf32>
    %add3A_256 = arith.addf %add3A_241, %dot_general3A_255 : vector<512x128xf32>
    %shift_right_arithmetic3A_257 = arith.constant 17 : i32
    %shift_right_arithmetic3A_258 = vector.broadcast %shift_right_arithmetic3A_257 : i32 to vector<512x128xi32>
    %shift_right_arithmetic3A_259 = arith.shrsi %and3A, %shift_right_arithmetic3A_258 : vector<512x128xi32>
    %and3A_260 = arith.constant 1 : i32
    %and3A_261 = vector.broadcast %and3A_260 : i32 to vector<512x128xi32>
    %and3A_262 = arith.andi %shift_right_arithmetic3A_259, %and3A_261 : vector<512x128xi32>
    %convert_element_type3A_263 = arith.sitofp %and3A_262 : vector<512x128xi32> to vector<512x128xf32>
    %get3A_264 = arith.constant 0 : index
    %get3A_265 = arith.constant 17 : index
    %get3A_266 = arith.constant 0 : index
    %get3A_267 = vector.load %arg5[%get3A_264, %get3A_265, %get3A_266] : memref<384x32x128xf32, #tpu.memory_space<vmem>>, vector<128x1x128xf32>
    %get3A_268 = vector.shape_cast %get3A_267 : vector<128x1x128xf32> to vector<128x128xf32>
    %dot_general3A_269 = arith.constant dense<0.000000e+00> : vector<512x128xf32>
    %dot_general3A_270 = tpu.matmul %convert_element_type3A_263, %get3A_268, %dot_general3A_269 {dimension_numbers = #tpu.dot_dimension_numbers<[1], [0], [0], [1], [0, 0, 1, 1], [], []>, transpose_lhs_hint = false} : vector<512x128xf32>, vector<128x128xf32>, vector<512x128xf32> -> vector<512x128xf32>
    %add3A_271 = arith.addf %add3A_256, %dot_general3A_270 : vector<512x128xf32>
    %shift_right_arithmetic3A_272 = arith.constant 18 : i32
    %shift_right_arithmetic3A_273 = vector.broadcast %shift_right_arithmetic3A_272 : i32 to vector<512x128xi32>
    %shift_right_arithmetic3A_274 = arith.shrsi %and3A, %shift_right_arithmetic3A_273 : vector<512x128xi32>
    %and3A_275 = arith.constant 1 : i32
    %and3A_276 = vector.broadcast %and3A_275 : i32 to vector<512x128xi32>
    %and3A_277 = arith.andi %shift_right_arithmetic3A_274, %and3A_276 : vector<512x128xi32>
    %convert_element_type3A_278 = arith.sitofp %and3A_277 : vector<512x128xi32> to vector<512x128xf32>
    %get3A_279 = arith.constant 0 : index
    %get3A_280 = arith.constant 18 : index
    %get3A_281 = arith.constant 0 : index
    %get3A_282 = vector.load %arg5[%get3A_279, %get3A_280, %get3A_281] : memref<384x32x128xf32, #tpu.memory_space<vmem>>, vector<128x1x128xf32>
    %get3A_283 = vector.shape_cast %get3A_282 : vector<128x1x128xf32> to vector<128x128xf32>
    %dot_general3A_284 = arith.constant dense<0.000000e+00> : vector<512x128xf32>
    %dot_general3A_285 = tpu.matmul %convert_element_type3A_278, %get3A_283, %dot_general3A_284 {dimension_numbers = #tpu.dot_dimension_numbers<[1], [0], [0], [1], [0, 0, 1, 1], [], []>, transpose_lhs_hint = false} : vector<512x128xf32>, vector<128x128xf32>, vector<512x128xf32> -> vector<512x128xf32>
    %add3A_286 = arith.addf %add3A_271, %dot_general3A_285 : vector<512x128xf32>
    %shift_right_arithmetic3A_287 = arith.constant 19 : i32
    %shift_right_arithmetic3A_288 = vector.broadcast %shift_right_arithmetic3A_287 : i32 to vector<512x128xi32>
    %shift_right_arithmetic3A_289 = arith.shrsi %and3A, %shift_right_arithmetic3A_288 : vector<512x128xi32>
    %and3A_290 = arith.constant 1 : i32
    %and3A_291 = vector.broadcast %and3A_290 : i32 to vector<512x128xi32>
    %and3A_292 = arith.andi %shift_right_arithmetic3A_289, %and3A_291 : vector<512x128xi32>
    %convert_element_type3A_293 = arith.sitofp %and3A_292 : vector<512x128xi32> to vector<512x128xf32>
    %get3A_294 = arith.constant 0 : index
    %get3A_295 = arith.constant 19 : index
    %get3A_296 = arith.constant 0 : index
    %get3A_297 = vector.load %arg5[%get3A_294, %get3A_295, %get3A_296] : memref<384x32x128xf32, #tpu.memory_space<vmem>>, vector<128x1x128xf32>
    %get3A_298 = vector.shape_cast %get3A_297 : vector<128x1x128xf32> to vector<128x128xf32>
    %dot_general3A_299 = arith.constant dense<0.000000e+00> : vector<512x128xf32>
    %dot_general3A_300 = tpu.matmul %convert_element_type3A_293, %get3A_298, %dot_general3A_299 {dimension_numbers = #tpu.dot_dimension_numbers<[1], [0], [0], [1], [0, 0, 1, 1], [], []>, transpose_lhs_hint = false} : vector<512x128xf32>, vector<128x128xf32>, vector<512x128xf32> -> vector<512x128xf32>
    %add3A_301 = arith.addf %add3A_286, %dot_general3A_300 : vector<512x128xf32>
    %shift_right_arithmetic3A_302 = arith.constant 20 : i32
    %shift_right_arithmetic3A_303 = vector.broadcast %shift_right_arithmetic3A_302 : i32 to vector<512x128xi32>
    %shift_right_arithmetic3A_304 = arith.shrsi %and3A, %shift_right_arithmetic3A_303 : vector<512x128xi32>
    %and3A_305 = arith.constant 1 : i32
    %and3A_306 = vector.broadcast %and3A_305 : i32 to vector<512x128xi32>
    %and3A_307 = arith.andi %shift_right_arithmetic3A_304, %and3A_306 : vector<512x128xi32>
    %convert_element_type3A_308 = arith.sitofp %and3A_307 : vector<512x128xi32> to vector<512x128xf32>
    %get3A_309 = arith.constant 0 : index
    %get3A_310 = arith.constant 20 : index
    %get3A_311 = arith.constant 0 : index
    %get3A_312 = vector.load %arg5[%get3A_309, %get3A_310, %get3A_311] : memref<384x32x128xf32, #tpu.memory_space<vmem>>, vector<128x1x128xf32>
    %get3A_313 = vector.shape_cast %get3A_312 : vector<128x1x128xf32> to vector<128x128xf32>
    %dot_general3A_314 = arith.constant dense<0.000000e+00> : vector<512x128xf32>
    %dot_general3A_315 = tpu.matmul %convert_element_type3A_308, %get3A_313, %dot_general3A_314 {dimension_numbers = #tpu.dot_dimension_numbers<[1], [0], [0], [1], [0, 0, 1, 1], [], []>, transpose_lhs_hint = false} : vector<512x128xf32>, vector<128x128xf32>, vector<512x128xf32> -> vector<512x128xf32>
    %add3A_316 = arith.addf %add3A_301, %dot_general3A_315 : vector<512x128xf32>
    %shift_right_arithmetic3A_317 = arith.constant 21 : i32
    %shift_right_arithmetic3A_318 = vector.broadcast %shift_right_arithmetic3A_317 : i32 to vector<512x128xi32>
    %shift_right_arithmetic3A_319 = arith.shrsi %and3A, %shift_right_arithmetic3A_318 : vector<512x128xi32>
    %and3A_320 = arith.constant 1 : i32
    %and3A_321 = vector.broadcast %and3A_320 : i32 to vector<512x128xi32>
    %and3A_322 = arith.andi %shift_right_arithmetic3A_319, %and3A_321 : vector<512x128xi32>
    %convert_element_type3A_323 = arith.sitofp %and3A_322 : vector<512x128xi32> to vector<512x128xf32>
    %get3A_324 = arith.constant 0 : index
    %get3A_325 = arith.constant 21 : index
    %get3A_326 = arith.constant 0 : index
    %get3A_327 = vector.load %arg5[%get3A_324, %get3A_325, %get3A_326] : memref<384x32x128xf32, #tpu.memory_space<vmem>>, vector<128x1x128xf32>
    %get3A_328 = vector.shape_cast %get3A_327 : vector<128x1x128xf32> to vector<128x128xf32>
    %dot_general3A_329 = arith.constant dense<0.000000e+00> : vector<512x128xf32>
    %dot_general3A_330 = tpu.matmul %convert_element_type3A_323, %get3A_328, %dot_general3A_329 {dimension_numbers = #tpu.dot_dimension_numbers<[1], [0], [0], [1], [0, 0, 1, 1], [], []>, transpose_lhs_hint = false} : vector<512x128xf32>, vector<128x128xf32>, vector<512x128xf32> -> vector<512x128xf32>
    %add3A_331 = arith.addf %add3A_316, %dot_general3A_330 : vector<512x128xf32>
    %shift_right_arithmetic3A_332 = arith.constant 22 : i32
    %shift_right_arithmetic3A_333 = vector.broadcast %shift_right_arithmetic3A_332 : i32 to vector<512x128xi32>
    %shift_right_arithmetic3A_334 = arith.shrsi %and3A, %shift_right_arithmetic3A_333 : vector<512x128xi32>
    %and3A_335 = arith.constant 1 : i32
    %and3A_336 = vector.broadcast %and3A_335 : i32 to vector<512x128xi32>
    %and3A_337 = arith.andi %shift_right_arithmetic3A_334, %and3A_336 : vector<512x128xi32>
    %convert_element_type3A_338 = arith.sitofp %and3A_337 : vector<512x128xi32> to vector<512x128xf32>
    %get3A_339 = arith.constant 0 : index
    %get3A_340 = arith.constant 22 : index
    %get3A_341 = arith.constant 0 : index
    %get3A_342 = vector.load %arg5[%get3A_339, %get3A_340, %get3A_341] : memref<384x32x128xf32, #tpu.memory_space<vmem>>, vector<128x1x128xf32>
    %get3A_343 = vector.shape_cast %get3A_342 : vector<128x1x128xf32> to vector<128x128xf32>
    %dot_general3A_344 = arith.constant dense<0.000000e+00> : vector<512x128xf32>
    %dot_general3A_345 = tpu.matmul %convert_element_type3A_338, %get3A_343, %dot_general3A_344 {dimension_numbers = #tpu.dot_dimension_numbers<[1], [0], [0], [1], [0, 0, 1, 1], [], []>, transpose_lhs_hint = false} : vector<512x128xf32>, vector<128x128xf32>, vector<512x128xf32> -> vector<512x128xf32>
    %add3A_346 = arith.addf %add3A_331, %dot_general3A_345 : vector<512x128xf32>
    %shift_right_arithmetic3A_347 = arith.constant 23 : i32
    %shift_right_arithmetic3A_348 = vector.broadcast %shift_right_arithmetic3A_347 : i32 to vector<512x128xi32>
    %shift_right_arithmetic3A_349 = arith.shrsi %and3A, %shift_right_arithmetic3A_348 : vector<512x128xi32>
    %and3A_350 = arith.constant 1 : i32
    %and3A_351 = vector.broadcast %and3A_350 : i32 to vector<512x128xi32>
    %and3A_352 = arith.andi %shift_right_arithmetic3A_349, %and3A_351 : vector<512x128xi32>
    %convert_element_type3A_353 = arith.sitofp %and3A_352 : vector<512x128xi32> to vector<512x128xf32>
    %get3A_354 = arith.constant 0 : index
    %get3A_355 = arith.constant 23 : index
    %get3A_356 = arith.constant 0 : index
    %get3A_357 = vector.load %arg5[%get3A_354, %get3A_355, %get3A_356] : memref<384x32x128xf32, #tpu.memory_space<vmem>>, vector<128x1x128xf32>
    %get3A_358 = vector.shape_cast %get3A_357 : vector<128x1x128xf32> to vector<128x128xf32>
    %dot_general3A_359 = arith.constant dense<0.000000e+00> : vector<512x128xf32>
    %dot_general3A_360 = tpu.matmul %convert_element_type3A_353, %get3A_358, %dot_general3A_359 {dimension_numbers = #tpu.dot_dimension_numbers<[1], [0], [0], [1], [0, 0, 1, 1], [], []>, transpose_lhs_hint = false} : vector<512x128xf32>, vector<128x128xf32>, vector<512x128xf32> -> vector<512x128xf32>
    %add3A_361 = arith.addf %add3A_346, %dot_general3A_360 : vector<512x128xf32>
    %shift_right_arithmetic3A_362 = arith.constant 24 : i32
    %shift_right_arithmetic3A_363 = vector.broadcast %shift_right_arithmetic3A_362 : i32 to vector<512x128xi32>
    %shift_right_arithmetic3A_364 = arith.shrsi %and3A, %shift_right_arithmetic3A_363 : vector<512x128xi32>
    %and3A_365 = arith.constant 1 : i32
    %and3A_366 = vector.broadcast %and3A_365 : i32 to vector<512x128xi32>
    %and3A_367 = arith.andi %shift_right_arithmetic3A_364, %and3A_366 : vector<512x128xi32>
    %convert_element_type3A_368 = arith.sitofp %and3A_367 : vector<512x128xi32> to vector<512x128xf32>
    %get3A_369 = arith.constant 0 : index
    %get3A_370 = arith.constant 24 : index
    %get3A_371 = arith.constant 0 : index
    %get3A_372 = vector.load %arg5[%get3A_369, %get3A_370, %get3A_371] : memref<384x32x128xf32, #tpu.memory_space<vmem>>, vector<128x1x128xf32>
    %get3A_373 = vector.shape_cast %get3A_372 : vector<128x1x128xf32> to vector<128x128xf32>
    %dot_general3A_374 = arith.constant dense<0.000000e+00> : vector<512x128xf32>
    %dot_general3A_375 = tpu.matmul %convert_element_type3A_368, %get3A_373, %dot_general3A_374 {dimension_numbers = #tpu.dot_dimension_numbers<[1], [0], [0], [1], [0, 0, 1, 1], [], []>, transpose_lhs_hint = false} : vector<512x128xf32>, vector<128x128xf32>, vector<512x128xf32> -> vector<512x128xf32>
    %add3A_376 = arith.addf %add3A_361, %dot_general3A_375 : vector<512x128xf32>
    %shift_right_arithmetic3A_377 = arith.constant 25 : i32
    %shift_right_arithmetic3A_378 = vector.broadcast %shift_right_arithmetic3A_377 : i32 to vector<512x128xi32>
    %shift_right_arithmetic3A_379 = arith.shrsi %and3A, %shift_right_arithmetic3A_378 : vector<512x128xi32>
    %and3A_380 = arith.constant 1 : i32
    %and3A_381 = vector.broadcast %and3A_380 : i32 to vector<512x128xi32>
    %and3A_382 = arith.andi %shift_right_arithmetic3A_379, %and3A_381 : vector<512x128xi32>
    %convert_element_type3A_383 = arith.sitofp %and3A_382 : vector<512x128xi32> to vector<512x128xf32>
    %get3A_384 = arith.constant 0 : index
    %get3A_385 = arith.constant 25 : index
    %get3A_386 = arith.constant 0 : index
    %get3A_387 = vector.load %arg5[%get3A_384, %get3A_385, %get3A_386] : memref<384x32x128xf32, #tpu.memory_space<vmem>>, vector<128x1x128xf32>
    %get3A_388 = vector.shape_cast %get3A_387 : vector<128x1x128xf32> to vector<128x128xf32>
    %dot_general3A_389 = arith.constant dense<0.000000e+00> : vector<512x128xf32>
    %dot_general3A_390 = tpu.matmul %convert_element_type3A_383, %get3A_388, %dot_general3A_389 {dimension_numbers = #tpu.dot_dimension_numbers<[1], [0], [0], [1], [0, 0, 1, 1], [], []>, transpose_lhs_hint = false} : vector<512x128xf32>, vector<128x128xf32>, vector<512x128xf32> -> vector<512x128xf32>
    %add3A_391 = arith.addf %add3A_376, %dot_general3A_390 : vector<512x128xf32>
    %shift_right_arithmetic3A_392 = arith.constant 26 : i32
    %shift_right_arithmetic3A_393 = vector.broadcast %shift_right_arithmetic3A_392 : i32 to vector<512x128xi32>
    %shift_right_arithmetic3A_394 = arith.shrsi %and3A, %shift_right_arithmetic3A_393 : vector<512x128xi32>
    %and3A_395 = arith.constant 1 : i32
    %and3A_396 = vector.broadcast %and3A_395 : i32 to vector<512x128xi32>
    %and3A_397 = arith.andi %shift_right_arithmetic3A_394, %and3A_396 : vector<512x128xi32>
    %convert_element_type3A_398 = arith.sitofp %and3A_397 : vector<512x128xi32> to vector<512x128xf32>
    %get3A_399 = arith.constant 0 : index
    %get3A_400 = arith.constant 26 : index
    %get3A_401 = arith.constant 0 : index
    %get3A_402 = vector.load %arg5[%get3A_399, %get3A_400, %get3A_401] : memref<384x32x128xf32, #tpu.memory_space<vmem>>, vector<128x1x128xf32>
    %get3A_403 = vector.shape_cast %get3A_402 : vector<128x1x128xf32> to vector<128x128xf32>
    %dot_general3A_404 = arith.constant dense<0.000000e+00> : vector<512x128xf32>
    %dot_general3A_405 = tpu.matmul %convert_element_type3A_398, %get3A_403, %dot_general3A_404 {dimension_numbers = #tpu.dot_dimension_numbers<[1], [0], [0], [1], [0, 0, 1, 1], [], []>, transpose_lhs_hint = false} : vector<512x128xf32>, vector<128x128xf32>, vector<512x128xf32> -> vector<512x128xf32>
    %add3A_406 = arith.addf %add3A_391, %dot_general3A_405 : vector<512x128xf32>
    %shift_right_arithmetic3A_407 = arith.constant 27 : i32
    %shift_right_arithmetic3A_408 = vector.broadcast %shift_right_arithmetic3A_407 : i32 to vector<512x128xi32>
    %shift_right_arithmetic3A_409 = arith.shrsi %and3A, %shift_right_arithmetic3A_408 : vector<512x128xi32>
    %and3A_410 = arith.constant 1 : i32
    %and3A_411 = vector.broadcast %and3A_410 : i32 to vector<512x128xi32>
    %and3A_412 = arith.andi %shift_right_arithmetic3A_409, %and3A_411 : vector<512x128xi32>
    %convert_element_type3A_413 = arith.sitofp %and3A_412 : vector<512x128xi32> to vector<512x128xf32>
    %get3A_414 = arith.constant 0 : index
    %get3A_415 = arith.constant 27 : index
    %get3A_416 = arith.constant 0 : index
    %get3A_417 = vector.load %arg5[%get3A_414, %get3A_415, %get3A_416] : memref<384x32x128xf32, #tpu.memory_space<vmem>>, vector<128x1x128xf32>
    %get3A_418 = vector.shape_cast %get3A_417 : vector<128x1x128xf32> to vector<128x128xf32>
    %dot_general3A_419 = arith.constant dense<0.000000e+00> : vector<512x128xf32>
    %dot_general3A_420 = tpu.matmul %convert_element_type3A_413, %get3A_418, %dot_general3A_419 {dimension_numbers = #tpu.dot_dimension_numbers<[1], [0], [0], [1], [0, 0, 1, 1], [], []>, transpose_lhs_hint = false} : vector<512x128xf32>, vector<128x128xf32>, vector<512x128xf32> -> vector<512x128xf32>
    %add3A_421 = arith.addf %add3A_406, %dot_general3A_420 : vector<512x128xf32>
    %shift_right_arithmetic3A_422 = arith.constant 28 : i32
    %shift_right_arithmetic3A_423 = vector.broadcast %shift_right_arithmetic3A_422 : i32 to vector<512x128xi32>
    %shift_right_arithmetic3A_424 = arith.shrsi %and3A, %shift_right_arithmetic3A_423 : vector<512x128xi32>
    %and3A_425 = arith.constant 1 : i32
    %and3A_426 = vector.broadcast %and3A_425 : i32 to vector<512x128xi32>
    %and3A_427 = arith.andi %shift_right_arithmetic3A_424, %and3A_426 : vector<512x128xi32>
    %convert_element_type3A_428 = arith.sitofp %and3A_427 : vector<512x128xi32> to vector<512x128xf32>
    %get3A_429 = arith.constant 0 : index
    %get3A_430 = arith.constant 28 : index
    %get3A_431 = arith.constant 0 : index
    %get3A_432 = vector.load %arg5[%get3A_429, %get3A_430, %get3A_431] : memref<384x32x128xf32, #tpu.memory_space<vmem>>, vector<128x1x128xf32>
    %get3A_433 = vector.shape_cast %get3A_432 : vector<128x1x128xf32> to vector<128x128xf32>
    %dot_general3A_434 = arith.constant dense<0.000000e+00> : vector<512x128xf32>
    %dot_general3A_435 = tpu.matmul %convert_element_type3A_428, %get3A_433, %dot_general3A_434 {dimension_numbers = #tpu.dot_dimension_numbers<[1], [0], [0], [1], [0, 0, 1, 1], [], []>, transpose_lhs_hint = false} : vector<512x128xf32>, vector<128x128xf32>, vector<512x128xf32> -> vector<512x128xf32>
    %add3A_436 = arith.addf %add3A_421, %dot_general3A_435 : vector<512x128xf32>
    %shift_right_arithmetic3A_437 = arith.constant 29 : i32
    %shift_right_arithmetic3A_438 = vector.broadcast %shift_right_arithmetic3A_437 : i32 to vector<512x128xi32>
    %shift_right_arithmetic3A_439 = arith.shrsi %and3A, %shift_right_arithmetic3A_438 : vector<512x128xi32>
    %and3A_440 = arith.constant 1 : i32
    %and3A_441 = vector.broadcast %and3A_440 : i32 to vector<512x128xi32>
    %and3A_442 = arith.andi %shift_right_arithmetic3A_439, %and3A_441 : vector<512x128xi32>
    %convert_element_type3A_443 = arith.sitofp %and3A_442 : vector<512x128xi32> to vector<512x128xf32>
    %get3A_444 = arith.constant 0 : index
    %get3A_445 = arith.constant 29 : index
    %get3A_446 = arith.constant 0 : index
    %get3A_447 = vector.load %arg5[%get3A_444, %get3A_445, %get3A_446] : memref<384x32x128xf32, #tpu.memory_space<vmem>>, vector<128x1x128xf32>
    %get3A_448 = vector.shape_cast %get3A_447 : vector<128x1x128xf32> to vector<128x128xf32>
    %dot_general3A_449 = arith.constant dense<0.000000e+00> : vector<512x128xf32>
    %dot_general3A_450 = tpu.matmul %convert_element_type3A_443, %get3A_448, %dot_general3A_449 {dimension_numbers = #tpu.dot_dimension_numbers<[1], [0], [0], [1], [0, 0, 1, 1], [], []>, transpose_lhs_hint = false} : vector<512x128xf32>, vector<128x128xf32>, vector<512x128xf32> -> vector<512x128xf32>
    %add3A_451 = arith.addf %add3A_436, %dot_general3A_450 : vector<512x128xf32>
    %shift_right_arithmetic3A_452 = arith.constant 30 : i32
    %shift_right_arithmetic3A_453 = vector.broadcast %shift_right_arithmetic3A_452 : i32 to vector<512x128xi32>
    %shift_right_arithmetic3A_454 = arith.shrsi %and3A, %shift_right_arithmetic3A_453 : vector<512x128xi32>
    %and3A_455 = arith.constant 1 : i32
    %and3A_456 = vector.broadcast %and3A_455 : i32 to vector<512x128xi32>
    %and3A_457 = arith.andi %shift_right_arithmetic3A_454, %and3A_456 : vector<512x128xi32>
    %convert_element_type3A_458 = arith.sitofp %and3A_457 : vector<512x128xi32> to vector<512x128xf32>
    %get3A_459 = arith.constant 0 : index
    %get3A_460 = arith.constant 30 : index
    %get3A_461 = arith.constant 0 : index
    %get3A_462 = vector.load %arg5[%get3A_459, %get3A_460, %get3A_461] : memref<384x32x128xf32, #tpu.memory_space<vmem>>, vector<128x1x128xf32>
    %get3A_463 = vector.shape_cast %get3A_462 : vector<128x1x128xf32> to vector<128x128xf32>
    %dot_general3A_464 = arith.constant dense<0.000000e+00> : vector<512x128xf32>
    %dot_general3A_465 = tpu.matmul %convert_element_type3A_458, %get3A_463, %dot_general3A_464 {dimension_numbers = #tpu.dot_dimension_numbers<[1], [0], [0], [1], [0, 0, 1, 1], [], []>, transpose_lhs_hint = false} : vector<512x128xf32>, vector<128x128xf32>, vector<512x128xf32> -> vector<512x128xf32>
    %add3A_466 = arith.addf %add3A_451, %dot_general3A_465 : vector<512x128xf32>
    %shift_right_arithmetic3A_467 = arith.constant 31 : i32
    %shift_right_arithmetic3A_468 = vector.broadcast %shift_right_arithmetic3A_467 : i32 to vector<512x128xi32>
    %shift_right_arithmetic3A_469 = arith.shrsi %and3A, %shift_right_arithmetic3A_468 : vector<512x128xi32>
    %and3A_470 = arith.constant 1 : i32
    %and3A_471 = vector.broadcast %and3A_470 : i32 to vector<512x128xi32>
    %and3A_472 = arith.andi %shift_right_arithmetic3A_469, %and3A_471 : vector<512x128xi32>
    %convert_element_type3A_473 = arith.sitofp %and3A_472 : vector<512x128xi32> to vector<512x128xf32>
    %get3A_474 = arith.constant 0 : index
    %get3A_475 = arith.constant 31 : index
    %get3A_476 = arith.constant 0 : index
    %get3A_477 = vector.load %arg5[%get3A_474, %get3A_475, %get3A_476] : memref<384x32x128xf32, #tpu.memory_space<vmem>>, vector<128x1x128xf32>
    %get3A_478 = vector.shape_cast %get3A_477 : vector<128x1x128xf32> to vector<128x128xf32>
    %dot_general3A_479 = arith.constant dense<0.000000e+00> : vector<512x128xf32>
    %dot_general3A_480 = tpu.matmul %convert_element_type3A_473, %get3A_478, %dot_general3A_479 {dimension_numbers = #tpu.dot_dimension_numbers<[1], [0], [0], [1], [0, 0, 1, 1], [], []>, transpose_lhs_hint = false} : vector<512x128xf32>, vector<128x128xf32>, vector<512x128xf32> -> vector<512x128xf32>
    %add3A_481 = arith.addf %add3A_466, %dot_general3A_480 : vector<512x128xf32>
    %get3A_482 = arith.constant 0 : index
    %get3A_483 = arith.constant 128 : index
    %get3A_484 = vector.load %arg1[%get3A_482, %get3A_483] : memref<512x384xi32, #tpu.memory_space<vmem>>, vector<512x128xi32>
    %get3A_485 = arith.constant 0 : index
    %get3A_486 = arith.constant 128 : index
    %get3A_487 = vector.load %arg2[%get3A_485, %get3A_486] : memref<512x384xi32, #tpu.memory_space<vmem>>, vector<512x128xi32>
    %and3A_488 = arith.andi %get3A_484, %get3A_487 : vector<512x128xi32>
    %shift_right_arithmetic3A_489 = arith.constant 0 : i32
    %shift_right_arithmetic3A_490 = vector.broadcast %shift_right_arithmetic3A_489 : i32 to vector<512x128xi32>
    %shift_right_arithmetic3A_491 = arith.shrsi %and3A_488, %shift_right_arithmetic3A_490 : vector<512x128xi32>
    %and3A_492 = arith.constant 1 : i32
    %and3A_493 = vector.broadcast %and3A_492 : i32 to vector<512x128xi32>
    %and3A_494 = arith.andi %shift_right_arithmetic3A_491, %and3A_493 : vector<512x128xi32>
    %convert_element_type3A_495 = arith.sitofp %and3A_494 : vector<512x128xi32> to vector<512x128xf32>
    %get3A_496 = arith.constant 128 : index
    %get3A_497 = arith.constant 0 : index
    %get3A_498 = arith.constant 0 : index
    %get3A_499 = vector.load %arg5[%get3A_496, %get3A_497, %get3A_498] : memref<384x32x128xf32, #tpu.memory_space<vmem>>, vector<128x1x128xf32>
    %get3A_500 = vector.shape_cast %get3A_499 : vector<128x1x128xf32> to vector<128x128xf32>
    %dot_general3A_501 = arith.constant dense<0.000000e+00> : vector<512x128xf32>
    %dot_general3A_502 = tpu.matmul %convert_element_type3A_495, %get3A_500, %dot_general3A_501 {dimension_numbers = #tpu.dot_dimension_numbers<[1], [0], [0], [1], [0, 0, 1, 1], [], []>, transpose_lhs_hint = false} : vector<512x128xf32>, vector<128x128xf32>, vector<512x128xf32> -> vector<512x128xf32>
    %add3A_503 = arith.addf %add3A_481, %dot_general3A_502 : vector<512x128xf32>
    %shift_right_arithmetic3A_504 = arith.constant 1 : i32
    %shift_right_arithmetic3A_505 = vector.broadcast %shift_right_arithmetic3A_504 : i32 to vector<512x128xi32>
    %shift_right_arithmetic3A_506 = arith.shrsi %and3A_488, %shift_right_arithmetic3A_505 : vector<512x128xi32>
    %and3A_507 = arith.constant 1 : i32
    %and3A_508 = vector.broadcast %and3A_507 : i32 to vector<512x128xi32>
    %and3A_509 = arith.andi %shift_right_arithmetic3A_506, %and3A_508 : vector<512x128xi32>
    %convert_element_type3A_510 = arith.sitofp %and3A_509 : vector<512x128xi32> to vector<512x128xf32>
    %get3A_511 = arith.constant 128 : index
    %get3A_512 = arith.constant 1 : index
    %get3A_513 = arith.constant 0 : index
    %get3A_514 = vector.load %arg5[%get3A_511, %get3A_512, %get3A_513] : memref<384x32x128xf32, #tpu.memory_space<vmem>>, vector<128x1x128xf32>
    %get3A_515 = vector.shape_cast %get3A_514 : vector<128x1x128xf32> to vector<128x128xf32>
    %dot_general3A_516 = arith.constant dense<0.000000e+00> : vector<512x128xf32>
    %dot_general3A_517 = tpu.matmul %convert_element_type3A_510, %get3A_515, %dot_general3A_516 {dimension_numbers = #tpu.dot_dimension_numbers<[1], [0], [0], [1], [0, 0, 1, 1], [], []>, transpose_lhs_hint = false} : vector<512x128xf32>, vector<128x128xf32>, vector<512x128xf32> -> vector<512x128xf32>
    %add3A_518 = arith.addf %add3A_503, %dot_general3A_517 : vector<512x128xf32>
    %shift_right_arithmetic3A_519 = arith.constant 2 : i32
    %shift_right_arithmetic3A_520 = vector.broadcast %shift_right_arithmetic3A_519 : i32 to vector<512x128xi32>
    %shift_right_arithmetic3A_521 = arith.shrsi %and3A_488, %shift_right_arithmetic3A_520 : vector<512x128xi32>
    %and3A_522 = arith.constant 1 : i32
    %and3A_523 = vector.broadcast %and3A_522 : i32 to vector<512x128xi32>
    %and3A_524 = arith.andi %shift_right_arithmetic3A_521, %and3A_523 : vector<512x128xi32>
    %convert_element_type3A_525 = arith.sitofp %and3A_524 : vector<512x128xi32> to vector<512x128xf32>
    %get3A_526 = arith.constant 128 : index
    %get3A_527 = arith.constant 2 : index
    %get3A_528 = arith.constant 0 : index
    %get3A_529 = vector.load %arg5[%get3A_526, %get3A_527, %get3A_528] : memref<384x32x128xf32, #tpu.memory_space<vmem>>, vector<128x1x128xf32>
    %get3A_530 = vector.shape_cast %get3A_529 : vector<128x1x128xf32> to vector<128x128xf32>
    %dot_general3A_531 = arith.constant dense<0.000000e+00> : vector<512x128xf32>
    %dot_general3A_532 = tpu.matmul %convert_element_type3A_525, %get3A_530, %dot_general3A_531 {dimension_numbers = #tpu.dot_dimension_numbers<[1], [0], [0], [1], [0, 0, 1, 1], [], []>, transpose_lhs_hint = false} : vector<512x128xf32>, vector<128x128xf32>, vector<512x128xf32> -> vector<512x128xf32>
    %add3A_533 = arith.addf %add3A_518, %dot_general3A_532 : vector<512x128xf32>
    %shift_right_arithmetic3A_534 = arith.constant 3 : i32
    %shift_right_arithmetic3A_535 = vector.broadcast %shift_right_arithmetic3A_534 : i32 to vector<512x128xi32>
    %shift_right_arithmetic3A_536 = arith.shrsi %and3A_488, %shift_right_arithmetic3A_535 : vector<512x128xi32>
    %and3A_537 = arith.constant 1 : i32
    %and3A_538 = vector.broadcast %and3A_537 : i32 to vector<512x128xi32>
    %and3A_539 = arith.andi %shift_right_arithmetic3A_536, %and3A_538 : vector<512x128xi32>
    %convert_element_type3A_540 = arith.sitofp %and3A_539 : vector<512x128xi32> to vector<512x128xf32>
    %get3A_541 = arith.constant 128 : index
    %get3A_542 = arith.constant 3 : index
    %get3A_543 = arith.constant 0 : index
    %get3A_544 = vector.load %arg5[%get3A_541, %get3A_542, %get3A_543] : memref<384x32x128xf32, #tpu.memory_space<vmem>>, vector<128x1x128xf32>
    %get3A_545 = vector.shape_cast %get3A_544 : vector<128x1x128xf32> to vector<128x128xf32>
    %dot_general3A_546 = arith.constant dense<0.000000e+00> : vector<512x128xf32>
    %dot_general3A_547 = tpu.matmul %convert_element_type3A_540, %get3A_545, %dot_general3A_546 {dimension_numbers = #tpu.dot_dimension_numbers<[1], [0], [0], [1], [0, 0, 1, 1], [], []>, transpose_lhs_hint = false} : vector<512x128xf32>, vector<128x128xf32>, vector<512x128xf32> -> vector<512x128xf32>
    %add3A_548 = arith.addf %add3A_533, %dot_general3A_547 : vector<512x128xf32>
    %shift_right_arithmetic3A_549 = arith.constant 4 : i32
    %shift_right_arithmetic3A_550 = vector.broadcast %shift_right_arithmetic3A_549 : i32 to vector<512x128xi32>
    %shift_right_arithmetic3A_551 = arith.shrsi %and3A_488, %shift_right_arithmetic3A_550 : vector<512x128xi32>
    %and3A_552 = arith.constant 1 : i32
    %and3A_553 = vector.broadcast %and3A_552 : i32 to vector<512x128xi32>
    %and3A_554 = arith.andi %shift_right_arithmetic3A_551, %and3A_553 : vector<512x128xi32>
    %convert_element_type3A_555 = arith.sitofp %and3A_554 : vector<512x128xi32> to vector<512x128xf32>
    %get3A_556 = arith.constant 128 : index
    %get3A_557 = arith.constant 4 : index
    %get3A_558 = arith.constant 0 : index
    %get3A_559 = vector.load %arg5[%get3A_556, %get3A_557, %get3A_558] : memref<384x32x128xf32, #tpu.memory_space<vmem>>, vector<128x1x128xf32>
    %get3A_560 = vector.shape_cast %get3A_559 : vector<128x1x128xf32> to vector<128x128xf32>
    %dot_general3A_561 = arith.constant dense<0.000000e+00> : vector<512x128xf32>
    %dot_general3A_562 = tpu.matmul %convert_element_type3A_555, %get3A_560, %dot_general3A_561 {dimension_numbers = #tpu.dot_dimension_numbers<[1], [0], [0], [1], [0, 0, 1, 1], [], []>, transpose_lhs_hint = false} : vector<512x128xf32>, vector<128x128xf32>, vector<512x128xf32> -> vector<512x128xf32>
    %add3A_563 = arith.addf %add3A_548, %dot_general3A_562 : vector<512x128xf32>
    %shift_right_arithmetic3A_564 = arith.constant 5 : i32
    %shift_right_arithmetic3A_565 = vector.broadcast %shift_right_arithmetic3A_564 : i32 to vector<512x128xi32>
    %shift_right_arithmetic3A_566 = arith.shrsi %and3A_488, %shift_right_arithmetic3A_565 : vector<512x128xi32>
    %and3A_567 = arith.constant 1 : i32
    %and3A_568 = vector.broadcast %and3A_567 : i32 to vector<512x128xi32>
    %and3A_569 = arith.andi %shift_right_arithmetic3A_566, %and3A_568 : vector<512x128xi32>
    %convert_element_type3A_570 = arith.sitofp %and3A_569 : vector<512x128xi32> to vector<512x128xf32>
    %get3A_571 = arith.constant 128 : index
    %get3A_572 = arith.constant 5 : index
    %get3A_573 = arith.constant 0 : index
    %get3A_574 = vector.load %arg5[%get3A_571, %get3A_572, %get3A_573] : memref<384x32x128xf32, #tpu.memory_space<vmem>>, vector<128x1x128xf32>
    %get3A_575 = vector.shape_cast %get3A_574 : vector<128x1x128xf32> to vector<128x128xf32>
    %dot_general3A_576 = arith.constant dense<0.000000e+00> : vector<512x128xf32>
    %dot_general3A_577 = tpu.matmul %convert_element_type3A_570, %get3A_575, %dot_general3A_576 {dimension_numbers = #tpu.dot_dimension_numbers<[1], [0], [0], [1], [0, 0, 1, 1], [], []>, transpose_lhs_hint = false} : vector<512x128xf32>, vector<128x128xf32>, vector<512x128xf32> -> vector<512x128xf32>
    %add3A_578 = arith.addf %add3A_563, %dot_general3A_577 : vector<512x128xf32>
    %shift_right_arithmetic3A_579 = arith.constant 6 : i32
    %shift_right_arithmetic3A_580 = vector.broadcast %shift_right_arithmetic3A_579 : i32 to vector<512x128xi32>
    %shift_right_arithmetic3A_581 = arith.shrsi %and3A_488, %shift_right_arithmetic3A_580 : vector<512x128xi32>
    %and3A_582 = arith.constant 1 : i32
    %and3A_583 = vector.broadcast %and3A_582 : i32 to vector<512x128xi32>
    %and3A_584 = arith.andi %shift_right_arithmetic3A_581, %and3A_583 : vector<512x128xi32>
    %convert_element_type3A_585 = arith.sitofp %and3A_584 : vector<512x128xi32> to vector<512x128xf32>
    %get3A_586 = arith.constant 128 : index
    %get3A_587 = arith.constant 6 : index
    %get3A_588 = arith.constant 0 : index
    %get3A_589 = vector.load %arg5[%get3A_586, %get3A_587, %get3A_588] : memref<384x32x128xf32, #tpu.memory_space<vmem>>, vector<128x1x128xf32>
    %get3A_590 = vector.shape_cast %get3A_589 : vector<128x1x128xf32> to vector<128x128xf32>
    %dot_general3A_591 = arith.constant dense<0.000000e+00> : vector<512x128xf32>
    %dot_general3A_592 = tpu.matmul %convert_element_type3A_585, %get3A_590, %dot_general3A_591 {dimension_numbers = #tpu.dot_dimension_numbers<[1], [0], [0], [1], [0, 0, 1, 1], [], []>, transpose_lhs_hint = false} : vector<512x128xf32>, vector<128x128xf32>, vector<512x128xf32> -> vector<512x128xf32>
    %add3A_593 = arith.addf %add3A_578, %dot_general3A_592 : vector<512x128xf32>
    %shift_right_arithmetic3A_594 = arith.constant 7 : i32
    %shift_right_arithmetic3A_595 = vector.broadcast %shift_right_arithmetic3A_594 : i32 to vector<512x128xi32>
    %shift_right_arithmetic3A_596 = arith.shrsi %and3A_488, %shift_right_arithmetic3A_595 : vector<512x128xi32>
    %and3A_597 = arith.constant 1 : i32
    %and3A_598 = vector.broadcast %and3A_597 : i32 to vector<512x128xi32>
    %and3A_599 = arith.andi %shift_right_arithmetic3A_596, %and3A_598 : vector<512x128xi32>
    %convert_element_type3A_600 = arith.sitofp %and3A_599 : vector<512x128xi32> to vector<512x128xf32>
    %get3A_601 = arith.constant 128 : index
    %get3A_602 = arith.constant 7 : index
    %get3A_603 = arith.constant 0 : index
    %get3A_604 = vector.load %arg5[%get3A_601, %get3A_602, %get3A_603] : memref<384x32x128xf32, #tpu.memory_space<vmem>>, vector<128x1x128xf32>
    %get3A_605 = vector.shape_cast %get3A_604 : vector<128x1x128xf32> to vector<128x128xf32>
    %dot_general3A_606 = arith.constant dense<0.000000e+00> : vector<512x128xf32>
    %dot_general3A_607 = tpu.matmul %convert_element_type3A_600, %get3A_605, %dot_general3A_606 {dimension_numbers = #tpu.dot_dimension_numbers<[1], [0], [0], [1], [0, 0, 1, 1], [], []>, transpose_lhs_hint = false} : vector<512x128xf32>, vector<128x128xf32>, vector<512x128xf32> -> vector<512x128xf32>
    %add3A_608 = arith.addf %add3A_593, %dot_general3A_607 : vector<512x128xf32>
    %shift_right_arithmetic3A_609 = arith.constant 8 : i32
    %shift_right_arithmetic3A_610 = vector.broadcast %shift_right_arithmetic3A_609 : i32 to vector<512x128xi32>
    %shift_right_arithmetic3A_611 = arith.shrsi %and3A_488, %shift_right_arithmetic3A_610 : vector<512x128xi32>
    %and3A_612 = arith.constant 1 : i32
    %and3A_613 = vector.broadcast %and3A_612 : i32 to vector<512x128xi32>
    %and3A_614 = arith.andi %shift_right_arithmetic3A_611, %and3A_613 : vector<512x128xi32>
    %convert_element_type3A_615 = arith.sitofp %and3A_614 : vector<512x128xi32> to vector<512x128xf32>
    %get3A_616 = arith.constant 128 : index
    %get3A_617 = arith.constant 8 : index
    %get3A_618 = arith.constant 0 : index
    %get3A_619 = vector.load %arg5[%get3A_616, %get3A_617, %get3A_618] : memref<384x32x128xf32, #tpu.memory_space<vmem>>, vector<128x1x128xf32>
    %get3A_620 = vector.shape_cast %get3A_619 : vector<128x1x128xf32> to vector<128x128xf32>
    %dot_general3A_621 = arith.constant dense<0.000000e+00> : vector<512x128xf32>
    %dot_general3A_622 = tpu.matmul %convert_element_type3A_615, %get3A_620, %dot_general3A_621 {dimension_numbers = #tpu.dot_dimension_numbers<[1], [0], [0], [1], [0, 0, 1, 1], [], []>, transpose_lhs_hint = false} : vector<512x128xf32>, vector<128x128xf32>, vector<512x128xf32> -> vector<512x128xf32>
    %add3A_623 = arith.addf %add3A_608, %dot_general3A_622 : vector<512x128xf32>
    %shift_right_arithmetic3A_624 = arith.constant 9 : i32
    %shift_right_arithmetic3A_625 = vector.broadcast %shift_right_arithmetic3A_624 : i32 to vector<512x128xi32>
    %shift_right_arithmetic3A_626 = arith.shrsi %and3A_488, %shift_right_arithmetic3A_625 : vector<512x128xi32>
    %and3A_627 = arith.constant 1 : i32
    %and3A_628 = vector.broadcast %and3A_627 : i32 to vector<512x128xi32>
    %and3A_629 = arith.andi %shift_right_arithmetic3A_626, %and3A_628 : vector<512x128xi32>
    %convert_element_type3A_630 = arith.sitofp %and3A_629 : vector<512x128xi32> to vector<512x128xf32>
    %get3A_631 = arith.constant 128 : index
    %get3A_632 = arith.constant 9 : index
    %get3A_633 = arith.constant 0 : index
    %get3A_634 = vector.load %arg5[%get3A_631, %get3A_632, %get3A_633] : memref<384x32x128xf32, #tpu.memory_space<vmem>>, vector<128x1x128xf32>
    %get3A_635 = vector.shape_cast %get3A_634 : vector<128x1x128xf32> to vector<128x128xf32>
    %dot_general3A_636 = arith.constant dense<0.000000e+00> : vector<512x128xf32>
    %dot_general3A_637 = tpu.matmul %convert_element_type3A_630, %get3A_635, %dot_general3A_636 {dimension_numbers = #tpu.dot_dimension_numbers<[1], [0], [0], [1], [0, 0, 1, 1], [], []>, transpose_lhs_hint = false} : vector<512x128xf32>, vector<128x128xf32>, vector<512x128xf32> -> vector<512x128xf32>
    %add3A_638 = arith.addf %add3A_623, %dot_general3A_637 : vector<512x128xf32>
    %shift_right_arithmetic3A_639 = arith.constant 10 : i32
    %shift_right_arithmetic3A_640 = vector.broadcast %shift_right_arithmetic3A_639 : i32 to vector<512x128xi32>
    %shift_right_arithmetic3A_641 = arith.shrsi %and3A_488, %shift_right_arithmetic3A_640 : vector<512x128xi32>
    %and3A_642 = arith.constant 1 : i32
    %and3A_643 = vector.broadcast %and3A_642 : i32 to vector<512x128xi32>
    %and3A_644 = arith.andi %shift_right_arithmetic3A_641, %and3A_643 : vector<512x128xi32>
    %convert_element_type3A_645 = arith.sitofp %and3A_644 : vector<512x128xi32> to vector<512x128xf32>
    %get3A_646 = arith.constant 128 : index
    %get3A_647 = arith.constant 10 : index
    %get3A_648 = arith.constant 0 : index
    %get3A_649 = vector.load %arg5[%get3A_646, %get3A_647, %get3A_648] : memref<384x32x128xf32, #tpu.memory_space<vmem>>, vector<128x1x128xf32>
    %get3A_650 = vector.shape_cast %get3A_649 : vector<128x1x128xf32> to vector<128x128xf32>
    %dot_general3A_651 = arith.constant dense<0.000000e+00> : vector<512x128xf32>
    %dot_general3A_652 = tpu.matmul %convert_element_type3A_645, %get3A_650, %dot_general3A_651 {dimension_numbers = #tpu.dot_dimension_numbers<[1], [0], [0], [1], [0, 0, 1, 1], [], []>, transpose_lhs_hint = false} : vector<512x128xf32>, vector<128x128xf32>, vector<512x128xf32> -> vector<512x128xf32>
    %add3A_653 = arith.addf %add3A_638, %dot_general3A_652 : vector<512x128xf32>
    %shift_right_arithmetic3A_654 = arith.constant 11 : i32
    %shift_right_arithmetic3A_655 = vector.broadcast %shift_right_arithmetic3A_654 : i32 to vector<512x128xi32>
    %shift_right_arithmetic3A_656 = arith.shrsi %and3A_488, %shift_right_arithmetic3A_655 : vector<512x128xi32>
    %and3A_657 = arith.constant 1 : i32
    %and3A_658 = vector.broadcast %and3A_657 : i32 to vector<512x128xi32>
    %and3A_659 = arith.andi %shift_right_arithmetic3A_656, %and3A_658 : vector<512x128xi32>
    %convert_element_type3A_660 = arith.sitofp %and3A_659 : vector<512x128xi32> to vector<512x128xf32>
    %get3A_661 = arith.constant 128 : index
    %get3A_662 = arith.constant 11 : index
    %get3A_663 = arith.constant 0 : index
    %get3A_664 = vector.load %arg5[%get3A_661, %get3A_662, %get3A_663] : memref<384x32x128xf32, #tpu.memory_space<vmem>>, vector<128x1x128xf32>
    %get3A_665 = vector.shape_cast %get3A_664 : vector<128x1x128xf32> to vector<128x128xf32>
    %dot_general3A_666 = arith.constant dense<0.000000e+00> : vector<512x128xf32>
    %dot_general3A_667 = tpu.matmul %convert_element_type3A_660, %get3A_665, %dot_general3A_666 {dimension_numbers = #tpu.dot_dimension_numbers<[1], [0], [0], [1], [0, 0, 1, 1], [], []>, transpose_lhs_hint = false} : vector<512x128xf32>, vector<128x128xf32>, vector<512x128xf32> -> vector<512x128xf32>
    %add3A_668 = arith.addf %add3A_653, %dot_general3A_667 : vector<512x128xf32>
    %shift_right_arithmetic3A_669 = arith.constant 12 : i32
    %shift_right_arithmetic3A_670 = vector.broadcast %shift_right_arithmetic3A_669 : i32 to vector<512x128xi32>
    %shift_right_arithmetic3A_671 = arith.shrsi %and3A_488, %shift_right_arithmetic3A_670 : vector<512x128xi32>
    %and3A_672 = arith.constant 1 : i32
    %and3A_673 = vector.broadcast %and3A_672 : i32 to vector<512x128xi32>
    %and3A_674 = arith.andi %shift_right_arithmetic3A_671, %and3A_673 : vector<512x128xi32>
    %convert_element_type3A_675 = arith.sitofp %and3A_674 : vector<512x128xi32> to vector<512x128xf32>
    %get3A_676 = arith.constant 128 : index
    %get3A_677 = arith.constant 12 : index
    %get3A_678 = arith.constant 0 : index
    %get3A_679 = vector.load %arg5[%get3A_676, %get3A_677, %get3A_678] : memref<384x32x128xf32, #tpu.memory_space<vmem>>, vector<128x1x128xf32>
    %get3A_680 = vector.shape_cast %get3A_679 : vector<128x1x128xf32> to vector<128x128xf32>
    %dot_general3A_681 = arith.constant dense<0.000000e+00> : vector<512x128xf32>
    %dot_general3A_682 = tpu.matmul %convert_element_type3A_675, %get3A_680, %dot_general3A_681 {dimension_numbers = #tpu.dot_dimension_numbers<[1], [0], [0], [1], [0, 0, 1, 1], [], []>, transpose_lhs_hint = false} : vector<512x128xf32>, vector<128x128xf32>, vector<512x128xf32> -> vector<512x128xf32>
    %add3A_683 = arith.addf %add3A_668, %dot_general3A_682 : vector<512x128xf32>
    %shift_right_arithmetic3A_684 = arith.constant 13 : i32
    %shift_right_arithmetic3A_685 = vector.broadcast %shift_right_arithmetic3A_684 : i32 to vector<512x128xi32>
    %shift_right_arithmetic3A_686 = arith.shrsi %and3A_488, %shift_right_arithmetic3A_685 : vector<512x128xi32>
    %and3A_687 = arith.constant 1 : i32
    %and3A_688 = vector.broadcast %and3A_687 : i32 to vector<512x128xi32>
    %and3A_689 = arith.andi %shift_right_arithmetic3A_686, %and3A_688 : vector<512x128xi32>
    %convert_element_type3A_690 = arith.sitofp %and3A_689 : vector<512x128xi32> to vector<512x128xf32>
    %get3A_691 = arith.constant 128 : index
    %get3A_692 = arith.constant 13 : index
    %get3A_693 = arith.constant 0 : index
    %get3A_694 = vector.load %arg5[%get3A_691, %get3A_692, %get3A_693] : memref<384x32x128xf32, #tpu.memory_space<vmem>>, vector<128x1x128xf32>
    %get3A_695 = vector.shape_cast %get3A_694 : vector<128x1x128xf32> to vector<128x128xf32>
    %dot_general3A_696 = arith.constant dense<0.000000e+00> : vector<512x128xf32>
    %dot_general3A_697 = tpu.matmul %convert_element_type3A_690, %get3A_695, %dot_general3A_696 {dimension_numbers = #tpu.dot_dimension_numbers<[1], [0], [0], [1], [0, 0, 1, 1], [], []>, transpose_lhs_hint = false} : vector<512x128xf32>, vector<128x128xf32>, vector<512x128xf32> -> vector<512x128xf32>
    %add3A_698 = arith.addf %add3A_683, %dot_general3A_697 : vector<512x128xf32>
    %shift_right_arithmetic3A_699 = arith.constant 14 : i32
    %shift_right_arithmetic3A_700 = vector.broadcast %shift_right_arithmetic3A_699 : i32 to vector<512x128xi32>
    %shift_right_arithmetic3A_701 = arith.shrsi %and3A_488, %shift_right_arithmetic3A_700 : vector<512x128xi32>
    %and3A_702 = arith.constant 1 : i32
    %and3A_703 = vector.broadcast %and3A_702 : i32 to vector<512x128xi32>
    %and3A_704 = arith.andi %shift_right_arithmetic3A_701, %and3A_703 : vector<512x128xi32>
    %convert_element_type3A_705 = arith.sitofp %and3A_704 : vector<512x128xi32> to vector<512x128xf32>
    %get3A_706 = arith.constant 128 : index
    %get3A_707 = arith.constant 14 : index
    %get3A_708 = arith.constant 0 : index
    %get3A_709 = vector.load %arg5[%get3A_706, %get3A_707, %get3A_708] : memref<384x32x128xf32, #tpu.memory_space<vmem>>, vector<128x1x128xf32>
    %get3A_710 = vector.shape_cast %get3A_709 : vector<128x1x128xf32> to vector<128x128xf32>
    %dot_general3A_711 = arith.constant dense<0.000000e+00> : vector<512x128xf32>
    %dot_general3A_712 = tpu.matmul %convert_element_type3A_705, %get3A_710, %dot_general3A_711 {dimension_numbers = #tpu.dot_dimension_numbers<[1], [0], [0], [1], [0, 0, 1, 1], [], []>, transpose_lhs_hint = false} : vector<512x128xf32>, vector<128x128xf32>, vector<512x128xf32> -> vector<512x128xf32>
    %add3A_713 = arith.addf %add3A_698, %dot_general3A_712 : vector<512x128xf32>
    %shift_right_arithmetic3A_714 = arith.constant 15 : i32
    %shift_right_arithmetic3A_715 = vector.broadcast %shift_right_arithmetic3A_714 : i32 to vector<512x128xi32>
    %shift_right_arithmetic3A_716 = arith.shrsi %and3A_488, %shift_right_arithmetic3A_715 : vector<512x128xi32>
    %and3A_717 = arith.constant 1 : i32
    %and3A_718 = vector.broadcast %and3A_717 : i32 to vector<512x128xi32>
    %and3A_719 = arith.andi %shift_right_arithmetic3A_716, %and3A_718 : vector<512x128xi32>
    %convert_element_type3A_720 = arith.sitofp %and3A_719 : vector<512x128xi32> to vector<512x128xf32>
    %get3A_721 = arith.constant 128 : index
    %get3A_722 = arith.constant 15 : index
    %get3A_723 = arith.constant 0 : index
    %get3A_724 = vector.load %arg5[%get3A_721, %get3A_722, %get3A_723] : memref<384x32x128xf32, #tpu.memory_space<vmem>>, vector<128x1x128xf32>
    %get3A_725 = vector.shape_cast %get3A_724 : vector<128x1x128xf32> to vector<128x128xf32>
    %dot_general3A_726 = arith.constant dense<0.000000e+00> : vector<512x128xf32>
    %dot_general3A_727 = tpu.matmul %convert_element_type3A_720, %get3A_725, %dot_general3A_726 {dimension_numbers = #tpu.dot_dimension_numbers<[1], [0], [0], [1], [0, 0, 1, 1], [], []>, transpose_lhs_hint = false} : vector<512x128xf32>, vector<128x128xf32>, vector<512x128xf32> -> vector<512x128xf32>
    %add3A_728 = arith.addf %add3A_713, %dot_general3A_727 : vector<512x128xf32>
    %shift_right_arithmetic3A_729 = arith.constant 16 : i32
    %shift_right_arithmetic3A_730 = vector.broadcast %shift_right_arithmetic3A_729 : i32 to vector<512x128xi32>
    %shift_right_arithmetic3A_731 = arith.shrsi %and3A_488, %shift_right_arithmetic3A_730 : vector<512x128xi32>
    %and3A_732 = arith.constant 1 : i32
    %and3A_733 = vector.broadcast %and3A_732 : i32 to vector<512x128xi32>
    %and3A_734 = arith.andi %shift_right_arithmetic3A_731, %and3A_733 : vector<512x128xi32>
    %convert_element_type3A_735 = arith.sitofp %and3A_734 : vector<512x128xi32> to vector<512x128xf32>
    %get3A_736 = arith.constant 128 : index
    %get3A_737 = arith.constant 16 : index
    %get3A_738 = arith.constant 0 : index
    %get3A_739 = vector.load %arg5[%get3A_736, %get3A_737, %get3A_738] : memref<384x32x128xf32, #tpu.memory_space<vmem>>, vector<128x1x128xf32>
    %get3A_740 = vector.shape_cast %get3A_739 : vector<128x1x128xf32> to vector<128x128xf32>
    %dot_general3A_741 = arith.constant dense<0.000000e+00> : vector<512x128xf32>
    %dot_general3A_742 = tpu.matmul %convert_element_type3A_735, %get3A_740, %dot_general3A_741 {dimension_numbers = #tpu.dot_dimension_numbers<[1], [0], [0], [1], [0, 0, 1, 1], [], []>, transpose_lhs_hint = false} : vector<512x128xf32>, vector<128x128xf32>, vector<512x128xf32> -> vector<512x128xf32>
    %add3A_743 = arith.addf %add3A_728, %dot_general3A_742 : vector<512x128xf32>
    %shift_right_arithmetic3A_744 = arith.constant 17 : i32
    %shift_right_arithmetic3A_745 = vector.broadcast %shift_right_arithmetic3A_744 : i32 to vector<512x128xi32>
    %shift_right_arithmetic3A_746 = arith.shrsi %and3A_488, %shift_right_arithmetic3A_745 : vector<512x128xi32>
    %and3A_747 = arith.constant 1 : i32
    %and3A_748 = vector.broadcast %and3A_747 : i32 to vector<512x128xi32>
    %and3A_749 = arith.andi %shift_right_arithmetic3A_746, %and3A_748 : vector<512x128xi32>
    %convert_element_type3A_750 = arith.sitofp %and3A_749 : vector<512x128xi32> to vector<512x128xf32>
    %get3A_751 = arith.constant 128 : index
    %get3A_752 = arith.constant 17 : index
    %get3A_753 = arith.constant 0 : index
    %get3A_754 = vector.load %arg5[%get3A_751, %get3A_752, %get3A_753] : memref<384x32x128xf32, #tpu.memory_space<vmem>>, vector<128x1x128xf32>
    %get3A_755 = vector.shape_cast %get3A_754 : vector<128x1x128xf32> to vector<128x128xf32>
    %dot_general3A_756 = arith.constant dense<0.000000e+00> : vector<512x128xf32>
    %dot_general3A_757 = tpu.matmul %convert_element_type3A_750, %get3A_755, %dot_general3A_756 {dimension_numbers = #tpu.dot_dimension_numbers<[1], [0], [0], [1], [0, 0, 1, 1], [], []>, transpose_lhs_hint = false} : vector<512x128xf32>, vector<128x128xf32>, vector<512x128xf32> -> vector<512x128xf32>
    %add3A_758 = arith.addf %add3A_743, %dot_general3A_757 : vector<512x128xf32>
    %shift_right_arithmetic3A_759 = arith.constant 18 : i32
    %shift_right_arithmetic3A_760 = vector.broadcast %shift_right_arithmetic3A_759 : i32 to vector<512x128xi32>
    %shift_right_arithmetic3A_761 = arith.shrsi %and3A_488, %shift_right_arithmetic3A_760 : vector<512x128xi32>
    %and3A_762 = arith.constant 1 : i32
    %and3A_763 = vector.broadcast %and3A_762 : i32 to vector<512x128xi32>
    %and3A_764 = arith.andi %shift_right_arithmetic3A_761, %and3A_763 : vector<512x128xi32>
    %convert_element_type3A_765 = arith.sitofp %and3A_764 : vector<512x128xi32> to vector<512x128xf32>
    %get3A_766 = arith.constant 128 : index
    %get3A_767 = arith.constant 18 : index
    %get3A_768 = arith.constant 0 : index
    %get3A_769 = vector.load %arg5[%get3A_766, %get3A_767, %get3A_768] : memref<384x32x128xf32, #tpu.memory_space<vmem>>, vector<128x1x128xf32>
    %get3A_770 = vector.shape_cast %get3A_769 : vector<128x1x128xf32> to vector<128x128xf32>
    %dot_general3A_771 = arith.constant dense<0.000000e+00> : vector<512x128xf32>
    %dot_general3A_772 = tpu.matmul %convert_element_type3A_765, %get3A_770, %dot_general3A_771 {dimension_numbers = #tpu.dot_dimension_numbers<[1], [0], [0], [1], [0, 0, 1, 1], [], []>, transpose_lhs_hint = false} : vector<512x128xf32>, vector<128x128xf32>, vector<512x128xf32> -> vector<512x128xf32>
    %add3A_773 = arith.addf %add3A_758, %dot_general3A_772 : vector<512x128xf32>
    %shift_right_arithmetic3A_774 = arith.constant 19 : i32
    %shift_right_arithmetic3A_775 = vector.broadcast %shift_right_arithmetic3A_774 : i32 to vector<512x128xi32>
    %shift_right_arithmetic3A_776 = arith.shrsi %and3A_488, %shift_right_arithmetic3A_775 : vector<512x128xi32>
    %and3A_777 = arith.constant 1 : i32
    %and3A_778 = vector.broadcast %and3A_777 : i32 to vector<512x128xi32>
    %and3A_779 = arith.andi %shift_right_arithmetic3A_776, %and3A_778 : vector<512x128xi32>
    %convert_element_type3A_780 = arith.sitofp %and3A_779 : vector<512x128xi32> to vector<512x128xf32>
    %get3A_781 = arith.constant 128 : index
    %get3A_782 = arith.constant 19 : index
    %get3A_783 = arith.constant 0 : index
    %get3A_784 = vector.load %arg5[%get3A_781, %get3A_782, %get3A_783] : memref<384x32x128xf32, #tpu.memory_space<vmem>>, vector<128x1x128xf32>
    %get3A_785 = vector.shape_cast %get3A_784 : vector<128x1x128xf32> to vector<128x128xf32>
    %dot_general3A_786 = arith.constant dense<0.000000e+00> : vector<512x128xf32>
    %dot_general3A_787 = tpu.matmul %convert_element_type3A_780, %get3A_785, %dot_general3A_786 {dimension_numbers = #tpu.dot_dimension_numbers<[1], [0], [0], [1], [0, 0, 1, 1], [], []>, transpose_lhs_hint = false} : vector<512x128xf32>, vector<128x128xf32>, vector<512x128xf32> -> vector<512x128xf32>
    %add3A_788 = arith.addf %add3A_773, %dot_general3A_787 : vector<512x128xf32>
    %shift_right_arithmetic3A_789 = arith.constant 20 : i32
    %shift_right_arithmetic3A_790 = vector.broadcast %shift_right_arithmetic3A_789 : i32 to vector<512x128xi32>
    %shift_right_arithmetic3A_791 = arith.shrsi %and3A_488, %shift_right_arithmetic3A_790 : vector<512x128xi32>
    %and3A_792 = arith.constant 1 : i32
    %and3A_793 = vector.broadcast %and3A_792 : i32 to vector<512x128xi32>
    %and3A_794 = arith.andi %shift_right_arithmetic3A_791, %and3A_793 : vector<512x128xi32>
    %convert_element_type3A_795 = arith.sitofp %and3A_794 : vector<512x128xi32> to vector<512x128xf32>
    %get3A_796 = arith.constant 128 : index
    %get3A_797 = arith.constant 20 : index
    %get3A_798 = arith.constant 0 : index
    %get3A_799 = vector.load %arg5[%get3A_796, %get3A_797, %get3A_798] : memref<384x32x128xf32, #tpu.memory_space<vmem>>, vector<128x1x128xf32>
    %get3A_800 = vector.shape_cast %get3A_799 : vector<128x1x128xf32> to vector<128x128xf32>
    %dot_general3A_801 = arith.constant dense<0.000000e+00> : vector<512x128xf32>
    %dot_general3A_802 = tpu.matmul %convert_element_type3A_795, %get3A_800, %dot_general3A_801 {dimension_numbers = #tpu.dot_dimension_numbers<[1], [0], [0], [1], [0, 0, 1, 1], [], []>, transpose_lhs_hint = false} : vector<512x128xf32>, vector<128x128xf32>, vector<512x128xf32> -> vector<512x128xf32>
    %add3A_803 = arith.addf %add3A_788, %dot_general3A_802 : vector<512x128xf32>
    %shift_right_arithmetic3A_804 = arith.constant 21 : i32
    %shift_right_arithmetic3A_805 = vector.broadcast %shift_right_arithmetic3A_804 : i32 to vector<512x128xi32>
    %shift_right_arithmetic3A_806 = arith.shrsi %and3A_488, %shift_right_arithmetic3A_805 : vector<512x128xi32>
    %and3A_807 = arith.constant 1 : i32
    %and3A_808 = vector.broadcast %and3A_807 : i32 to vector<512x128xi32>
    %and3A_809 = arith.andi %shift_right_arithmetic3A_806, %and3A_808 : vector<512x128xi32>
    %convert_element_type3A_810 = arith.sitofp %and3A_809 : vector<512x128xi32> to vector<512x128xf32>
    %get3A_811 = arith.constant 128 : index
    %get3A_812 = arith.constant 21 : index
    %get3A_813 = arith.constant 0 : index
    %get3A_814 = vector.load %arg5[%get3A_811, %get3A_812, %get3A_813] : memref<384x32x128xf32, #tpu.memory_space<vmem>>, vector<128x1x128xf32>
    %get3A_815 = vector.shape_cast %get3A_814 : vector<128x1x128xf32> to vector<128x128xf32>
    %dot_general3A_816 = arith.constant dense<0.000000e+00> : vector<512x128xf32>
    %dot_general3A_817 = tpu.matmul %convert_element_type3A_810, %get3A_815, %dot_general3A_816 {dimension_numbers = #tpu.dot_dimension_numbers<[1], [0], [0], [1], [0, 0, 1, 1], [], []>, transpose_lhs_hint = false} : vector<512x128xf32>, vector<128x128xf32>, vector<512x128xf32> -> vector<512x128xf32>
    %add3A_818 = arith.addf %add3A_803, %dot_general3A_817 : vector<512x128xf32>
    %shift_right_arithmetic3A_819 = arith.constant 22 : i32
    %shift_right_arithmetic3A_820 = vector.broadcast %shift_right_arithmetic3A_819 : i32 to vector<512x128xi32>
    %shift_right_arithmetic3A_821 = arith.shrsi %and3A_488, %shift_right_arithmetic3A_820 : vector<512x128xi32>
    %and3A_822 = arith.constant 1 : i32
    %and3A_823 = vector.broadcast %and3A_822 : i32 to vector<512x128xi32>
    %and3A_824 = arith.andi %shift_right_arithmetic3A_821, %and3A_823 : vector<512x128xi32>
    %convert_element_type3A_825 = arith.sitofp %and3A_824 : vector<512x128xi32> to vector<512x128xf32>
    %get3A_826 = arith.constant 128 : index
    %get3A_827 = arith.constant 22 : index
    %get3A_828 = arith.constant 0 : index
    %get3A_829 = vector.load %arg5[%get3A_826, %get3A_827, %get3A_828] : memref<384x32x128xf32, #tpu.memory_space<vmem>>, vector<128x1x128xf32>
    %get3A_830 = vector.shape_cast %get3A_829 : vector<128x1x128xf32> to vector<128x128xf32>
    %dot_general3A_831 = arith.constant dense<0.000000e+00> : vector<512x128xf32>
    %dot_general3A_832 = tpu.matmul %convert_element_type3A_825, %get3A_830, %dot_general3A_831 {dimension_numbers = #tpu.dot_dimension_numbers<[1], [0], [0], [1], [0, 0, 1, 1], [], []>, transpose_lhs_hint = false} : vector<512x128xf32>, vector<128x128xf32>, vector<512x128xf32> -> vector<512x128xf32>
    %add3A_833 = arith.addf %add3A_818, %dot_general3A_832 : vector<512x128xf32>
    %shift_right_arithmetic3A_834 = arith.constant 23 : i32
    %shift_right_arithmetic3A_835 = vector.broadcast %shift_right_arithmetic3A_834 : i32 to vector<512x128xi32>
    %shift_right_arithmetic3A_836 = arith.shrsi %and3A_488, %shift_right_arithmetic3A_835 : vector<512x128xi32>
    %and3A_837 = arith.constant 1 : i32
    %and3A_838 = vector.broadcast %and3A_837 : i32 to vector<512x128xi32>
    %and3A_839 = arith.andi %shift_right_arithmetic3A_836, %and3A_838 : vector<512x128xi32>
    %convert_element_type3A_840 = arith.sitofp %and3A_839 : vector<512x128xi32> to vector<512x128xf32>
    %get3A_841 = arith.constant 128 : index
    %get3A_842 = arith.constant 23 : index
    %get3A_843 = arith.constant 0 : index
    %get3A_844 = vector.load %arg5[%get3A_841, %get3A_842, %get3A_843] : memref<384x32x128xf32, #tpu.memory_space<vmem>>, vector<128x1x128xf32>
    %get3A_845 = vector.shape_cast %get3A_844 : vector<128x1x128xf32> to vector<128x128xf32>
    %dot_general3A_846 = arith.constant dense<0.000000e+00> : vector<512x128xf32>
    %dot_general3A_847 = tpu.matmul %convert_element_type3A_840, %get3A_845, %dot_general3A_846 {dimension_numbers = #tpu.dot_dimension_numbers<[1], [0], [0], [1], [0, 0, 1, 1], [], []>, transpose_lhs_hint = false} : vector<512x128xf32>, vector<128x128xf32>, vector<512x128xf32> -> vector<512x128xf32>
    %add3A_848 = arith.addf %add3A_833, %dot_general3A_847 : vector<512x128xf32>
    %shift_right_arithmetic3A_849 = arith.constant 24 : i32
    %shift_right_arithmetic3A_850 = vector.broadcast %shift_right_arithmetic3A_849 : i32 to vector<512x128xi32>
    %shift_right_arithmetic3A_851 = arith.shrsi %and3A_488, %shift_right_arithmetic3A_850 : vector<512x128xi32>
    %and3A_852 = arith.constant 1 : i32
    %and3A_853 = vector.broadcast %and3A_852 : i32 to vector<512x128xi32>
    %and3A_854 = arith.andi %shift_right_arithmetic3A_851, %and3A_853 : vector<512x128xi32>
    %convert_element_type3A_855 = arith.sitofp %and3A_854 : vector<512x128xi32> to vector<512x128xf32>
    %get3A_856 = arith.constant 128 : index
    %get3A_857 = arith.constant 24 : index
    %get3A_858 = arith.constant 0 : index
    %get3A_859 = vector.load %arg5[%get3A_856, %get3A_857, %get3A_858] : memref<384x32x128xf32, #tpu.memory_space<vmem>>, vector<128x1x128xf32>
    %get3A_860 = vector.shape_cast %get3A_859 : vector<128x1x128xf32> to vector<128x128xf32>
    %dot_general3A_861 = arith.constant dense<0.000000e+00> : vector<512x128xf32>
    %dot_general3A_862 = tpu.matmul %convert_element_type3A_855, %get3A_860, %dot_general3A_861 {dimension_numbers = #tpu.dot_dimension_numbers<[1], [0], [0], [1], [0, 0, 1, 1], [], []>, transpose_lhs_hint = false} : vector<512x128xf32>, vector<128x128xf32>, vector<512x128xf32> -> vector<512x128xf32>
    %add3A_863 = arith.addf %add3A_848, %dot_general3A_862 : vector<512x128xf32>
    %shift_right_arithmetic3A_864 = arith.constant 25 : i32
    %shift_right_arithmetic3A_865 = vector.broadcast %shift_right_arithmetic3A_864 : i32 to vector<512x128xi32>
    %shift_right_arithmetic3A_866 = arith.shrsi %and3A_488, %shift_right_arithmetic3A_865 : vector<512x128xi32>
    %and3A_867 = arith.constant 1 : i32
    %and3A_868 = vector.broadcast %and3A_867 : i32 to vector<512x128xi32>
    %and3A_869 = arith.andi %shift_right_arithmetic3A_866, %and3A_868 : vector<512x128xi32>
    %convert_element_type3A_870 = arith.sitofp %and3A_869 : vector<512x128xi32> to vector<512x128xf32>
    %get3A_871 = arith.constant 128 : index
    %get3A_872 = arith.constant 25 : index
    %get3A_873 = arith.constant 0 : index
    %get3A_874 = vector.load %arg5[%get3A_871, %get3A_872, %get3A_873] : memref<384x32x128xf32, #tpu.memory_space<vmem>>, vector<128x1x128xf32>
    %get3A_875 = vector.shape_cast %get3A_874 : vector<128x1x128xf32> to vector<128x128xf32>
    %dot_general3A_876 = arith.constant dense<0.000000e+00> : vector<512x128xf32>
    %dot_general3A_877 = tpu.matmul %convert_element_type3A_870, %get3A_875, %dot_general3A_876 {dimension_numbers = #tpu.dot_dimension_numbers<[1], [0], [0], [1], [0, 0, 1, 1], [], []>, transpose_lhs_hint = false} : vector<512x128xf32>, vector<128x128xf32>, vector<512x128xf32> -> vector<512x128xf32>
    %add3A_878 = arith.addf %add3A_863, %dot_general3A_877 : vector<512x128xf32>
    %shift_right_arithmetic3A_879 = arith.constant 26 : i32
    %shift_right_arithmetic3A_880 = vector.broadcast %shift_right_arithmetic3A_879 : i32 to vector<512x128xi32>
    %shift_right_arithmetic3A_881 = arith.shrsi %and3A_488, %shift_right_arithmetic3A_880 : vector<512x128xi32>
    %and3A_882 = arith.constant 1 : i32
    %and3A_883 = vector.broadcast %and3A_882 : i32 to vector<512x128xi32>
    %and3A_884 = arith.andi %shift_right_arithmetic3A_881, %and3A_883 : vector<512x128xi32>
    %convert_element_type3A_885 = arith.sitofp %and3A_884 : vector<512x128xi32> to vector<512x128xf32>
    %get3A_886 = arith.constant 128 : index
    %get3A_887 = arith.constant 26 : index
    %get3A_888 = arith.constant 0 : index
    %get3A_889 = vector.load %arg5[%get3A_886, %get3A_887, %get3A_888] : memref<384x32x128xf32, #tpu.memory_space<vmem>>, vector<128x1x128xf32>
    %get3A_890 = vector.shape_cast %get3A_889 : vector<128x1x128xf32> to vector<128x128xf32>
    %dot_general3A_891 = arith.constant dense<0.000000e+00> : vector<512x128xf32>
    %dot_general3A_892 = tpu.matmul %convert_element_type3A_885, %get3A_890, %dot_general3A_891 {dimension_numbers = #tpu.dot_dimension_numbers<[1], [0], [0], [1], [0, 0, 1, 1], [], []>, transpose_lhs_hint = false} : vector<512x128xf32>, vector<128x128xf32>, vector<512x128xf32> -> vector<512x128xf32>
    %add3A_893 = arith.addf %add3A_878, %dot_general3A_892 : vector<512x128xf32>
    %shift_right_arithmetic3A_894 = arith.constant 27 : i32
    %shift_right_arithmetic3A_895 = vector.broadcast %shift_right_arithmetic3A_894 : i32 to vector<512x128xi32>
    %shift_right_arithmetic3A_896 = arith.shrsi %and3A_488, %shift_right_arithmetic3A_895 : vector<512x128xi32>
    %and3A_897 = arith.constant 1 : i32
    %and3A_898 = vector.broadcast %and3A_897 : i32 to vector<512x128xi32>
    %and3A_899 = arith.andi %shift_right_arithmetic3A_896, %and3A_898 : vector<512x128xi32>
    %convert_element_type3A_900 = arith.sitofp %and3A_899 : vector<512x128xi32> to vector<512x128xf32>
    %get3A_901 = arith.constant 128 : index
    %get3A_902 = arith.constant 27 : index
    %get3A_903 = arith.constant 0 : index
    %get3A_904 = vector.load %arg5[%get3A_901, %get3A_902, %get3A_903] : memref<384x32x128xf32, #tpu.memory_space<vmem>>, vector<128x1x128xf32>
    %get3A_905 = vector.shape_cast %get3A_904 : vector<128x1x128xf32> to vector<128x128xf32>
    %dot_general3A_906 = arith.constant dense<0.000000e+00> : vector<512x128xf32>
    %dot_general3A_907 = tpu.matmul %convert_element_type3A_900, %get3A_905, %dot_general3A_906 {dimension_numbers = #tpu.dot_dimension_numbers<[1], [0], [0], [1], [0, 0, 1, 1], [], []>, transpose_lhs_hint = false} : vector<512x128xf32>, vector<128x128xf32>, vector<512x128xf32> -> vector<512x128xf32>
    %add3A_908 = arith.addf %add3A_893, %dot_general3A_907 : vector<512x128xf32>
    %shift_right_arithmetic3A_909 = arith.constant 28 : i32
    %shift_right_arithmetic3A_910 = vector.broadcast %shift_right_arithmetic3A_909 : i32 to vector<512x128xi32>
    %shift_right_arithmetic3A_911 = arith.shrsi %and3A_488, %shift_right_arithmetic3A_910 : vector<512x128xi32>
    %and3A_912 = arith.constant 1 : i32
    %and3A_913 = vector.broadcast %and3A_912 : i32 to vector<512x128xi32>
    %and3A_914 = arith.andi %shift_right_arithmetic3A_911, %and3A_913 : vector<512x128xi32>
    %convert_element_type3A_915 = arith.sitofp %and3A_914 : vector<512x128xi32> to vector<512x128xf32>
    %get3A_916 = arith.constant 128 : index
    %get3A_917 = arith.constant 28 : index
    %get3A_918 = arith.constant 0 : index
    %get3A_919 = vector.load %arg5[%get3A_916, %get3A_917, %get3A_918] : memref<384x32x128xf32, #tpu.memory_space<vmem>>, vector<128x1x128xf32>
    %get3A_920 = vector.shape_cast %get3A_919 : vector<128x1x128xf32> to vector<128x128xf32>
    %dot_general3A_921 = arith.constant dense<0.000000e+00> : vector<512x128xf32>
    %dot_general3A_922 = tpu.matmul %convert_element_type3A_915, %get3A_920, %dot_general3A_921 {dimension_numbers = #tpu.dot_dimension_numbers<[1], [0], [0], [1], [0, 0, 1, 1], [], []>, transpose_lhs_hint = false} : vector<512x128xf32>, vector<128x128xf32>, vector<512x128xf32> -> vector<512x128xf32>
    %add3A_923 = arith.addf %add3A_908, %dot_general3A_922 : vector<512x128xf32>
    %shift_right_arithmetic3A_924 = arith.constant 29 : i32
    %shift_right_arithmetic3A_925 = vector.broadcast %shift_right_arithmetic3A_924 : i32 to vector<512x128xi32>
    %shift_right_arithmetic3A_926 = arith.shrsi %and3A_488, %shift_right_arithmetic3A_925 : vector<512x128xi32>
    %and3A_927 = arith.constant 1 : i32
    %and3A_928 = vector.broadcast %and3A_927 : i32 to vector<512x128xi32>
    %and3A_929 = arith.andi %shift_right_arithmetic3A_926, %and3A_928 : vector<512x128xi32>
    %convert_element_type3A_930 = arith.sitofp %and3A_929 : vector<512x128xi32> to vector<512x128xf32>
    %get3A_931 = arith.constant 128 : index
    %get3A_932 = arith.constant 29 : index
    %get3A_933 = arith.constant 0 : index
    %get3A_934 = vector.load %arg5[%get3A_931, %get3A_932, %get3A_933] : memref<384x32x128xf32, #tpu.memory_space<vmem>>, vector<128x1x128xf32>
    %get3A_935 = vector.shape_cast %get3A_934 : vector<128x1x128xf32> to vector<128x128xf32>
    %dot_general3A_936 = arith.constant dense<0.000000e+00> : vector<512x128xf32>
    %dot_general3A_937 = tpu.matmul %convert_element_type3A_930, %get3A_935, %dot_general3A_936 {dimension_numbers = #tpu.dot_dimension_numbers<[1], [0], [0], [1], [0, 0, 1, 1], [], []>, transpose_lhs_hint = false} : vector<512x128xf32>, vector<128x128xf32>, vector<512x128xf32> -> vector<512x128xf32>
    %add3A_938 = arith.addf %add3A_923, %dot_general3A_937 : vector<512x128xf32>
    %shift_right_arithmetic3A_939 = arith.constant 30 : i32
    %shift_right_arithmetic3A_940 = vector.broadcast %shift_right_arithmetic3A_939 : i32 to vector<512x128xi32>
    %shift_right_arithmetic3A_941 = arith.shrsi %and3A_488, %shift_right_arithmetic3A_940 : vector<512x128xi32>
    %and3A_942 = arith.constant 1 : i32
    %and3A_943 = vector.broadcast %and3A_942 : i32 to vector<512x128xi32>
    %and3A_944 = arith.andi %shift_right_arithmetic3A_941, %and3A_943 : vector<512x128xi32>
    %convert_element_type3A_945 = arith.sitofp %and3A_944 : vector<512x128xi32> to vector<512x128xf32>
    %get3A_946 = arith.constant 128 : index
    %get3A_947 = arith.constant 30 : index
    %get3A_948 = arith.constant 0 : index
    %get3A_949 = vector.load %arg5[%get3A_946, %get3A_947, %get3A_948] : memref<384x32x128xf32, #tpu.memory_space<vmem>>, vector<128x1x128xf32>
    %get3A_950 = vector.shape_cast %get3A_949 : vector<128x1x128xf32> to vector<128x128xf32>
    %dot_general3A_951 = arith.constant dense<0.000000e+00> : vector<512x128xf32>
    %dot_general3A_952 = tpu.matmul %convert_element_type3A_945, %get3A_950, %dot_general3A_951 {dimension_numbers = #tpu.dot_dimension_numbers<[1], [0], [0], [1], [0, 0, 1, 1], [], []>, transpose_lhs_hint = false} : vector<512x128xf32>, vector<128x128xf32>, vector<512x128xf32> -> vector<512x128xf32>
    %add3A_953 = arith.addf %add3A_938, %dot_general3A_952 : vector<512x128xf32>
    %shift_right_arithmetic3A_954 = arith.constant 31 : i32
    %shift_right_arithmetic3A_955 = vector.broadcast %shift_right_arithmetic3A_954 : i32 to vector<512x128xi32>
    %shift_right_arithmetic3A_956 = arith.shrsi %and3A_488, %shift_right_arithmetic3A_955 : vector<512x128xi32>
    %and3A_957 = arith.constant 1 : i32
    %and3A_958 = vector.broadcast %and3A_957 : i32 to vector<512x128xi32>
    %and3A_959 = arith.andi %shift_right_arithmetic3A_956, %and3A_958 : vector<512x128xi32>
    %convert_element_type3A_960 = arith.sitofp %and3A_959 : vector<512x128xi32> to vector<512x128xf32>
    %get3A_961 = arith.constant 128 : index
    %get3A_962 = arith.constant 31 : index
    %get3A_963 = arith.constant 0 : index
    %get3A_964 = vector.load %arg5[%get3A_961, %get3A_962, %get3A_963] : memref<384x32x128xf32, #tpu.memory_space<vmem>>, vector<128x1x128xf32>
    %get3A_965 = vector.shape_cast %get3A_964 : vector<128x1x128xf32> to vector<128x128xf32>
    %dot_general3A_966 = arith.constant dense<0.000000e+00> : vector<512x128xf32>
    %dot_general3A_967 = tpu.matmul %convert_element_type3A_960, %get3A_965, %dot_general3A_966 {dimension_numbers = #tpu.dot_dimension_numbers<[1], [0], [0], [1], [0, 0, 1, 1], [], []>, transpose_lhs_hint = false} : vector<512x128xf32>, vector<128x128xf32>, vector<512x128xf32> -> vector<512x128xf32>
    %add3A_968 = arith.addf %add3A_953, %dot_general3A_967 : vector<512x128xf32>
    %get3A_969 = arith.constant 0 : index
    %get3A_970 = arith.constant 256 : index
    %get3A_971 = vector.load %arg1[%get3A_969, %get3A_970] : memref<512x384xi32, #tpu.memory_space<vmem>>, vector<512x128xi32>
    %get3A_972 = arith.constant 0 : index
    %get3A_973 = arith.constant 256 : index
    %get3A_974 = vector.load %arg2[%get3A_972, %get3A_973] : memref<512x384xi32, #tpu.memory_space<vmem>>, vector<512x128xi32>
    %and3A_975 = arith.andi %get3A_971, %get3A_974 : vector<512x128xi32>
    %shift_right_arithmetic3A_976 = arith.constant 0 : i32
    %shift_right_arithmetic3A_977 = vector.broadcast %shift_right_arithmetic3A_976 : i32 to vector<512x128xi32>
    %shift_right_arithmetic3A_978 = arith.shrsi %and3A_975, %shift_right_arithmetic3A_977 : vector<512x128xi32>
    %and3A_979 = arith.constant 1 : i32
    %and3A_980 = vector.broadcast %and3A_979 : i32 to vector<512x128xi32>
    %and3A_981 = arith.andi %shift_right_arithmetic3A_978, %and3A_980 : vector<512x128xi32>
    %convert_element_type3A_982 = arith.sitofp %and3A_981 : vector<512x128xi32> to vector<512x128xf32>
    %get3A_983 = arith.constant 256 : index
    %get3A_984 = arith.constant 0 : index
    %get3A_985 = arith.constant 0 : index
    %get3A_986 = vector.load %arg5[%get3A_983, %get3A_984, %get3A_985] : memref<384x32x128xf32, #tpu.memory_space<vmem>>, vector<128x1x128xf32>
    %get3A_987 = vector.shape_cast %get3A_986 : vector<128x1x128xf32> to vector<128x128xf32>
    %dot_general3A_988 = arith.constant dense<0.000000e+00> : vector<512x128xf32>
    %dot_general3A_989 = tpu.matmul %convert_element_type3A_982, %get3A_987, %dot_general3A_988 {dimension_numbers = #tpu.dot_dimension_numbers<[1], [0], [0], [1], [0, 0, 1, 1], [], []>, transpose_lhs_hint = false} : vector<512x128xf32>, vector<128x128xf32>, vector<512x128xf32> -> vector<512x128xf32>
    %add3A_990 = arith.addf %add3A_968, %dot_general3A_989 : vector<512x128xf32>
    %shift_right_arithmetic3A_991 = arith.constant 1 : i32
    %shift_right_arithmetic3A_992 = vector.broadcast %shift_right_arithmetic3A_991 : i32 to vector<512x128xi32>
    %shift_right_arithmetic3A_993 = arith.shrsi %and3A_975, %shift_right_arithmetic3A_992 : vector<512x128xi32>
    %and3A_994 = arith.constant 1 : i32
    %and3A_995 = vector.broadcast %and3A_994 : i32 to vector<512x128xi32>
    %and3A_996 = arith.andi %shift_right_arithmetic3A_993, %and3A_995 : vector<512x128xi32>
    %convert_element_type3A_997 = arith.sitofp %and3A_996 : vector<512x128xi32> to vector<512x128xf32>
    %get3A_998 = arith.constant 256 : index
    %get3A_999 = arith.constant 1 : index
    %get3A_1000 = arith.constant 0 : index
    %get3A_1001 = vector.load %arg5[%get3A_998, %get3A_999, %get3A_1000] : memref<384x32x128xf32, #tpu.memory_space<vmem>>, vector<128x1x128xf32>
    %get3A_1002 = vector.shape_cast %get3A_1001 : vector<128x1x128xf32> to vector<128x128xf32>
    %dot_general3A_1003 = arith.constant dense<0.000000e+00> : vector<512x128xf32>
    %dot_general3A_1004 = tpu.matmul %convert_element_type3A_997, %get3A_1002, %dot_general3A_1003 {dimension_numbers = #tpu.dot_dimension_numbers<[1], [0], [0], [1], [0, 0, 1, 1], [], []>, transpose_lhs_hint = false} : vector<512x128xf32>, vector<128x128xf32>, vector<512x128xf32> -> vector<512x128xf32>
    %add3A_1005 = arith.addf %add3A_990, %dot_general3A_1004 : vector<512x128xf32>
    %shift_right_arithmetic3A_1006 = arith.constant 2 : i32
    %shift_right_arithmetic3A_1007 = vector.broadcast %shift_right_arithmetic3A_1006 : i32 to vector<512x128xi32>
    %shift_right_arithmetic3A_1008 = arith.shrsi %and3A_975, %shift_right_arithmetic3A_1007 : vector<512x128xi32>
    %and3A_1009 = arith.constant 1 : i32
    %and3A_1010 = vector.broadcast %and3A_1009 : i32 to vector<512x128xi32>
    %and3A_1011 = arith.andi %shift_right_arithmetic3A_1008, %and3A_1010 : vector<512x128xi32>
    %convert_element_type3A_1012 = arith.sitofp %and3A_1011 : vector<512x128xi32> to vector<512x128xf32>
    %get3A_1013 = arith.constant 256 : index
    %get3A_1014 = arith.constant 2 : index
    %get3A_1015 = arith.constant 0 : index
    %get3A_1016 = vector.load %arg5[%get3A_1013, %get3A_1014, %get3A_1015] : memref<384x32x128xf32, #tpu.memory_space<vmem>>, vector<128x1x128xf32>
    %get3A_1017 = vector.shape_cast %get3A_1016 : vector<128x1x128xf32> to vector<128x128xf32>
    %dot_general3A_1018 = arith.constant dense<0.000000e+00> : vector<512x128xf32>
    %dot_general3A_1019 = tpu.matmul %convert_element_type3A_1012, %get3A_1017, %dot_general3A_1018 {dimension_numbers = #tpu.dot_dimension_numbers<[1], [0], [0], [1], [0, 0, 1, 1], [], []>, transpose_lhs_hint = false} : vector<512x128xf32>, vector<128x128xf32>, vector<512x128xf32> -> vector<512x128xf32>
    %add3A_1020 = arith.addf %add3A_1005, %dot_general3A_1019 : vector<512x128xf32>
    %shift_right_arithmetic3A_1021 = arith.constant 3 : i32
    %shift_right_arithmetic3A_1022 = vector.broadcast %shift_right_arithmetic3A_1021 : i32 to vector<512x128xi32>
    %shift_right_arithmetic3A_1023 = arith.shrsi %and3A_975, %shift_right_arithmetic3A_1022 : vector<512x128xi32>
    %and3A_1024 = arith.constant 1 : i32
    %and3A_1025 = vector.broadcast %and3A_1024 : i32 to vector<512x128xi32>
    %and3A_1026 = arith.andi %shift_right_arithmetic3A_1023, %and3A_1025 : vector<512x128xi32>
    %convert_element_type3A_1027 = arith.sitofp %and3A_1026 : vector<512x128xi32> to vector<512x128xf32>
    %get3A_1028 = arith.constant 256 : index
    %get3A_1029 = arith.constant 3 : index
    %get3A_1030 = arith.constant 0 : index
    %get3A_1031 = vector.load %arg5[%get3A_1028, %get3A_1029, %get3A_1030] : memref<384x32x128xf32, #tpu.memory_space<vmem>>, vector<128x1x128xf32>
    %get3A_1032 = vector.shape_cast %get3A_1031 : vector<128x1x128xf32> to vector<128x128xf32>
    %dot_general3A_1033 = arith.constant dense<0.000000e+00> : vector<512x128xf32>
    %dot_general3A_1034 = tpu.matmul %convert_element_type3A_1027, %get3A_1032, %dot_general3A_1033 {dimension_numbers = #tpu.dot_dimension_numbers<[1], [0], [0], [1], [0, 0, 1, 1], [], []>, transpose_lhs_hint = false} : vector<512x128xf32>, vector<128x128xf32>, vector<512x128xf32> -> vector<512x128xf32>
    %add3A_1035 = arith.addf %add3A_1020, %dot_general3A_1034 : vector<512x128xf32>
    %shift_right_arithmetic3A_1036 = arith.constant 4 : i32
    %shift_right_arithmetic3A_1037 = vector.broadcast %shift_right_arithmetic3A_1036 : i32 to vector<512x128xi32>
    %shift_right_arithmetic3A_1038 = arith.shrsi %and3A_975, %shift_right_arithmetic3A_1037 : vector<512x128xi32>
    %and3A_1039 = arith.constant 1 : i32
    %and3A_1040 = vector.broadcast %and3A_1039 : i32 to vector<512x128xi32>
    %and3A_1041 = arith.andi %shift_right_arithmetic3A_1038, %and3A_1040 : vector<512x128xi32>
    %convert_element_type3A_1042 = arith.sitofp %and3A_1041 : vector<512x128xi32> to vector<512x128xf32>
    %get3A_1043 = arith.constant 256 : index
    %get3A_1044 = arith.constant 4 : index
    %get3A_1045 = arith.constant 0 : index
    %get3A_1046 = vector.load %arg5[%get3A_1043, %get3A_1044, %get3A_1045] : memref<384x32x128xf32, #tpu.memory_space<vmem>>, vector<128x1x128xf32>
    %get3A_1047 = vector.shape_cast %get3A_1046 : vector<128x1x128xf32> to vector<128x128xf32>
    %dot_general3A_1048 = arith.constant dense<0.000000e+00> : vector<512x128xf32>
    %dot_general3A_1049 = tpu.matmul %convert_element_type3A_1042, %get3A_1047, %dot_general3A_1048 {dimension_numbers = #tpu.dot_dimension_numbers<[1], [0], [0], [1], [0, 0, 1, 1], [], []>, transpose_lhs_hint = false} : vector<512x128xf32>, vector<128x128xf32>, vector<512x128xf32> -> vector<512x128xf32>
    %add3A_1050 = arith.addf %add3A_1035, %dot_general3A_1049 : vector<512x128xf32>
    %shift_right_arithmetic3A_1051 = arith.constant 5 : i32
    %shift_right_arithmetic3A_1052 = vector.broadcast %shift_right_arithmetic3A_1051 : i32 to vector<512x128xi32>
    %shift_right_arithmetic3A_1053 = arith.shrsi %and3A_975, %shift_right_arithmetic3A_1052 : vector<512x128xi32>
    %and3A_1054 = arith.constant 1 : i32
    %and3A_1055 = vector.broadcast %and3A_1054 : i32 to vector<512x128xi32>
    %and3A_1056 = arith.andi %shift_right_arithmetic3A_1053, %and3A_1055 : vector<512x128xi32>
    %convert_element_type3A_1057 = arith.sitofp %and3A_1056 : vector<512x128xi32> to vector<512x128xf32>
    %get3A_1058 = arith.constant 256 : index
    %get3A_1059 = arith.constant 5 : index
    %get3A_1060 = arith.constant 0 : index
    %get3A_1061 = vector.load %arg5[%get3A_1058, %get3A_1059, %get3A_1060] : memref<384x32x128xf32, #tpu.memory_space<vmem>>, vector<128x1x128xf32>
    %get3A_1062 = vector.shape_cast %get3A_1061 : vector<128x1x128xf32> to vector<128x128xf32>
    %dot_general3A_1063 = arith.constant dense<0.000000e+00> : vector<512x128xf32>
    %dot_general3A_1064 = tpu.matmul %convert_element_type3A_1057, %get3A_1062, %dot_general3A_1063 {dimension_numbers = #tpu.dot_dimension_numbers<[1], [0], [0], [1], [0, 0, 1, 1], [], []>, transpose_lhs_hint = false} : vector<512x128xf32>, vector<128x128xf32>, vector<512x128xf32> -> vector<512x128xf32>
    %add3A_1065 = arith.addf %add3A_1050, %dot_general3A_1064 : vector<512x128xf32>
    %shift_right_arithmetic3A_1066 = arith.constant 6 : i32
    %shift_right_arithmetic3A_1067 = vector.broadcast %shift_right_arithmetic3A_1066 : i32 to vector<512x128xi32>
    %shift_right_arithmetic3A_1068 = arith.shrsi %and3A_975, %shift_right_arithmetic3A_1067 : vector<512x128xi32>
    %and3A_1069 = arith.constant 1 : i32
    %and3A_1070 = vector.broadcast %and3A_1069 : i32 to vector<512x128xi32>
    %and3A_1071 = arith.andi %shift_right_arithmetic3A_1068, %and3A_1070 : vector<512x128xi32>
    %convert_element_type3A_1072 = arith.sitofp %and3A_1071 : vector<512x128xi32> to vector<512x128xf32>
    %get3A_1073 = arith.constant 256 : index
    %get3A_1074 = arith.constant 6 : index
    %get3A_1075 = arith.constant 0 : index
    %get3A_1076 = vector.load %arg5[%get3A_1073, %get3A_1074, %get3A_1075] : memref<384x32x128xf32, #tpu.memory_space<vmem>>, vector<128x1x128xf32>
    %get3A_1077 = vector.shape_cast %get3A_1076 : vector<128x1x128xf32> to vector<128x128xf32>
    %dot_general3A_1078 = arith.constant dense<0.000000e+00> : vector<512x128xf32>
    %dot_general3A_1079 = tpu.matmul %convert_element_type3A_1072, %get3A_1077, %dot_general3A_1078 {dimension_numbers = #tpu.dot_dimension_numbers<[1], [0], [0], [1], [0, 0, 1, 1], [], []>, transpose_lhs_hint = false} : vector<512x128xf32>, vector<128x128xf32>, vector<512x128xf32> -> vector<512x128xf32>
    %add3A_1080 = arith.addf %add3A_1065, %dot_general3A_1079 : vector<512x128xf32>
    %shift_right_arithmetic3A_1081 = arith.constant 7 : i32
    %shift_right_arithmetic3A_1082 = vector.broadcast %shift_right_arithmetic3A_1081 : i32 to vector<512x128xi32>
    %shift_right_arithmetic3A_1083 = arith.shrsi %and3A_975, %shift_right_arithmetic3A_1082 : vector<512x128xi32>
    %and3A_1084 = arith.constant 1 : i32
    %and3A_1085 = vector.broadcast %and3A_1084 : i32 to vector<512x128xi32>
    %and3A_1086 = arith.andi %shift_right_arithmetic3A_1083, %and3A_1085 : vector<512x128xi32>
    %convert_element_type3A_1087 = arith.sitofp %and3A_1086 : vector<512x128xi32> to vector<512x128xf32>
    %get3A_1088 = arith.constant 256 : index
    %get3A_1089 = arith.constant 7 : index
    %get3A_1090 = arith.constant 0 : index
    %get3A_1091 = vector.load %arg5[%get3A_1088, %get3A_1089, %get3A_1090] : memref<384x32x128xf32, #tpu.memory_space<vmem>>, vector<128x1x128xf32>
    %get3A_1092 = vector.shape_cast %get3A_1091 : vector<128x1x128xf32> to vector<128x128xf32>
    %dot_general3A_1093 = arith.constant dense<0.000000e+00> : vector<512x128xf32>
    %dot_general3A_1094 = tpu.matmul %convert_element_type3A_1087, %get3A_1092, %dot_general3A_1093 {dimension_numbers = #tpu.dot_dimension_numbers<[1], [0], [0], [1], [0, 0, 1, 1], [], []>, transpose_lhs_hint = false} : vector<512x128xf32>, vector<128x128xf32>, vector<512x128xf32> -> vector<512x128xf32>
    %add3A_1095 = arith.addf %add3A_1080, %dot_general3A_1094 : vector<512x128xf32>
    %shift_right_arithmetic3A_1096 = arith.constant 8 : i32
    %shift_right_arithmetic3A_1097 = vector.broadcast %shift_right_arithmetic3A_1096 : i32 to vector<512x128xi32>
    %shift_right_arithmetic3A_1098 = arith.shrsi %and3A_975, %shift_right_arithmetic3A_1097 : vector<512x128xi32>
    %and3A_1099 = arith.constant 1 : i32
    %and3A_1100 = vector.broadcast %and3A_1099 : i32 to vector<512x128xi32>
    %and3A_1101 = arith.andi %shift_right_arithmetic3A_1098, %and3A_1100 : vector<512x128xi32>
    %convert_element_type3A_1102 = arith.sitofp %and3A_1101 : vector<512x128xi32> to vector<512x128xf32>
    %get3A_1103 = arith.constant 256 : index
    %get3A_1104 = arith.constant 8 : index
    %get3A_1105 = arith.constant 0 : index
    %get3A_1106 = vector.load %arg5[%get3A_1103, %get3A_1104, %get3A_1105] : memref<384x32x128xf32, #tpu.memory_space<vmem>>, vector<128x1x128xf32>
    %get3A_1107 = vector.shape_cast %get3A_1106 : vector<128x1x128xf32> to vector<128x128xf32>
    %dot_general3A_1108 = arith.constant dense<0.000000e+00> : vector<512x128xf32>
    %dot_general3A_1109 = tpu.matmul %convert_element_type3A_1102, %get3A_1107, %dot_general3A_1108 {dimension_numbers = #tpu.dot_dimension_numbers<[1], [0], [0], [1], [0, 0, 1, 1], [], []>, transpose_lhs_hint = false} : vector<512x128xf32>, vector<128x128xf32>, vector<512x128xf32> -> vector<512x128xf32>
    %add3A_1110 = arith.addf %add3A_1095, %dot_general3A_1109 : vector<512x128xf32>
    %shift_right_arithmetic3A_1111 = arith.constant 9 : i32
    %shift_right_arithmetic3A_1112 = vector.broadcast %shift_right_arithmetic3A_1111 : i32 to vector<512x128xi32>
    %shift_right_arithmetic3A_1113 = arith.shrsi %and3A_975, %shift_right_arithmetic3A_1112 : vector<512x128xi32>
    %and3A_1114 = arith.constant 1 : i32
    %and3A_1115 = vector.broadcast %and3A_1114 : i32 to vector<512x128xi32>
    %and3A_1116 = arith.andi %shift_right_arithmetic3A_1113, %and3A_1115 : vector<512x128xi32>
    %convert_element_type3A_1117 = arith.sitofp %and3A_1116 : vector<512x128xi32> to vector<512x128xf32>
    %get3A_1118 = arith.constant 256 : index
    %get3A_1119 = arith.constant 9 : index
    %get3A_1120 = arith.constant 0 : index
    %get3A_1121 = vector.load %arg5[%get3A_1118, %get3A_1119, %get3A_1120] : memref<384x32x128xf32, #tpu.memory_space<vmem>>, vector<128x1x128xf32>
    %get3A_1122 = vector.shape_cast %get3A_1121 : vector<128x1x128xf32> to vector<128x128xf32>
    %dot_general3A_1123 = arith.constant dense<0.000000e+00> : vector<512x128xf32>
    %dot_general3A_1124 = tpu.matmul %convert_element_type3A_1117, %get3A_1122, %dot_general3A_1123 {dimension_numbers = #tpu.dot_dimension_numbers<[1], [0], [0], [1], [0, 0, 1, 1], [], []>, transpose_lhs_hint = false} : vector<512x128xf32>, vector<128x128xf32>, vector<512x128xf32> -> vector<512x128xf32>
    %add3A_1125 = arith.addf %add3A_1110, %dot_general3A_1124 : vector<512x128xf32>
    %shift_right_arithmetic3A_1126 = arith.constant 10 : i32
    %shift_right_arithmetic3A_1127 = vector.broadcast %shift_right_arithmetic3A_1126 : i32 to vector<512x128xi32>
    %shift_right_arithmetic3A_1128 = arith.shrsi %and3A_975, %shift_right_arithmetic3A_1127 : vector<512x128xi32>
    %and3A_1129 = arith.constant 1 : i32
    %and3A_1130 = vector.broadcast %and3A_1129 : i32 to vector<512x128xi32>
    %and3A_1131 = arith.andi %shift_right_arithmetic3A_1128, %and3A_1130 : vector<512x128xi32>
    %convert_element_type3A_1132 = arith.sitofp %and3A_1131 : vector<512x128xi32> to vector<512x128xf32>
    %get3A_1133 = arith.constant 256 : index
    %get3A_1134 = arith.constant 10 : index
    %get3A_1135 = arith.constant 0 : index
    %get3A_1136 = vector.load %arg5[%get3A_1133, %get3A_1134, %get3A_1135] : memref<384x32x128xf32, #tpu.memory_space<vmem>>, vector<128x1x128xf32>
    %get3A_1137 = vector.shape_cast %get3A_1136 : vector<128x1x128xf32> to vector<128x128xf32>
    %dot_general3A_1138 = arith.constant dense<0.000000e+00> : vector<512x128xf32>
    %dot_general3A_1139 = tpu.matmul %convert_element_type3A_1132, %get3A_1137, %dot_general3A_1138 {dimension_numbers = #tpu.dot_dimension_numbers<[1], [0], [0], [1], [0, 0, 1, 1], [], []>, transpose_lhs_hint = false} : vector<512x128xf32>, vector<128x128xf32>, vector<512x128xf32> -> vector<512x128xf32>
    %add3A_1140 = arith.addf %add3A_1125, %dot_general3A_1139 : vector<512x128xf32>
    %shift_right_arithmetic3A_1141 = arith.constant 11 : i32
    %shift_right_arithmetic3A_1142 = vector.broadcast %shift_right_arithmetic3A_1141 : i32 to vector<512x128xi32>
    %shift_right_arithmetic3A_1143 = arith.shrsi %and3A_975, %shift_right_arithmetic3A_1142 : vector<512x128xi32>
    %and3A_1144 = arith.constant 1 : i32
    %and3A_1145 = vector.broadcast %and3A_1144 : i32 to vector<512x128xi32>
    %and3A_1146 = arith.andi %shift_right_arithmetic3A_1143, %and3A_1145 : vector<512x128xi32>
    %convert_element_type3A_1147 = arith.sitofp %and3A_1146 : vector<512x128xi32> to vector<512x128xf32>
    %get3A_1148 = arith.constant 256 : index
    %get3A_1149 = arith.constant 11 : index
    %get3A_1150 = arith.constant 0 : index
    %get3A_1151 = vector.load %arg5[%get3A_1148, %get3A_1149, %get3A_1150] : memref<384x32x128xf32, #tpu.memory_space<vmem>>, vector<128x1x128xf32>
    %get3A_1152 = vector.shape_cast %get3A_1151 : vector<128x1x128xf32> to vector<128x128xf32>
    %dot_general3A_1153 = arith.constant dense<0.000000e+00> : vector<512x128xf32>
    %dot_general3A_1154 = tpu.matmul %convert_element_type3A_1147, %get3A_1152, %dot_general3A_1153 {dimension_numbers = #tpu.dot_dimension_numbers<[1], [0], [0], [1], [0, 0, 1, 1], [], []>, transpose_lhs_hint = false} : vector<512x128xf32>, vector<128x128xf32>, vector<512x128xf32> -> vector<512x128xf32>
    %add3A_1155 = arith.addf %add3A_1140, %dot_general3A_1154 : vector<512x128xf32>
    %shift_right_arithmetic3A_1156 = arith.constant 12 : i32
    %shift_right_arithmetic3A_1157 = vector.broadcast %shift_right_arithmetic3A_1156 : i32 to vector<512x128xi32>
    %shift_right_arithmetic3A_1158 = arith.shrsi %and3A_975, %shift_right_arithmetic3A_1157 : vector<512x128xi32>
    %and3A_1159 = arith.constant 1 : i32
    %and3A_1160 = vector.broadcast %and3A_1159 : i32 to vector<512x128xi32>
    %and3A_1161 = arith.andi %shift_right_arithmetic3A_1158, %and3A_1160 : vector<512x128xi32>
    %convert_element_type3A_1162 = arith.sitofp %and3A_1161 : vector<512x128xi32> to vector<512x128xf32>
    %get3A_1163 = arith.constant 256 : index
    %get3A_1164 = arith.constant 12 : index
    %get3A_1165 = arith.constant 0 : index
    %get3A_1166 = vector.load %arg5[%get3A_1163, %get3A_1164, %get3A_1165] : memref<384x32x128xf32, #tpu.memory_space<vmem>>, vector<128x1x128xf32>
    %get3A_1167 = vector.shape_cast %get3A_1166 : vector<128x1x128xf32> to vector<128x128xf32>
    %dot_general3A_1168 = arith.constant dense<0.000000e+00> : vector<512x128xf32>
    %dot_general3A_1169 = tpu.matmul %convert_element_type3A_1162, %get3A_1167, %dot_general3A_1168 {dimension_numbers = #tpu.dot_dimension_numbers<[1], [0], [0], [1], [0, 0, 1, 1], [], []>, transpose_lhs_hint = false} : vector<512x128xf32>, vector<128x128xf32>, vector<512x128xf32> -> vector<512x128xf32>
    %add3A_1170 = arith.addf %add3A_1155, %dot_general3A_1169 : vector<512x128xf32>
    %shift_right_arithmetic3A_1171 = arith.constant 13 : i32
    %shift_right_arithmetic3A_1172 = vector.broadcast %shift_right_arithmetic3A_1171 : i32 to vector<512x128xi32>
    %shift_right_arithmetic3A_1173 = arith.shrsi %and3A_975, %shift_right_arithmetic3A_1172 : vector<512x128xi32>
    %and3A_1174 = arith.constant 1 : i32
    %and3A_1175 = vector.broadcast %and3A_1174 : i32 to vector<512x128xi32>
    %and3A_1176 = arith.andi %shift_right_arithmetic3A_1173, %and3A_1175 : vector<512x128xi32>
    %convert_element_type3A_1177 = arith.sitofp %and3A_1176 : vector<512x128xi32> to vector<512x128xf32>
    %get3A_1178 = arith.constant 256 : index
    %get3A_1179 = arith.constant 13 : index
    %get3A_1180 = arith.constant 0 : index
    %get3A_1181 = vector.load %arg5[%get3A_1178, %get3A_1179, %get3A_1180] : memref<384x32x128xf32, #tpu.memory_space<vmem>>, vector<128x1x128xf32>
    %get3A_1182 = vector.shape_cast %get3A_1181 : vector<128x1x128xf32> to vector<128x128xf32>
    %dot_general3A_1183 = arith.constant dense<0.000000e+00> : vector<512x128xf32>
    %dot_general3A_1184 = tpu.matmul %convert_element_type3A_1177, %get3A_1182, %dot_general3A_1183 {dimension_numbers = #tpu.dot_dimension_numbers<[1], [0], [0], [1], [0, 0, 1, 1], [], []>, transpose_lhs_hint = false} : vector<512x128xf32>, vector<128x128xf32>, vector<512x128xf32> -> vector<512x128xf32>
    %add3A_1185 = arith.addf %add3A_1170, %dot_general3A_1184 : vector<512x128xf32>
    %shift_right_arithmetic3A_1186 = arith.constant 14 : i32
    %shift_right_arithmetic3A_1187 = vector.broadcast %shift_right_arithmetic3A_1186 : i32 to vector<512x128xi32>
    %shift_right_arithmetic3A_1188 = arith.shrsi %and3A_975, %shift_right_arithmetic3A_1187 : vector<512x128xi32>
    %and3A_1189 = arith.constant 1 : i32
    %and3A_1190 = vector.broadcast %and3A_1189 : i32 to vector<512x128xi32>
    %and3A_1191 = arith.andi %shift_right_arithmetic3A_1188, %and3A_1190 : vector<512x128xi32>
    %convert_element_type3A_1192 = arith.sitofp %and3A_1191 : vector<512x128xi32> to vector<512x128xf32>
    %get3A_1193 = arith.constant 256 : index
    %get3A_1194 = arith.constant 14 : index
    %get3A_1195 = arith.constant 0 : index
    %get3A_1196 = vector.load %arg5[%get3A_1193, %get3A_1194, %get3A_1195] : memref<384x32x128xf32, #tpu.memory_space<vmem>>, vector<128x1x128xf32>
    %get3A_1197 = vector.shape_cast %get3A_1196 : vector<128x1x128xf32> to vector<128x128xf32>
    %dot_general3A_1198 = arith.constant dense<0.000000e+00> : vector<512x128xf32>
    %dot_general3A_1199 = tpu.matmul %convert_element_type3A_1192, %get3A_1197, %dot_general3A_1198 {dimension_numbers = #tpu.dot_dimension_numbers<[1], [0], [0], [1], [0, 0, 1, 1], [], []>, transpose_lhs_hint = false} : vector<512x128xf32>, vector<128x128xf32>, vector<512x128xf32> -> vector<512x128xf32>
    %add3A_1200 = arith.addf %add3A_1185, %dot_general3A_1199 : vector<512x128xf32>
    %shift_right_arithmetic3A_1201 = arith.constant 15 : i32
    %shift_right_arithmetic3A_1202 = vector.broadcast %shift_right_arithmetic3A_1201 : i32 to vector<512x128xi32>
    %shift_right_arithmetic3A_1203 = arith.shrsi %and3A_975, %shift_right_arithmetic3A_1202 : vector<512x128xi32>
    %and3A_1204 = arith.constant 1 : i32
    %and3A_1205 = vector.broadcast %and3A_1204 : i32 to vector<512x128xi32>
    %and3A_1206 = arith.andi %shift_right_arithmetic3A_1203, %and3A_1205 : vector<512x128xi32>
    %convert_element_type3A_1207 = arith.sitofp %and3A_1206 : vector<512x128xi32> to vector<512x128xf32>
    %get3A_1208 = arith.constant 256 : index
    %get3A_1209 = arith.constant 15 : index
    %get3A_1210 = arith.constant 0 : index
    %get3A_1211 = vector.load %arg5[%get3A_1208, %get3A_1209, %get3A_1210] : memref<384x32x128xf32, #tpu.memory_space<vmem>>, vector<128x1x128xf32>
    %get3A_1212 = vector.shape_cast %get3A_1211 : vector<128x1x128xf32> to vector<128x128xf32>
    %dot_general3A_1213 = arith.constant dense<0.000000e+00> : vector<512x128xf32>
    %dot_general3A_1214 = tpu.matmul %convert_element_type3A_1207, %get3A_1212, %dot_general3A_1213 {dimension_numbers = #tpu.dot_dimension_numbers<[1], [0], [0], [1], [0, 0, 1, 1], [], []>, transpose_lhs_hint = false} : vector<512x128xf32>, vector<128x128xf32>, vector<512x128xf32> -> vector<512x128xf32>
    %add3A_1215 = arith.addf %add3A_1200, %dot_general3A_1214 : vector<512x128xf32>
    %shift_right_arithmetic3A_1216 = arith.constant 16 : i32
    %shift_right_arithmetic3A_1217 = vector.broadcast %shift_right_arithmetic3A_1216 : i32 to vector<512x128xi32>
    %shift_right_arithmetic3A_1218 = arith.shrsi %and3A_975, %shift_right_arithmetic3A_1217 : vector<512x128xi32>
    %and3A_1219 = arith.constant 1 : i32
    %and3A_1220 = vector.broadcast %and3A_1219 : i32 to vector<512x128xi32>
    %and3A_1221 = arith.andi %shift_right_arithmetic3A_1218, %and3A_1220 : vector<512x128xi32>
    %convert_element_type3A_1222 = arith.sitofp %and3A_1221 : vector<512x128xi32> to vector<512x128xf32>
    %get3A_1223 = arith.constant 256 : index
    %get3A_1224 = arith.constant 16 : index
    %get3A_1225 = arith.constant 0 : index
    %get3A_1226 = vector.load %arg5[%get3A_1223, %get3A_1224, %get3A_1225] : memref<384x32x128xf32, #tpu.memory_space<vmem>>, vector<128x1x128xf32>
    %get3A_1227 = vector.shape_cast %get3A_1226 : vector<128x1x128xf32> to vector<128x128xf32>
    %dot_general3A_1228 = arith.constant dense<0.000000e+00> : vector<512x128xf32>
    %dot_general3A_1229 = tpu.matmul %convert_element_type3A_1222, %get3A_1227, %dot_general3A_1228 {dimension_numbers = #tpu.dot_dimension_numbers<[1], [0], [0], [1], [0, 0, 1, 1], [], []>, transpose_lhs_hint = false} : vector<512x128xf32>, vector<128x128xf32>, vector<512x128xf32> -> vector<512x128xf32>
    %add3A_1230 = arith.addf %add3A_1215, %dot_general3A_1229 : vector<512x128xf32>
    %shift_right_arithmetic3A_1231 = arith.constant 17 : i32
    %shift_right_arithmetic3A_1232 = vector.broadcast %shift_right_arithmetic3A_1231 : i32 to vector<512x128xi32>
    %shift_right_arithmetic3A_1233 = arith.shrsi %and3A_975, %shift_right_arithmetic3A_1232 : vector<512x128xi32>
    %and3A_1234 = arith.constant 1 : i32
    %and3A_1235 = vector.broadcast %and3A_1234 : i32 to vector<512x128xi32>
    %and3A_1236 = arith.andi %shift_right_arithmetic3A_1233, %and3A_1235 : vector<512x128xi32>
    %convert_element_type3A_1237 = arith.sitofp %and3A_1236 : vector<512x128xi32> to vector<512x128xf32>
    %get3A_1238 = arith.constant 256 : index
    %get3A_1239 = arith.constant 17 : index
    %get3A_1240 = arith.constant 0 : index
    %get3A_1241 = vector.load %arg5[%get3A_1238, %get3A_1239, %get3A_1240] : memref<384x32x128xf32, #tpu.memory_space<vmem>>, vector<128x1x128xf32>
    %get3A_1242 = vector.shape_cast %get3A_1241 : vector<128x1x128xf32> to vector<128x128xf32>
    %dot_general3A_1243 = arith.constant dense<0.000000e+00> : vector<512x128xf32>
    %dot_general3A_1244 = tpu.matmul %convert_element_type3A_1237, %get3A_1242, %dot_general3A_1243 {dimension_numbers = #tpu.dot_dimension_numbers<[1], [0], [0], [1], [0, 0, 1, 1], [], []>, transpose_lhs_hint = false} : vector<512x128xf32>, vector<128x128xf32>, vector<512x128xf32> -> vector<512x128xf32>
    %add3A_1245 = arith.addf %add3A_1230, %dot_general3A_1244 : vector<512x128xf32>
    %shift_right_arithmetic3A_1246 = arith.constant 18 : i32
    %shift_right_arithmetic3A_1247 = vector.broadcast %shift_right_arithmetic3A_1246 : i32 to vector<512x128xi32>
    %shift_right_arithmetic3A_1248 = arith.shrsi %and3A_975, %shift_right_arithmetic3A_1247 : vector<512x128xi32>
    %and3A_1249 = arith.constant 1 : i32
    %and3A_1250 = vector.broadcast %and3A_1249 : i32 to vector<512x128xi32>
    %and3A_1251 = arith.andi %shift_right_arithmetic3A_1248, %and3A_1250 : vector<512x128xi32>
    %convert_element_type3A_1252 = arith.sitofp %and3A_1251 : vector<512x128xi32> to vector<512x128xf32>
    %get3A_1253 = arith.constant 256 : index
    %get3A_1254 = arith.constant 18 : index
    %get3A_1255 = arith.constant 0 : index
    %get3A_1256 = vector.load %arg5[%get3A_1253, %get3A_1254, %get3A_1255] : memref<384x32x128xf32, #tpu.memory_space<vmem>>, vector<128x1x128xf32>
    %get3A_1257 = vector.shape_cast %get3A_1256 : vector<128x1x128xf32> to vector<128x128xf32>
    %dot_general3A_1258 = arith.constant dense<0.000000e+00> : vector<512x128xf32>
    %dot_general3A_1259 = tpu.matmul %convert_element_type3A_1252, %get3A_1257, %dot_general3A_1258 {dimension_numbers = #tpu.dot_dimension_numbers<[1], [0], [0], [1], [0, 0, 1, 1], [], []>, transpose_lhs_hint = false} : vector<512x128xf32>, vector<128x128xf32>, vector<512x128xf32> -> vector<512x128xf32>
    %add3A_1260 = arith.addf %add3A_1245, %dot_general3A_1259 : vector<512x128xf32>
    %shift_right_arithmetic3A_1261 = arith.constant 19 : i32
    %shift_right_arithmetic3A_1262 = vector.broadcast %shift_right_arithmetic3A_1261 : i32 to vector<512x128xi32>
    %shift_right_arithmetic3A_1263 = arith.shrsi %and3A_975, %shift_right_arithmetic3A_1262 : vector<512x128xi32>
    %and3A_1264 = arith.constant 1 : i32
    %and3A_1265 = vector.broadcast %and3A_1264 : i32 to vector<512x128xi32>
    %and3A_1266 = arith.andi %shift_right_arithmetic3A_1263, %and3A_1265 : vector<512x128xi32>
    %convert_element_type3A_1267 = arith.sitofp %and3A_1266 : vector<512x128xi32> to vector<512x128xf32>
    %get3A_1268 = arith.constant 256 : index
    %get3A_1269 = arith.constant 19 : index
    %get3A_1270 = arith.constant 0 : index
    %get3A_1271 = vector.load %arg5[%get3A_1268, %get3A_1269, %get3A_1270] : memref<384x32x128xf32, #tpu.memory_space<vmem>>, vector<128x1x128xf32>
    %get3A_1272 = vector.shape_cast %get3A_1271 : vector<128x1x128xf32> to vector<128x128xf32>
    %dot_general3A_1273 = arith.constant dense<0.000000e+00> : vector<512x128xf32>
    %dot_general3A_1274 = tpu.matmul %convert_element_type3A_1267, %get3A_1272, %dot_general3A_1273 {dimension_numbers = #tpu.dot_dimension_numbers<[1], [0], [0], [1], [0, 0, 1, 1], [], []>, transpose_lhs_hint = false} : vector<512x128xf32>, vector<128x128xf32>, vector<512x128xf32> -> vector<512x128xf32>
    %add3A_1275 = arith.addf %add3A_1260, %dot_general3A_1274 : vector<512x128xf32>
    %shift_right_arithmetic3A_1276 = arith.constant 20 : i32
    %shift_right_arithmetic3A_1277 = vector.broadcast %shift_right_arithmetic3A_1276 : i32 to vector<512x128xi32>
    %shift_right_arithmetic3A_1278 = arith.shrsi %and3A_975, %shift_right_arithmetic3A_1277 : vector<512x128xi32>
    %and3A_1279 = arith.constant 1 : i32
    %and3A_1280 = vector.broadcast %and3A_1279 : i32 to vector<512x128xi32>
    %and3A_1281 = arith.andi %shift_right_arithmetic3A_1278, %and3A_1280 : vector<512x128xi32>
    %convert_element_type3A_1282 = arith.sitofp %and3A_1281 : vector<512x128xi32> to vector<512x128xf32>
    %get3A_1283 = arith.constant 256 : index
    %get3A_1284 = arith.constant 20 : index
    %get3A_1285 = arith.constant 0 : index
    %get3A_1286 = vector.load %arg5[%get3A_1283, %get3A_1284, %get3A_1285] : memref<384x32x128xf32, #tpu.memory_space<vmem>>, vector<128x1x128xf32>
    %get3A_1287 = vector.shape_cast %get3A_1286 : vector<128x1x128xf32> to vector<128x128xf32>
    %dot_general3A_1288 = arith.constant dense<0.000000e+00> : vector<512x128xf32>
    %dot_general3A_1289 = tpu.matmul %convert_element_type3A_1282, %get3A_1287, %dot_general3A_1288 {dimension_numbers = #tpu.dot_dimension_numbers<[1], [0], [0], [1], [0, 0, 1, 1], [], []>, transpose_lhs_hint = false} : vector<512x128xf32>, vector<128x128xf32>, vector<512x128xf32> -> vector<512x128xf32>
    %add3A_1290 = arith.addf %add3A_1275, %dot_general3A_1289 : vector<512x128xf32>
    %shift_right_arithmetic3A_1291 = arith.constant 21 : i32
    %shift_right_arithmetic3A_1292 = vector.broadcast %shift_right_arithmetic3A_1291 : i32 to vector<512x128xi32>
    %shift_right_arithmetic3A_1293 = arith.shrsi %and3A_975, %shift_right_arithmetic3A_1292 : vector<512x128xi32>
    %and3A_1294 = arith.constant 1 : i32
    %and3A_1295 = vector.broadcast %and3A_1294 : i32 to vector<512x128xi32>
    %and3A_1296 = arith.andi %shift_right_arithmetic3A_1293, %and3A_1295 : vector<512x128xi32>
    %convert_element_type3A_1297 = arith.sitofp %and3A_1296 : vector<512x128xi32> to vector<512x128xf32>
    %get3A_1298 = arith.constant 256 : index
    %get3A_1299 = arith.constant 21 : index
    %get3A_1300 = arith.constant 0 : index
    %get3A_1301 = vector.load %arg5[%get3A_1298, %get3A_1299, %get3A_1300] : memref<384x32x128xf32, #tpu.memory_space<vmem>>, vector<128x1x128xf32>
    %get3A_1302 = vector.shape_cast %get3A_1301 : vector<128x1x128xf32> to vector<128x128xf32>
    %dot_general3A_1303 = arith.constant dense<0.000000e+00> : vector<512x128xf32>
    %dot_general3A_1304 = tpu.matmul %convert_element_type3A_1297, %get3A_1302, %dot_general3A_1303 {dimension_numbers = #tpu.dot_dimension_numbers<[1], [0], [0], [1], [0, 0, 1, 1], [], []>, transpose_lhs_hint = false} : vector<512x128xf32>, vector<128x128xf32>, vector<512x128xf32> -> vector<512x128xf32>
    %add3A_1305 = arith.addf %add3A_1290, %dot_general3A_1304 : vector<512x128xf32>
    %shift_right_arithmetic3A_1306 = arith.constant 22 : i32
    %shift_right_arithmetic3A_1307 = vector.broadcast %shift_right_arithmetic3A_1306 : i32 to vector<512x128xi32>
    %shift_right_arithmetic3A_1308 = arith.shrsi %and3A_975, %shift_right_arithmetic3A_1307 : vector<512x128xi32>
    %and3A_1309 = arith.constant 1 : i32
    %and3A_1310 = vector.broadcast %and3A_1309 : i32 to vector<512x128xi32>
    %and3A_1311 = arith.andi %shift_right_arithmetic3A_1308, %and3A_1310 : vector<512x128xi32>
    %convert_element_type3A_1312 = arith.sitofp %and3A_1311 : vector<512x128xi32> to vector<512x128xf32>
    %get3A_1313 = arith.constant 256 : index
    %get3A_1314 = arith.constant 22 : index
    %get3A_1315 = arith.constant 0 : index
    %get3A_1316 = vector.load %arg5[%get3A_1313, %get3A_1314, %get3A_1315] : memref<384x32x128xf32, #tpu.memory_space<vmem>>, vector<128x1x128xf32>
    %get3A_1317 = vector.shape_cast %get3A_1316 : vector<128x1x128xf32> to vector<128x128xf32>
    %dot_general3A_1318 = arith.constant dense<0.000000e+00> : vector<512x128xf32>
    %dot_general3A_1319 = tpu.matmul %convert_element_type3A_1312, %get3A_1317, %dot_general3A_1318 {dimension_numbers = #tpu.dot_dimension_numbers<[1], [0], [0], [1], [0, 0, 1, 1], [], []>, transpose_lhs_hint = false} : vector<512x128xf32>, vector<128x128xf32>, vector<512x128xf32> -> vector<512x128xf32>
    %add3A_1320 = arith.addf %add3A_1305, %dot_general3A_1319 : vector<512x128xf32>
    %shift_right_arithmetic3A_1321 = arith.constant 23 : i32
    %shift_right_arithmetic3A_1322 = vector.broadcast %shift_right_arithmetic3A_1321 : i32 to vector<512x128xi32>
    %shift_right_arithmetic3A_1323 = arith.shrsi %and3A_975, %shift_right_arithmetic3A_1322 : vector<512x128xi32>
    %and3A_1324 = arith.constant 1 : i32
    %and3A_1325 = vector.broadcast %and3A_1324 : i32 to vector<512x128xi32>
    %and3A_1326 = arith.andi %shift_right_arithmetic3A_1323, %and3A_1325 : vector<512x128xi32>
    %convert_element_type3A_1327 = arith.sitofp %and3A_1326 : vector<512x128xi32> to vector<512x128xf32>
    %get3A_1328 = arith.constant 256 : index
    %get3A_1329 = arith.constant 23 : index
    %get3A_1330 = arith.constant 0 : index
    %get3A_1331 = vector.load %arg5[%get3A_1328, %get3A_1329, %get3A_1330] : memref<384x32x128xf32, #tpu.memory_space<vmem>>, vector<128x1x128xf32>
    %get3A_1332 = vector.shape_cast %get3A_1331 : vector<128x1x128xf32> to vector<128x128xf32>
    %dot_general3A_1333 = arith.constant dense<0.000000e+00> : vector<512x128xf32>
    %dot_general3A_1334 = tpu.matmul %convert_element_type3A_1327, %get3A_1332, %dot_general3A_1333 {dimension_numbers = #tpu.dot_dimension_numbers<[1], [0], [0], [1], [0, 0, 1, 1], [], []>, transpose_lhs_hint = false} : vector<512x128xf32>, vector<128x128xf32>, vector<512x128xf32> -> vector<512x128xf32>
    %add3A_1335 = arith.addf %add3A_1320, %dot_general3A_1334 : vector<512x128xf32>
    %shift_right_arithmetic3A_1336 = arith.constant 24 : i32
    %shift_right_arithmetic3A_1337 = vector.broadcast %shift_right_arithmetic3A_1336 : i32 to vector<512x128xi32>
    %shift_right_arithmetic3A_1338 = arith.shrsi %and3A_975, %shift_right_arithmetic3A_1337 : vector<512x128xi32>
    %and3A_1339 = arith.constant 1 : i32
    %and3A_1340 = vector.broadcast %and3A_1339 : i32 to vector<512x128xi32>
    %and3A_1341 = arith.andi %shift_right_arithmetic3A_1338, %and3A_1340 : vector<512x128xi32>
    %convert_element_type3A_1342 = arith.sitofp %and3A_1341 : vector<512x128xi32> to vector<512x128xf32>
    %get3A_1343 = arith.constant 256 : index
    %get3A_1344 = arith.constant 24 : index
    %get3A_1345 = arith.constant 0 : index
    %get3A_1346 = vector.load %arg5[%get3A_1343, %get3A_1344, %get3A_1345] : memref<384x32x128xf32, #tpu.memory_space<vmem>>, vector<128x1x128xf32>
    %get3A_1347 = vector.shape_cast %get3A_1346 : vector<128x1x128xf32> to vector<128x128xf32>
    %dot_general3A_1348 = arith.constant dense<0.000000e+00> : vector<512x128xf32>
    %dot_general3A_1349 = tpu.matmul %convert_element_type3A_1342, %get3A_1347, %dot_general3A_1348 {dimension_numbers = #tpu.dot_dimension_numbers<[1], [0], [0], [1], [0, 0, 1, 1], [], []>, transpose_lhs_hint = false} : vector<512x128xf32>, vector<128x128xf32>, vector<512x128xf32> -> vector<512x128xf32>
    %add3A_1350 = arith.addf %add3A_1335, %dot_general3A_1349 : vector<512x128xf32>
    %shift_right_arithmetic3A_1351 = arith.constant 25 : i32
    %shift_right_arithmetic3A_1352 = vector.broadcast %shift_right_arithmetic3A_1351 : i32 to vector<512x128xi32>
    %shift_right_arithmetic3A_1353 = arith.shrsi %and3A_975, %shift_right_arithmetic3A_1352 : vector<512x128xi32>
    %and3A_1354 = arith.constant 1 : i32
    %and3A_1355 = vector.broadcast %and3A_1354 : i32 to vector<512x128xi32>
    %and3A_1356 = arith.andi %shift_right_arithmetic3A_1353, %and3A_1355 : vector<512x128xi32>
    %convert_element_type3A_1357 = arith.sitofp %and3A_1356 : vector<512x128xi32> to vector<512x128xf32>
    %get3A_1358 = arith.constant 256 : index
    %get3A_1359 = arith.constant 25 : index
    %get3A_1360 = arith.constant 0 : index
    %get3A_1361 = vector.load %arg5[%get3A_1358, %get3A_1359, %get3A_1360] : memref<384x32x128xf32, #tpu.memory_space<vmem>>, vector<128x1x128xf32>
    %get3A_1362 = vector.shape_cast %get3A_1361 : vector<128x1x128xf32> to vector<128x128xf32>
    %dot_general3A_1363 = arith.constant dense<0.000000e+00> : vector<512x128xf32>
    %dot_general3A_1364 = tpu.matmul %convert_element_type3A_1357, %get3A_1362, %dot_general3A_1363 {dimension_numbers = #tpu.dot_dimension_numbers<[1], [0], [0], [1], [0, 0, 1, 1], [], []>, transpose_lhs_hint = false} : vector<512x128xf32>, vector<128x128xf32>, vector<512x128xf32> -> vector<512x128xf32>
    %add3A_1365 = arith.addf %add3A_1350, %dot_general3A_1364 : vector<512x128xf32>
    %shift_right_arithmetic3A_1366 = arith.constant 26 : i32
    %shift_right_arithmetic3A_1367 = vector.broadcast %shift_right_arithmetic3A_1366 : i32 to vector<512x128xi32>
    %shift_right_arithmetic3A_1368 = arith.shrsi %and3A_975, %shift_right_arithmetic3A_1367 : vector<512x128xi32>
    %and3A_1369 = arith.constant 1 : i32
    %and3A_1370 = vector.broadcast %and3A_1369 : i32 to vector<512x128xi32>
    %and3A_1371 = arith.andi %shift_right_arithmetic3A_1368, %and3A_1370 : vector<512x128xi32>
    %convert_element_type3A_1372 = arith.sitofp %and3A_1371 : vector<512x128xi32> to vector<512x128xf32>
    %get3A_1373 = arith.constant 256 : index
    %get3A_1374 = arith.constant 26 : index
    %get3A_1375 = arith.constant 0 : index
    %get3A_1376 = vector.load %arg5[%get3A_1373, %get3A_1374, %get3A_1375] : memref<384x32x128xf32, #tpu.memory_space<vmem>>, vector<128x1x128xf32>
    %get3A_1377 = vector.shape_cast %get3A_1376 : vector<128x1x128xf32> to vector<128x128xf32>
    %dot_general3A_1378 = arith.constant dense<0.000000e+00> : vector<512x128xf32>
    %dot_general3A_1379 = tpu.matmul %convert_element_type3A_1372, %get3A_1377, %dot_general3A_1378 {dimension_numbers = #tpu.dot_dimension_numbers<[1], [0], [0], [1], [0, 0, 1, 1], [], []>, transpose_lhs_hint = false} : vector<512x128xf32>, vector<128x128xf32>, vector<512x128xf32> -> vector<512x128xf32>
    %add3A_1380 = arith.addf %add3A_1365, %dot_general3A_1379 : vector<512x128xf32>
    %shift_right_arithmetic3A_1381 = arith.constant 27 : i32
    %shift_right_arithmetic3A_1382 = vector.broadcast %shift_right_arithmetic3A_1381 : i32 to vector<512x128xi32>
    %shift_right_arithmetic3A_1383 = arith.shrsi %and3A_975, %shift_right_arithmetic3A_1382 : vector<512x128xi32>
    %and3A_1384 = arith.constant 1 : i32
    %and3A_1385 = vector.broadcast %and3A_1384 : i32 to vector<512x128xi32>
    %and3A_1386 = arith.andi %shift_right_arithmetic3A_1383, %and3A_1385 : vector<512x128xi32>
    %convert_element_type3A_1387 = arith.sitofp %and3A_1386 : vector<512x128xi32> to vector<512x128xf32>
    %get3A_1388 = arith.constant 256 : index
    %get3A_1389 = arith.constant 27 : index
    %get3A_1390 = arith.constant 0 : index
    %get3A_1391 = vector.load %arg5[%get3A_1388, %get3A_1389, %get3A_1390] : memref<384x32x128xf32, #tpu.memory_space<vmem>>, vector<128x1x128xf32>
    %get3A_1392 = vector.shape_cast %get3A_1391 : vector<128x1x128xf32> to vector<128x128xf32>
    %dot_general3A_1393 = arith.constant dense<0.000000e+00> : vector<512x128xf32>
    %dot_general3A_1394 = tpu.matmul %convert_element_type3A_1387, %get3A_1392, %dot_general3A_1393 {dimension_numbers = #tpu.dot_dimension_numbers<[1], [0], [0], [1], [0, 0, 1, 1], [], []>, transpose_lhs_hint = false} : vector<512x128xf32>, vector<128x128xf32>, vector<512x128xf32> -> vector<512x128xf32>
    %add3A_1395 = arith.addf %add3A_1380, %dot_general3A_1394 : vector<512x128xf32>
    %shift_right_arithmetic3A_1396 = arith.constant 28 : i32
    %shift_right_arithmetic3A_1397 = vector.broadcast %shift_right_arithmetic3A_1396 : i32 to vector<512x128xi32>
    %shift_right_arithmetic3A_1398 = arith.shrsi %and3A_975, %shift_right_arithmetic3A_1397 : vector<512x128xi32>
    %and3A_1399 = arith.constant 1 : i32
    %and3A_1400 = vector.broadcast %and3A_1399 : i32 to vector<512x128xi32>
    %and3A_1401 = arith.andi %shift_right_arithmetic3A_1398, %and3A_1400 : vector<512x128xi32>
    %convert_element_type3A_1402 = arith.sitofp %and3A_1401 : vector<512x128xi32> to vector<512x128xf32>
    %get3A_1403 = arith.constant 256 : index
    %get3A_1404 = arith.constant 28 : index
    %get3A_1405 = arith.constant 0 : index
    %get3A_1406 = vector.load %arg5[%get3A_1403, %get3A_1404, %get3A_1405] : memref<384x32x128xf32, #tpu.memory_space<vmem>>, vector<128x1x128xf32>
    %get3A_1407 = vector.shape_cast %get3A_1406 : vector<128x1x128xf32> to vector<128x128xf32>
    %dot_general3A_1408 = arith.constant dense<0.000000e+00> : vector<512x128xf32>
    %dot_general3A_1409 = tpu.matmul %convert_element_type3A_1402, %get3A_1407, %dot_general3A_1408 {dimension_numbers = #tpu.dot_dimension_numbers<[1], [0], [0], [1], [0, 0, 1, 1], [], []>, transpose_lhs_hint = false} : vector<512x128xf32>, vector<128x128xf32>, vector<512x128xf32> -> vector<512x128xf32>
    %add3A_1410 = arith.addf %add3A_1395, %dot_general3A_1409 : vector<512x128xf32>
    %shift_right_arithmetic3A_1411 = arith.constant 29 : i32
    %shift_right_arithmetic3A_1412 = vector.broadcast %shift_right_arithmetic3A_1411 : i32 to vector<512x128xi32>
    %shift_right_arithmetic3A_1413 = arith.shrsi %and3A_975, %shift_right_arithmetic3A_1412 : vector<512x128xi32>
    %and3A_1414 = arith.constant 1 : i32
    %and3A_1415 = vector.broadcast %and3A_1414 : i32 to vector<512x128xi32>
    %and3A_1416 = arith.andi %shift_right_arithmetic3A_1413, %and3A_1415 : vector<512x128xi32>
    %convert_element_type3A_1417 = arith.sitofp %and3A_1416 : vector<512x128xi32> to vector<512x128xf32>
    %get3A_1418 = arith.constant 256 : index
    %get3A_1419 = arith.constant 29 : index
    %get3A_1420 = arith.constant 0 : index
    %get3A_1421 = vector.load %arg5[%get3A_1418, %get3A_1419, %get3A_1420] : memref<384x32x128xf32, #tpu.memory_space<vmem>>, vector<128x1x128xf32>
    %get3A_1422 = vector.shape_cast %get3A_1421 : vector<128x1x128xf32> to vector<128x128xf32>
    %dot_general3A_1423 = arith.constant dense<0.000000e+00> : vector<512x128xf32>
    %dot_general3A_1424 = tpu.matmul %convert_element_type3A_1417, %get3A_1422, %dot_general3A_1423 {dimension_numbers = #tpu.dot_dimension_numbers<[1], [0], [0], [1], [0, 0, 1, 1], [], []>, transpose_lhs_hint = false} : vector<512x128xf32>, vector<128x128xf32>, vector<512x128xf32> -> vector<512x128xf32>
    %add3A_1425 = arith.addf %add3A_1410, %dot_general3A_1424 : vector<512x128xf32>
    %shift_right_arithmetic3A_1426 = arith.constant 30 : i32
    %shift_right_arithmetic3A_1427 = vector.broadcast %shift_right_arithmetic3A_1426 : i32 to vector<512x128xi32>
    %shift_right_arithmetic3A_1428 = arith.shrsi %and3A_975, %shift_right_arithmetic3A_1427 : vector<512x128xi32>
    %and3A_1429 = arith.constant 1 : i32
    %and3A_1430 = vector.broadcast %and3A_1429 : i32 to vector<512x128xi32>
    %and3A_1431 = arith.andi %shift_right_arithmetic3A_1428, %and3A_1430 : vector<512x128xi32>
    %convert_element_type3A_1432 = arith.sitofp %and3A_1431 : vector<512x128xi32> to vector<512x128xf32>
    %get3A_1433 = arith.constant 256 : index
    %get3A_1434 = arith.constant 30 : index
    %get3A_1435 = arith.constant 0 : index
    %get3A_1436 = vector.load %arg5[%get3A_1433, %get3A_1434, %get3A_1435] : memref<384x32x128xf32, #tpu.memory_space<vmem>>, vector<128x1x128xf32>
    %get3A_1437 = vector.shape_cast %get3A_1436 : vector<128x1x128xf32> to vector<128x128xf32>
    %dot_general3A_1438 = arith.constant dense<0.000000e+00> : vector<512x128xf32>
    %dot_general3A_1439 = tpu.matmul %convert_element_type3A_1432, %get3A_1437, %dot_general3A_1438 {dimension_numbers = #tpu.dot_dimension_numbers<[1], [0], [0], [1], [0, 0, 1, 1], [], []>, transpose_lhs_hint = false} : vector<512x128xf32>, vector<128x128xf32>, vector<512x128xf32> -> vector<512x128xf32>
    %add3A_1440 = arith.addf %add3A_1425, %dot_general3A_1439 : vector<512x128xf32>
    %shift_right_arithmetic3A_1441 = arith.constant 31 : i32
    %shift_right_arithmetic3A_1442 = vector.broadcast %shift_right_arithmetic3A_1441 : i32 to vector<512x128xi32>
    %shift_right_arithmetic3A_1443 = arith.shrsi %and3A_975, %shift_right_arithmetic3A_1442 : vector<512x128xi32>
    %and3A_1444 = arith.constant 1 : i32
    %and3A_1445 = vector.broadcast %and3A_1444 : i32 to vector<512x128xi32>
    %and3A_1446 = arith.andi %shift_right_arithmetic3A_1443, %and3A_1445 : vector<512x128xi32>
    %convert_element_type3A_1447 = arith.sitofp %and3A_1446 : vector<512x128xi32> to vector<512x128xf32>
    %get3A_1448 = arith.constant 256 : index
    %get3A_1449 = arith.constant 31 : index
    %get3A_1450 = arith.constant 0 : index
    %get3A_1451 = vector.load %arg5[%get3A_1448, %get3A_1449, %get3A_1450] : memref<384x32x128xf32, #tpu.memory_space<vmem>>, vector<128x1x128xf32>
    %get3A_1452 = vector.shape_cast %get3A_1451 : vector<128x1x128xf32> to vector<128x128xf32>
    %dot_general3A_1453 = arith.constant dense<0.000000e+00> : vector<512x128xf32>
    %dot_general3A_1454 = tpu.matmul %convert_element_type3A_1447, %get3A_1452, %dot_general3A_1453 {dimension_numbers = #tpu.dot_dimension_numbers<[1], [0], [0], [1], [0, 0, 1, 1], [], []>, transpose_lhs_hint = false} : vector<512x128xf32>, vector<128x128xf32>, vector<512x128xf32> -> vector<512x128xf32>
    %add3A_1455 = arith.addf %add3A_1440, %dot_general3A_1454 : vector<512x128xf32>
    %get3A_1456 = arith.constant 0 : index
    %get3A_1457 = arith.constant 0 : index
    %get3A_1458 = vector.load %arg6[%get3A_1456, %get3A_1457] : memref<128x128xf32, #tpu.memory_space<vmem>>, vector<128x128xf32>
    %dot_general3A_1459 = arith.constant dense<0.000000e+00> : vector<512x128xf32>
    %dot_general3A_1460 = tpu.matmul %add3A_1455, %get3A_1458, %dot_general3A_1459 {dimension_numbers = #tpu.dot_dimension_numbers<[1], [0], [0], [1], [0, 0, 1, 1], [], []>, transpose_lhs_hint = false} : vector<512x128xf32>, vector<128x128xf32>, vector<512x128xf32> -> vector<512x128xf32>
    %get3A_1461 = arith.constant 0 : index
    %get3A_1462 = vector.load %arg7[%get3A_1461] : memref<128xf32, #tpu.memory_space<vmem>>, vector<128xf32>
    %broadcast_in_dim3A_1463 = vector.shape_cast %get3A_1462 : vector<128xf32> to vector<1x128xf32>
    %add3A_1464 = vector.broadcast %broadcast_in_dim3A_1463 : vector<1x128xf32> to vector<512x128xf32>
    %add3A_1465 = arith.addf %dot_general3A_1460, %add3A_1464 : vector<512x128xf32>
    %max3A = arith.constant 0.000000e+00 : f32
    %max3A_1466 = vector.broadcast %max3A : f32 to vector<512x128xf32>
    %max3A_1467 = arith.maximumf %add3A_1465, %max3A_1466 : vector<512x128xf32>
    %get3A_1468 = arith.constant 0 : index
    %get3A_1469 = arith.constant 0 : index
    %get3A_1470 = vector.load %arg8[%get3A_1468, %get3A_1469] : memref<128x128xf32, #tpu.memory_space<vmem>>, vector<128x128xf32>
    %dot_general3A_1471 = arith.constant dense<0.000000e+00> : vector<512x128xf32>
    %dot_general3A_1472 = tpu.matmul %max3A_1467, %get3A_1470, %dot_general3A_1471 {dimension_numbers = #tpu.dot_dimension_numbers<[1], [0], [0], [1], [0, 0, 1, 1], [], []>, transpose_lhs_hint = false} : vector<512x128xf32>, vector<128x128xf32>, vector<512x128xf32> -> vector<512x128xf32>
    %get3A_1473 = arith.constant 0 : index
    %get3A_1474 = vector.load %arg9[%get3A_1473] : memref<128xf32, #tpu.memory_space<vmem>>, vector<128xf32>
    %broadcast_in_dim3A_1475 = vector.shape_cast %get3A_1474 : vector<128xf32> to vector<1x128xf32>
    %add3A_1476 = vector.broadcast %broadcast_in_dim3A_1475 : vector<1x128xf32> to vector<512x128xf32>
    %add3A_1477 = arith.addf %dot_general3A_1472, %add3A_1476 : vector<512x128xf32>
    %max3A_1478 = arith.constant 0.000000e+00 : f32
    %max3A_1479 = vector.broadcast %max3A_1478 : f32 to vector<512x128xf32>
    %max3A_1480 = arith.maximumf %add3A_1477, %max3A_1479 : vector<512x128xf32>
    %get3A_1481 = arith.constant 0 : index
    %get3A_1482 = arith.constant 0 : index
    %get3A_1483 = vector.load %arg3[%get3A_1481, %get3A_1482] : memref<512x128xf32, #tpu.memory_space<vmem>>, vector<512x128xf32>
    %get3A_1484 = arith.constant 0 : index
    %get3A_1485 = arith.constant 0 : index
    %get3A_1486 = vector.load %arg4[%get3A_1484, %get3A_1485] : memref<512x128xf32, #tpu.memory_space<vmem>>, vector<512x128xf32>
    %mul3A = arith.mulf %get3A_1483, %get3A_1486 : vector<512x128xf32>
    %get3A_1487 = arith.constant 0 : index
    %get3A_1488 = arith.constant 0 : index
    %get3A_1489 = vector.load %arg10[%get3A_1487, %get3A_1488] : memref<128x128xf32, #tpu.memory_space<vmem>>, vector<128x128xf32>
    %dot_general3A_1490 = arith.constant dense<0.000000e+00> : vector<512x128xf32>
    %dot_general3A_1491 = tpu.matmul %mul3A, %get3A_1489, %dot_general3A_1490 {dimension_numbers = #tpu.dot_dimension_numbers<[1], [0], [0], [1], [0, 0, 1, 1], [], []>, transpose_lhs_hint = false} : vector<512x128xf32>, vector<128x128xf32>, vector<512x128xf32> -> vector<512x128xf32>
    %get3A_1492 = arith.constant 0 : index
    %get3A_1493 = vector.load %arg11[%get3A_1492] : memref<128xf32, #tpu.memory_space<vmem>>, vector<128xf32>
    %broadcast_in_dim3A_1494 = vector.shape_cast %get3A_1493 : vector<128xf32> to vector<1x128xf32>
    %add3A_1495 = vector.broadcast %broadcast_in_dim3A_1494 : vector<1x128xf32> to vector<512x128xf32>
    %add3A_1496 = arith.addf %dot_general3A_1491, %add3A_1495 : vector<512x128xf32>
    %max3A_1497 = arith.constant 0.000000e+00 : f32
    %max3A_1498 = vector.broadcast %max3A_1497 : f32 to vector<512x128xf32>
    %max3A_1499 = arith.maximumf %add3A_1496, %max3A_1498 : vector<512x128xf32>
    %get3A_1500 = arith.constant 0 : index
    %get3A_1501 = memref.load %arg16[%get3A_1500] : memref<1xf32, #tpu.memory_space<smem>>
    %mul3A_1502 = vector.broadcast %get3A_1501 : f32 to vector<512x128xf32>
    %mul3A_1503 = arith.mulf %max3A_1480, %mul3A_1502 : vector<512x128xf32>
    %add3A_1504 = arith.addf %mul3A_1503, %max3A_1499 : vector<512x128xf32>
    %get3A_1505 = arith.constant 0 : index
    %get3A_1506 = arith.constant 0 : index
    %get3A_1507 = vector.load %arg12[%get3A_1505, %get3A_1506] : memref<128x128xf32, #tpu.memory_space<vmem>>, vector<128x128xf32>
    %dot_general3A_1508 = arith.constant dense<0.000000e+00> : vector<512x128xf32>
    %dot_general3A_1509 = tpu.matmul %add3A_1504, %get3A_1507, %dot_general3A_1508 {dimension_numbers = #tpu.dot_dimension_numbers<[1], [0], [0], [1], [0, 0, 1, 1], [], []>, transpose_lhs_hint = false} : vector<512x128xf32>, vector<128x128xf32>, vector<512x128xf32> -> vector<512x128xf32>
    %get3A_1510 = arith.constant 0 : index
    %get3A_1511 = vector.load %arg13[%get3A_1510] : memref<128xf32, #tpu.memory_space<vmem>>, vector<128xf32>
    %broadcast_in_dim3A_1512 = vector.shape_cast %get3A_1511 : vector<128xf32> to vector<1x128xf32>
    %add3A_1513 = vector.broadcast %broadcast_in_dim3A_1512 : vector<1x128xf32> to vector<512x128xf32>
    %add3A_1514 = arith.addf %dot_general3A_1509, %add3A_1513 : vector<512x128xf32>
    %max3A_1515 = arith.constant 0.000000e+00 : f32
    %max3A_1516 = vector.broadcast %max3A_1515 : f32 to vector<512x128xf32>
    %max3A_1517 = arith.maximumf %add3A_1514, %max3A_1516 : vector<512x128xf32>
    %get3A_1518 = arith.constant 0 : index
    %get3A_1519 = arith.constant 0 : index
    %get3A_1520 = vector.load %arg14[%get3A_1518, %get3A_1519] : memref<128x1xf32, #tpu.memory_space<vmem>>, vector<128x1xf32>
    %dot_general3A_1521 = arith.constant dense<0.000000e+00> : vector<512x1xf32>
    %dot_general3A_1522 = tpu.matmul %max3A_1517, %get3A_1520, %dot_general3A_1521 {dimension_numbers = #tpu.dot_dimension_numbers<[1], [0], [0], [1], [0, 0, 1, 1], [], []>, transpose_lhs_hint = false} : vector<512x128xf32>, vector<128x1xf32>, vector<512x1xf32> -> vector<512x1xf32>
    %get3A_1523 = arith.constant 0 : index
    %get3A_1524 = vector.load %arg15[%get3A_1523] : memref<1xf32, #tpu.memory_space<vmem>>, vector<1xf32>
    %broadcast_in_dim3A_1525 = vector.shape_cast %get3A_1524 : vector<1xf32> to vector<1x1xf32>
    %add3A_1526 = vector.broadcast %broadcast_in_dim3A_1525 : vector<1x1xf32> to vector<512x1xf32>
    %add3A_1527 = arith.addf %dot_general3A_1522, %add3A_1526 : vector<512x1xf32>
    %swap3A = arith.constant 0 : index
    %swap3A_1528 = arith.constant 0 : index
    %swap3A_1529 = vector.load %arg17[%swap3A, %swap3A_1528] : memref<512x1xf32, #tpu.memory_space<vmem>>, vector<512x1xf32>
    tpu.vector_store %arg17[%swap3A, %swap3A_1528], %add3A_1527 {strides = array<i32>} : memref<512x1xf32, #tpu.memory_space<vmem>>, vector<512x1xf32>,
    return
  }
  func.func @transform_0(%arg0: i32) -> (i32, i32) {
    %c0_i32 = arith.constant 0 : i32
    %c0_i32_0 = arith.constant 0 : i32
    return %arg0, %c0_i32 : i32, i32
  }
  func.func @transform_1(%arg0: i32) -> (i32, i32) {
    %c0_i32 = arith.constant 0 : i32
    %c0_i32_0 = arith.constant 0 : i32
    return %arg0, %c0_i32 : i32, i32
  }
  func.func @transform_2(%arg0: i32) -> (i32, i32) {
    %c0_i32 = arith.constant 0 : i32
    %c0_i32_0 = arith.constant 0 : i32
    return %arg0, %c0_i32 : i32, i32
  }
  func.func @transform_3(%arg0: i32) -> (i32, i32) {
    %c0_i32 = arith.constant 0 : i32
    %c0_i32_0 = arith.constant 0 : i32
    return %arg0, %c0_i32 : i32, i32
  }
  func.func @transform_4(%arg0: i32) -> (i32, i32, i32) {
    %c0_i32 = arith.constant 0 : i32
    %c0_i32_0 = arith.constant 0 : i32
    %c0_i32_1 = arith.constant 0 : i32
    %c0_i32_2 = arith.constant 0 : i32
    return %c0_i32, %c0_i32_0, %c0_i32_1 : i32, i32, i32
  }
  func.func @transform_5(%arg0: i32) -> (i32, i32) {
    %c0_i32 = arith.constant 0 : i32
    %c0_i32_0 = arith.constant 0 : i32
    %c0_i32_1 = arith.constant 0 : i32
    return %c0_i32, %c0_i32_0 : i32, i32
  }
  func.func @transform_6(%arg0: i32) -> i32 {
    %c0_i32 = arith.constant 0 : i32
    %c0_i32_0 = arith.constant 0 : i32
    return %c0_i32 : i32
  }
  func.func @transform_7(%arg0: i32) -> (i32, i32) {
    %c0_i32 = arith.constant 0 : i32
    %c0_i32_0 = arith.constant 0 : i32
    %c0_i32_1 = arith.constant 0 : i32
    return %c0_i32, %c0_i32_0 : i32, i32
  }
  func.func @transform_8(%arg0: i32) -> i32 {
    %c0_i32 = arith.constant 0 : i32
    %c0_i32_0 = arith.constant 0 : i32
    return %c0_i32 : i32
  }
  func.func @transform_9(%arg0: i32) -> (i32, i32) {
    %c0_i32 = arith.constant 0 : i32
    %c0_i32_0 = arith.constant 0 : i32
    %c0_i32_1 = arith.constant 0 : i32
    return %c0_i32, %c0_i32_0 : i32, i32
  }
  func.func @transform_10(%arg0: i32) -> i32 {
    %c0_i32 = arith.constant 0 : i32
    %c0_i32_0 = arith.constant 0 : i32
    return %c0_i32 : i32
  }
  func.func @transform_11(%arg0: i32) -> (i32, i32) {
    %c0_i32 = arith.constant 0 : i32
    %c0_i32_0 = arith.constant 0 : i32
    %c0_i32_1 = arith.constant 0 : i32
    return %c0_i32, %c0_i32_0 : i32, i32
  }
  func.func @transform_12(%arg0: i32) -> i32 {
    %c0_i32 = arith.constant 0 : i32
    %c0_i32_0 = arith.constant 0 : i32
    return %c0_i32 : i32
  }
  func.func @transform_13(%arg0: i32) -> (i32, i32) {
    %c0_i32 = arith.constant 0 : i32
    %c0_i32_0 = arith.constant 0 : i32
    %c0_i32_1 = arith.constant 0 : i32
    return %c0_i32, %c0_i32_0 : i32, i32
  }
  func.func @transform_14(%arg0: i32) -> i32 {
    %c0_i32 = arith.constant 0 : i32
    %c0_i32_0 = arith.constant 0 : i32
    return %c0_i32 : i32
  }
  func.func @transform_15(%arg0: i32) -> i32 {
    %c0_i32 = arith.constant 0 : i32
    %c0_i32_0 = arith.constant 0 : i32
    return %c0_i32 : i32
  }
  func.func @transform_16(%arg0: i32) -> (i32, i32) {
    %c0_i32 = arith.constant 0 : i32
    %c0_i32_0 = arith.constant 0 : i32
    return %arg0, %c0_i32 : i32, i32
  }
}

</mosaic_0001>

<sc_bundles>
// kernel: kernel.5.cloned.1.call-start
scs
__scs_entry_jumppad:
0x0: {  	(pc) =	sbr.rel $0x88, $3  }
0x1: {  	(tag) =	ssettag $0x0;
	lr =	simm.s32 $0x1  }
0x2: {  	[smem:$0x3F8F] =	sst lr;
	_ =	strace $0xD0000000  }
0x3: {  	_ = 	snop  }
0x4: {  	_ = 	snop  }
0x5: {  	_ = 	snop  }
0x6: {  	_ = 	snop  }
0x7: {  	_ = 	snop  }
__scs_overlays_trampoline_lowered:
0x8: {  	[smem:$0x3F9E] =	sst s0  }
0x9: {  	[smem:$0x3F9F] =	sst s1  }
0xa: {  	[smem:$0x3FA0] =	sst s2  }
0xb: {  	[smem:$0x3FA1] =	sst s3  }
0xc: {  	[smem:$0x3FA2] =	sst s4  }
0xd: {  	[smem:$0x3FA3] =	sst s5  }
0xe: {  	[smem:$0x3FA4] =	sst s6  }
0xf: {  	[smem:$0x3FA5] =	sst s7  }
0x10: {  	[smem:$0x3FA6] =	sst s8  }
0x11: {  	[smem:$0x3FA7] =	sst s9;
	s0 =	simm.s32 @!p0 $0x0  }
0x12: {  	s1 =	sld [smem:$0x3F8D];
	s0 =	simm.s32 @p0 $0x1  }
0x13: {  	[smem:$0x3FA8] =	sst s0;
	s0 =	simm.s32 @!p1 $0x0  }
0x14: {  	s2 =	sld [smem:$0x3F8C];
	s0 =	simm.s32 @p1 $0x1  }
0x15: {  	[smem:$0x3FA9] =	sst s0;
	s0 =	simm.s32 @!p2 $0x0  }
0x16: {  	s3 =	sld [smem:$0x3FDB];
	s0 =	simm.s32 @p2 $0x1  }
0x17: {  	s4 =	simm.s32 $0x1BF5;
	[smem:$0x3FAB] =	sst s0  }
0x18: {  	s0 =	sld [smem:$0x3F8E];
	_ =	swait.ge [sflag:s4], $0x0  }
0x19: {  	s7 =	sld [smem:$0x3F8F]  }
0x1a: {  	s8 =	sadd.s32 $0xFFFFE003, lr  }
0x1b: {  	s9 =	sadd.s32 $0xFFFFFEF7, lr;
	s5 =	simm.s32 $0xFFFFFFFF;
	p2 =	slt.u32 s8, $0xFFFFF086  }
0x1c: {  	p1 =	slt.u32 s9, $0xF7A;
	s5 =	simm.s32 @!p2 $0x0  }
0x1d: {  	s5 =	simm.s32 @p1 $0x1;
	p0 =	seq.s32 s7, s2  }
0x1e: {  	s7 =	smul.u32 @!p0 $0xF7A, s2;
	p2 =	seq.s32 @!p0 s5, $0x0  }
0x1f: {  	s9 =	smul.u32 $0xF7A, s1;
	s8 =	simm.s32 @!p0 $0x1BF5;
	p2 =	por !p2, p0  }
0x20: {  	[sflag:s8] =	ssyncset.s32 @!p0 $0xFFFFF086;
	s6 =	sadd.s32 @!p0 s3, s7;
	s7 =	simm.s32 @!p0 $0x108  }
0x21: {  	s3 =	sadd.s32 s3, s9;
	s6 =	sadd.s32 @!p0 $0x88, s6;
	s7 =	simm.s32 @p2 $0x1082  }
0x22: {  	[simem:s7], [sflag:s8] =	dma.local @!p0 [hbm:s6], $0xF7A  }
0x23: {  	s9 =	sor.u32 $0xD0000000, s2;
	s6 =	simm.s32 $0x108;
	_ =	swait.ge @!p0 [sflag:s8], $0x0  }
0x24: {  	s3 =	sadd.s32 $0x88, s3;
	s6 =	simm.s32 @!p1 $0x1082;
	[sflag:s4] =	ssyncset.s32 $0xFFFFF086  }
0x25: {  	[simem:s6], [sflag:s4] =	dma.local [hbm:s3], $0xF7A  }
0x26: {  	[smem:$0x3F8F] =	sst s1;
	(tag) =	ssettag s2;
	_ =	strace s9  }
0x27: {  	s1 =	sld [smem:$0x3F9F]  }
0x28: {  	s2 =	sld [smem:$0x3FA0]  }
0x29: {  	s4 =	sld [smem:$0x3FA2]  }
0x2a: {  	p0 =	seq.s32 s5, $0x0;
	s5 =	sld [smem:$0x3FA3]  }
0x2b: {  	s6 =	sld [smem:$0x3FA4]  }
0x2c: {  	s7 =	sld [smem:$0x3FA5]  }
0x2d: {  	s3 =	simm.s32 $0x108;
	s8 =	sld [smem:$0x3FA6]  }
0x2e: {  	s3 =	simm.s32 @!p0 $0x1082;
	s9 =	sld [smem:$0x3FA7]  }
0x2f: {  	lr =	sadd.s32 s0, s3;
	s0 =	sld [smem:$0x3F9E]  }
0x30: {  	s3 =	sld [smem:$0x3FA1]  }
0x31: {  	[smem:$0x3FAA] =	sst s10  }
0x32: {  	s10 =	sld [smem:$0x3FA8];
	_ =	sdelay $0x3  }
0x33: {  	p0 =	seq.s32 s10, $0x1;
	s10 =	sld [smem:$0x3FAA];
	_ =	sdelay $0x3  }
0x34: {  	[smem:$0x3FAA] =	sst s10  }
0x35: {  	s10 =	sld [smem:$0x3FA9];
	_ =	sdelay $0x3  }
0x36: {  	p1 =	seq.s32 s10, $0x1;
	s10 =	sld [smem:$0x3FAA];
	_ =	sdelay $0x3  }
0x37: {  	[smem:$0x3FAA] =	sst s10  }
0x38: {  	s10 =	sld [smem:$0x3FAB]  }
0x39: {  	_ = 	snop;
	(pc) =	sbr.ind lr, $3  }
0x3a: {  	_ = 	snop  }
0x3b: {  	_ = 	snop  }
0x3c: {  	p2 =	seq.s32 s10, $0x1;
	s10 =	sld [smem:$0x3FAA]  }
0x3d: {  	_ =	shalt  }
0x3e: {  	_ =	shalt  }
0x3f: {  	_ =	shalt  }
0x40: {  	_ =	shalt  }
0x41: {  	_ =	shalt  }
0x42: {  	_ =	shalt  }
0x43: {  	_ =	shalt  }
0x44: {  	_ =	shalt  }
0x45: {  	_ =	shalt  }
0x46: {  	_ =	shalt  }
0x47: {  	_ =	shalt  }
0x48: {  	_ =	shalt  }
0x49: {  	_ =	shalt  }
0x4a: {  	_ =	shalt  }
0x4b: {  	_ =	shalt  }
0x4c: {  	_ =	shalt  }
0x4d: {  	_ =	shalt  }
0x4e: {  	_ =	shalt  }
0x4f: {  	_ =	shalt  }
0x50: {  	_ =	shalt  }
0x51: {  	_ =	shalt  }
0x52: {  	_ =	shalt  }
0x53: {  	_ =	shalt  }
0x54: {  	_ =	shalt  }
0x55: {  	_ =	shalt  }
0x56: {  	_ =	shalt  }
0x57: {  	_ =	shalt  }
0x58: {  	_ =	shalt  }
0x59: {  	_ =	shalt  }
0x5a: {  	_ =	shalt  }
0x5b: {  	_ =	shalt  }
0x5c: {  	_ =	shalt  }
0x5d: {  	_ =	shalt  }
0x5e: {  	_ =	shalt  }
0x5f: {  	_ =	shalt  }
0x60: {  	_ =	shalt  }
0x61: {  	_ =	shalt  }
0x62: {  	_ =	shalt  }
0x63: {  	_ =	shalt  }
0x64: {  	_ =	shalt  }
0x65: {  	_ =	shalt  }
0x66: {  	_ =	shalt  }
0x67: {  	_ =	shalt  }
0x68: {  	_ =	shalt  }
0x69: {  	_ =	shalt  }
0x6a: {  	_ =	shalt  }
0x6b: {  	_ =	shalt  }
0x6c: {  	_ =	shalt  }
0x6d: {  	_ =	shalt  }
0x6e: {  	_ =	shalt  }
0x6f: {  	_ =	shalt  }
0x70: {  	_ =	shalt  }
0x71: {  	_ =	shalt  }
0x72: {  	_ =	shalt  }
0x73: {  	_ =	shalt  }
0x74: {  	_ =	shalt  }
0x75: {  	_ =	shalt  }
0x76: {  	_ =	shalt  }
0x77: {  	_ =	shalt  }
0x78: {  	_ =	shalt  }
0x79: {  	_ =	shalt  }
0x7a: {  	_ =	shalt  }
0x7b: {  	_ =	shalt  }
0x7c: {  	_ =	shalt  }
0x7d: {  	_ =	shalt  }
0x7e: {  	_ =	shalt  }
0x7f: {  	_ =	shalt  }
0x80: {  	_ =	shalt  }
0x81: {  	_ =	shalt  }
0x82: {  	_ =	shalt  }
0x83: {  	_ =	shalt  }
0x84: {  	_ =	shalt  }
0x85: {  	_ =	shalt  }
0x86: {  	_ =	shalt  }
0x87: {  	_ =	shalt  }
.Lfunc_end0:
.L_simem_size_0:
called_computation.1_lowered:
.L_overlay_start_0:
0x88: {  	s2 =	sld [smem:$0x3FD9]  }
0x89: {  	s3 =	sld [smem:$0x3FFE];
	_ =	sdelay $0x1  }
0x8a: {  	s1 =	srdreg.scid  }
0x8b: {  	s0 =	sand.u32 $0x1, s1  }
0x8c: {  	s17 =	sshll.u32 s0, $0xA;
	s2 =	sadd.s32 s3, s2  }
0x8d: {  	s2 =	sadd.s32 s2, s17  }
0x8e: {  	[smem:$0x3FB6] =	sst s2  }
0x8f: {  	_ = 	snop  }
0x90: {  	s2 =	sld [smem:$0x3FC9]  }
0x91: {  	s18 =	sld [smem:$0x3FD0];
	(tm) =	ssettm $0x1  }
0x92: {  	s4 =	sld [smem:$0x3FFB];
	_ =	sdelay $0x3  }
0x93: {  	_ =	strace s4  }
0x94: {  	s4 =	sld [smem:$0x3FFC];
	_ =	sdelay $0x3  }
0x95: {  	_ =	strace s4  }
0x96: {  	s4 =	sld [smem:$0x3FFD];
	_ =	sdelay $0x3  }
0x97: {  	_ =	strace s4  }
0x98: {  	_ =	strace $0x8FFFFFFF  }
0x99: {  	s19 =	sld [smem:$0x3FDB];
	_ =	sdelay $0x1  }
0x9a: {  	s5 =	simm.s32 $_scs_section_size  }
0x9b: {  	s6 =	simm.s32 $_size__tile_overlayer_lowered;
	s7 =	simm.s32 $_tile_overlayer_lowered  }
0x9c: {  	s22 =	simm.s32 $0x1BFF;
	s21 =	sshll.u32 s7, $0x1;
	s4 =	sadd.s32 s5, s19  }
0x9d: {  	s8 =	simm.s32 $0x0;
	s20 =	sshll.u32 s6, $0x1;
	s6 =	sadd.s32 s21, s4  }
0x9e: {  	[timem:s8], [sflag:s22] =	dma.local [hbm:s6], s20  }
0x9f: {  	_ =	swait.ge [sflag:s22], s20  }
0xa0: {  	s5 =	ssub.s32 $0x0, s20;
	[sflag:s22] =	ssyncset.done $0x0  }
0xa1: {  	[sflag:s22] =	ssyncadd.s32 s5;
	_ =	sdelay $0x1  }
0xa2: {  	s23 =	simm.s32 $0x1B8B  }
0xa3: {  	_ =	swait.ge [sflag:s23], $0x1  }
0xa4: {  	[sflag:s23] =	ssyncset.done $0x0  }
0xa5: {  	s25 =	simm.s32 $0x1B8E;
	s24 =	sld [smem:$0x3FFE];
	[sflag:s23] =	ssyncadd.s32 $0xFFFFFFFF  }
0xa6: {  	s26 =	simm.s32 $execute0_lowered;
	[smem:$0x3FD2] =	sst s25  }
0xa7: {  	s6 =	sshll.u32 s26, $0x1;
	_ =	strace $0x80000049;
	[dreg:$0x1] =	wrdreg $0xFFFFFFFF  }
0xa8: {  	s28 =	simm.s32 $_size_execute0_lowered;
	s4 =	sadd.s32 s4, s6;
	[dreg:$0x0] =	wrdreg $0x0  }
0xa9: {  	s6 =	sshll.u32 s28, $0x1;
	[dreg:$0x2] =	wrdreg s4  }
0xaa: {  	[dreg:$0x3] =	wrdreg s6  }
0xab: {  	[dreg:$0x4] =	wrdreg $0xC0  }
0xac: {  	_ =	task [dreg:s8], $0x5FFFF  }
0xad: {  	[dreg:$0x1] =	wrdreg $0xFFFFFFFF  }
0xae: {  	[dreg:$0x0] =	wrdreg $0x60  }
0xaf: {  	[dreg:$0x2] =	wrdreg s24  }
0xb0: {  	[dreg:$0x3] =	wrdreg s2  }
0xb1: {  	[dreg:$0x4] =	wrdreg s18  }
0xb2: {  	[dreg:$0x5] =	wrdreg $0x9  }
0xb3: {  	_ =	task.clear_ibuf [dreg:s8], $0x6FFFF;
	_ =	strace $0x90000049  }
0xb4: {  	s29 =	simm.s32 $0x9;
	_ =	strace $0x8000004B  }
0xb5: {  	_ =	swait.ge [sflag:s29], $0x1  }
0xb6: {  	[sflag:s29] =	ssyncadd.s32 $0xFFFFFFFF  }
0xb7: {  	_ =	strace $0x9000004B  }
0xb8: {  	_ =	sfence  }
0xb9: {  	s30 =	sld [smem:$0x0];
	_ =	sdelay $0x2  }
0xba: {  	s31 =	sshll.u32 s1, $0xD;
	s1 =	sshrl.u32 s1, $0x2  }
0xbb: {  	s3 =	sand.u32 $0x4000, s31;
	s1 =	sadd.s32 s1, s30  }
0xbc: {  	s0 =	sor.u32 s3, s0;
	s1 =	sshll.u32 s1, $0x11  }
0xbd: {  	s0 =	sor.u32 s1, s0  }
0xbe: {  	s0 =	sadd.s32 $0x8F2B, s0  }
0xbf: {  	[sflag:s0] =	ssyncadd.remote.s32 $0x1  }
0xc0: {  	_ =	sfence.sel $0xFFFF  }
0xc1: {  	[dreg:$0x0] =	wrdreg $0xFFFFFFFF;
	(pc) =	sbr.abs _section_cstart, $3  }
0xc2: {  	[dreg:$0x1] =	wrdreg $0xFFFFFFFF  }
0xc3: {  	_ =	task.clear_ibuf [dreg:s8], $0x2FFFF;
	_ =	strace $0x9FFFFFFF  }
0xc4: {  	(tm) =	ssettm $0x7FFFFFFF  }
0xc5: {  	_ =	shalt  }
tec
execute0_lowered:
.L_overlay_start_1:
0x0: {  	(tag) =	ssettag $0x1  }
0x1: {  	s0 =	srdreg.scid;
	s1 =	rddreg [dreg:$0x0]  }
0x2: {  	s2 =	stileid.u32;
	s5 =	rddreg [dreg:$0x2]  }
0x3: {  	s15 =	simm.s32 $0x1;
	s19 =	simm.s32 $0x880;
	s20 =	simm.s32 $0xC80  }
0x4: {  	s21 =	simm.s32 $0x1480;
	s28 =	simm.s32 $0x3880;
	s29 =	simm.s32 $0x3C80  }
0x5: {  	s30 =	simm.s32 $0x4480;
	s31 =	simm.s32 $0x4880;
	s9 =	simm.s32 $0x6080  }
0x6: {  	s10 =	simm.s32 $0x6880;
	s11 =	simm.s32 $0x6C80;
	s12 =	simm.s32 $0x7480  }
0x7: {  	s13 =	simm.s32 $0x7880;
	s14 =	simm.s32 $0x8080;
	s0 =	sand.u32 $0x1, s0  }
0x8: {  	s16 =	simm.s32 $0x8480;
	s2 =	sshll.u32 s2, $0x8;
	s3 =	sshll.u32 s0, $0x7  }
0x9: {  	s0 =	ssub.s32 $0x2, s0;
	s2 =	sor.u32 s3, s2;
	s3 =	simm.s32 $0x0  }
0xa: {  	s26 =	sshrl.u32 s0, $0x1;
	s6 =	sshrl.u32 s2, $0x3;
	[smem:$0x7FF] =	sst s3  }
0xb: {  	s2 =	sshll.u32 s2, $0x4;
	s0 =	ssub.s32 s0, s26;
	s26 =	simm.s32 $0x3080  }
0xc: {  	s4 =	smul.u32 $0x180, s6;
	_ =	strace $0x8000004A;
	s7 =	sadd.s32 s6, s1  }
0xd: {  	s2 =	sadd.s32 s2, s1;
	s5 =	sadd.s32 s5, s6;
	s6 =	smax.u32 s0, $0x1  }
0xe: {  	s22 =	sadd.s32 $0x82200, s7;
	s24 =	sadd.s32 $0x62E00, s2;
	[dreg:$0x7] =	wrdreg s5  }
0xf: {  	s2 =	sadd.s32 $0xF7800, s2;
	s5 =	sadd.s32 $0x82500, s1;
	[dreg:$0x4] =	wrdreg s22  }
0x10: {  	s7 =	simm.s32 $0x2;
	s8 =	sadd.s32 s4, s1;
	[dreg:$0x6] =	wrdreg s24  }
0x11: {  	s4 =	sadd.s32 $0x82400, s1;
	[dreg:$0x9] =	wrdreg s2;
	s1 =	simm.s32 $0x80  }
0x12: {  	v2 =	vlaneseq.u32;
	s22 =	simm.s32 $0x1880;
	s24 =	simm.s32 $0x2480;
	s23 =	sadd.s32 $0x2E00, s8  }
0x13: {  	vm0 =	vmmov $0xffff;
	vm1 =	vmmov $0xff;
	v1 =	vshrl.u32 v2, $0x3;
	s25 =	sadd.s32 $0x32E00, s8;
	s8 =	simm.s32 $0x8C80;
	[dreg:$0x5] =	wrdreg s23  }
0x14: {  	v0 =	vand.u32 $0x7, v2;
	v2 =	vor.u32 $0x8, v2;
	v1 =	vmul.u32 $0x8, v1;
	[dreg:$0x8] =	wrdreg s25;
	s23 =	simm.s32 $0x2080;
	s25 =	simm.s32 $0x2C80  }
.LBB2_1:
0x15: {  	s17 =	rddreg [dreg:$0x4]  }
0x16: {  	[tilespmem:s3], [sflag:$0x2] =	stream.linear.gather [hbm4b:s17+s3], $0x80, $0x38;
	[tilespmem:$0x10080] =	vst v63  }
0x17: {  	_ =	swait.ge [sflag:s7], $0x80  }
0x18: {  	[sflag:s7] =	ssyncset.done $0x0  }
0x19: {  	[sflag:s7] =	ssyncadd.s32 $0xFFFFFF80  }
0x1a: {  	v3 =	vld [tilespmem:$0x0];
	_ =	sdelay $0x4  }
0x1b: {  	v4 =	vshrl.u32 v3, $0x3  }
0x1c: {  	v4 =	vmul.u32 $0x18, v4  }
0x1d: {  	v3 =	vand.u32 $0x7, v3  }
0x1e: {  	v3 =	vor.u32 v3, v4  }
0x1f: {  	v4 =	vperm.xlane v3, v0;
	_ =	sdelay $0x1  }
0x20: {  	v4 =	vadd.s32 v1, v4;
	_ =	sdelay $0x1  }
0x21: {  	v3 =	vperm.xlane v3, v2;
	_ =	sdelay $0x1  }
0x22: {  	v3 =	vadd.s32 v1, v3  }
0x23: {  	[tilespmem:s1], [sflag:$0x1] =	stream.indirect_vreg.gather [hbm4b:s4+s3], $0x80, v4, vm0, $0xb8;
	[tilespmem:$0x10080] =	vst v63  }
0x24: {  	_ = 	snop  }
0x25: {  	[tilespmem:s19], [sflag:$0x1] =	stream.indirect_vreg.gather [hbm4b:s5+s3], $0x80, v4, vm1, $0xb8;
	[tilespmem:$0x10080] =	vst v63  }
0x26: {  	_ = 	snop  }
0x27: {  	[tilespmem:s20], [sflag:$0x1] =	stream.indirect_vreg.gather [hbm4b:s4+s3], $0x80, v3, vm0, $0xb8;
	[tilespmem:$0x10080] =	vst v63  }
0x28: {  	_ = 	snop  }
0x29: {  	[tilespmem:s21], [sflag:$0x1] =	stream.indirect_vreg.gather [hbm4b:s5+s3], $0x80, v3, vm1, $0xb8;
	[tilespmem:$0x10080] =	vst v63  }
0x2a: {  	v3 =	vld [tilespmem:$0x10];
	_ =	sdelay $0x4  }
0x2b: {  	v49 =	vshrl.u32 v3, $0x3  }
0x2c: {  	v4 =	vmul.u32 $0x18, v49  }
0x2d: {  	v3 =	vand.u32 $0x7, v3  }
0x2e: {  	v3 =	vor.u32 v3, v4  }
0x2f: {  	v4 =	vperm.xlane v3, v0;
	_ =	sdelay $0x1  }
0x30: {  	v4 =	vadd.s32 v1, v4;
	_ =	sdelay $0x1  }
0x31: {  	v3 =	vperm.xlane v3, v2;
	_ =	sdelay $0x1  }
0x32: {  	v3 =	vadd.s32 v1, v3  }
0x33: {  	[tilespmem:s22], [sflag:$0x1] =	stream.indirect_vreg.gather [hbm4b:s4+s3], $0x80, v4, vm0, $0xb8;
	[tilespmem:$0x10080] =	vst v63  }
0x34: {  	_ = 	snop  }
0x35: {  	[tilespmem:s23], [sflag:$0x1] =	stream.indirect_vreg.gather [hbm4b:s5+s3], $0x80, v4, vm1, $0xb8;
	[tilespmem:$0x10080] =	vst v63  }
0x36: {  	_ = 	snop  }
0x37: {  	[tilespmem:s24], [sflag:$0x1] =	stream.indirect_vreg.gather [hbm4b:s4+s3], $0x80, v3, vm0, $0xb8;
	[tilespmem:$0x10080] =	vst v63  }
0x38: {  	_ = 	snop  }
0x39: {  	[tilespmem:s25], [sflag:$0x1] =	stream.indirect_vreg.gather [hbm4b:s5+s3], $0x80, v3, vm1, $0xb8;
	[tilespmem:$0x10080] =	vst v63  }
0x3a: {  	v3 =	vld [tilespmem:$0x20];
	_ =	sdelay $0x4  }
0x3b: {  	v50 =	vshrl.u32 v3, $0x3  }
0x3c: {  	v4 =	vmul.u32 $0x18, v50  }
0x3d: {  	v3 =	vand.u32 $0x7, v3  }
0x3e: {  	v3 =	vor.u32 v3, v4  }
0x3f: {  	v4 =	vperm.xlane v3, v0;
	_ =	sdelay $0x1  }
0x40: {  	v4 =	vadd.s32 v1, v4;
	_ =	sdelay $0x1  }
0x41: {  	v3 =	vperm.xlane v3, v2;
	_ =	sdelay $0x1  }
0x42: {  	v3 =	vadd.s32 v1, v3  }
0x43: {  	[tilespmem:s26], [sflag:$0x1] =	stream.indirect_vreg.gather [hbm4b:s4+s3], $0x80, v4, vm0, $0xb8;
	[tilespmem:$0x10080] =	vst v63  }
0x44: {  	_ = 	snop  }
0x45: {  	[tilespmem:s28], [sflag:$0x1] =	stream.indirect_vreg.gather [hbm4b:s5+s3], $0x80, v4, vm1, $0xb8;
	[tilespmem:$0x10080] =	vst v63  }
0x46: {  	_ = 	snop  }
0x47: {  	[tilespmem:s29], [sflag:$0x1] =	stream.indirect_vreg.gather [hbm4b:s4+s3], $0x80, v3, vm0, $0xb8;
	[tilespmem:$0x10080] =	vst v63  }
0x48: {  	_ = 	snop  }
0x49: {  	[tilespmem:s30], [sflag:$0x1] =	stream.indirect_vreg.gather [hbm4b:s5+s3], $0x80, v3, vm1, $0xb8;
	[tilespmem:$0x10080] =	vst v63  }
0x4a: {  	v3 =	vld [tilespmem:$0x30];
	_ =	sdelay $0x4  }
0x4b: {  	v51 =	vshrl.u32 v3, $0x3  }
0x4c: {  	v4 =	vmul.u32 $0x18, v51  }
0x4d: {  	v3 =	vand.u32 $0x7, v3  }
0x4e: {  	v3 =	vor.u32 v3, v4  }
0x4f: {  	v4 =	vperm.xlane v3, v0;
	_ =	sdelay $0x1  }
0x50: {  	v4 =	vadd.s32 v1, v4;
	_ =	sdelay $0x1  }
0x51: {  	v3 =	vperm.xlane v3, v2;
	_ =	sdelay $0x1  }
0x52: {  	v3 =	vadd.s32 v1, v3  }
0x53: {  	[tilespmem:s31], [sflag:$0x1] =	stream.indirect_vreg.gather [hbm4b:s4+s3], $0x80, v4, vm0, $0xb8;
	[tilespmem:$0x10080] =	vst v63  }
0x54: {  	s0 =	simm.s32 $0x5080  }
0x55: {  	[tilespmem:s0], [sflag:$0x1] =	stream.indirect_vreg.gather [hbm4b:s5+s3], $0x80, v4, vm1, $0xb8;
	[tilespmem:$0x10080] =	vst v63  }
0x56: {  	s2 =	simm.s32 $0x5480  }
0x57: {  	[tilespmem:s2], [sflag:$0x1] =	stream.indirect_vreg.gather [hbm4b:s4+s3], $0x80, v3, vm0, $0xb8;
	[tilespmem:$0x10080] =	vst v63  }
0x58: {  	s2 =	simm.s32 $0x5C80  }
0x59: {  	[tilespmem:s2], [sflag:$0x1] =	stream.indirect_vreg.gather [hbm4b:s5+s3], $0x80, v3, vm1, $0xb8;
	[tilespmem:$0x10080] =	vst v63  }
0x5a: {  	v3 =	vld [tilespmem:$0x40];
	_ =	sdelay $0x4  }
0x5b: {  	v52 =	vshrl.u32 v3, $0x3  }
0x5c: {  	v4 =	vmul.u32 $0x18, v52  }
0x5d: {  	v3 =	vand.u32 $0x7, v3  }
0x5e: {  	v3 =	vor.u32 v3, v4  }
0x5f: {  	v4 =	vperm.xlane v3, v0;
	_ =	sdelay $0x1  }
0x60: {  	v4 =	vadd.s32 v1, v4;
	_ =	sdelay $0x1  }
0x61: {  	v3 =	vperm.xlane v3, v2;
	_ =	sdelay $0x1  }
0x62: {  	v3 =	vadd.s32 v1, v3  }
0x63: {  	[tilespmem:s9], [sflag:$0x1] =	stream.indirect_vreg.gather [hbm4b:s4+s3], $0x80, v4, vm0, $0xb8;
	[tilespmem:$0x10080] =	vst v63  }
0x64: {  	_ = 	snop  }
0x65: {  	[tilespmem:s10], [sflag:$0x1] =	stream.indirect_vreg.gather [hbm4b:s5+s3], $0x80, v4, vm1, $0xb8;
	[tilespmem:$0x10080] =	vst v63  }
0x66: {  	_ = 	snop  }
0x67: {  	[tilespmem:s11], [sflag:$0x1] =	stream.indirect_vreg.gather [hbm4b:s4+s3], $0x80, v3, vm0, $0xb8;
	[tilespmem:$0x10080] =	vst v63  }
0x68: {  	_ = 	snop  }
0x69: {  	[tilespmem:s12], [sflag:$0x1] =	stream.indirect_vreg.gather [hbm4b:s5+s3], $0x80, v3, vm1, $0xb8;
	[tilespmem:$0x10080] =	vst v63  }
0x6a: {  	v3 =	vld [tilespmem:$0x50];
	_ =	sdelay $0x4  }
0x6b: {  	v53 =	vshrl.u32 v3, $0x3  }
0x6c: {  	v4 =	vmul.u32 $0x18, v53  }
0x6d: {  	v3 =	vand.u32 $0x7, v3  }
0x6e: {  	v3 =	vor.u32 v3, v4  }
0x6f: {  	v4 =	vperm.xlane v3, v0;
	_ =	sdelay $0x1  }
0x70: {  	v4 =	vadd.s32 v1, v4;
	_ =	sdelay $0x1  }
0x71: {  	v3 =	vperm.xlane v3, v2;
	_ =	sdelay $0x1  }
0x72: {  	v3 =	vadd.s32 v1, v3  }
0x73: {  	[tilespmem:s13], [sflag:$0x1] =	stream.indirect_vreg.gather [hbm4b:s4+s3], $0x80, v4, vm0, $0xb8;
	[tilespmem:$0x10080] =	vst v63  }
0x74: {  	_ = 	snop  }
0x75: {  	[tilespmem:s14], [sflag:$0x1] =	stream.indirect_vreg.gather [hbm4b:s5+s3], $0x80, v4, vm1, $0xb8;
	[tilespmem:$0x10080] =	vst v63  }
0x76: {  	_ = 	snop  }
0x77: {  	[tilespmem:s16], [sflag:$0x1] =	stream.indirect_vreg.gather [hbm4b:s4+s3], $0x80, v3, vm0, $0xb8;
	[tilespmem:$0x10080] =	vst v63  }
0x78: {  	_ = 	snop  }
0x79: {  	[tilespmem:s8], [sflag:$0x1] =	stream.indirect_vreg.gather [hbm4b:s5+s3], $0x80, v3, vm1, $0xb8;
	[tilespmem:$0x10080] =	vst v63  }
0x7a: {  	v3 =	vld [tilespmem:$0x60];
	_ =	sdelay $0x4  }
0x7b: {  	v54 =	vshrl.u32 v3, $0x3  }
0x7c: {  	v4 =	vmul.u32 $0x18, v54  }
0x7d: {  	v3 =	vand.u32 $0x7, v3  }
0x7e: {  	v3 =	vor.u32 v3, v4  }
0x7f: {  	v4 =	vperm.xlane v3, v0;
	_ =	sdelay $0x1  }
0x80: {  	v4 =	vadd.s32 v1, v4;
	_ =	sdelay $0x1  }
0x81: {  	v3 =	vperm.xlane v3, v2;
	_ =	sdelay $0x1  }
0x82: {  	s17 =	simm.s32 $0x9080;
	v3 =	vadd.s32 v1, v3  }
0x83: {  	[tilespmem:s17], [sflag:$0x1] =	stream.indirect_vreg.gather [hbm4b:s4+s3], $0x80, v4, vm0, $0xb8;
	[tilespmem:$0x10080] =	vst v63  }
0x84: {  	s18 =	simm.s32 $0x9880  }
0x85: {  	[tilespmem:s18], [sflag:$0x1] =	stream.indirect_vreg.gather [hbm4b:s5+s3], $0x80, v4, vm1, $0xb8;
	[tilespmem:$0x10080] =	vst v63  }
0x86: {  	s17 =	simm.s32 $0x9C80  }
0x87: {  	[tilespmem:s17], [sflag:$0x1] =	stream.indirect_vreg.gather [hbm4b:s4+s3], $0x80, v3, vm0, $0xb8;
	[tilespmem:$0x10080] =	vst v63  }
0x88: {  	s18 =	simm.s32 $0xA480  }
0x89: {  	[tilespmem:s18], [sflag:$0x1] =	stream.indirect_vreg.gather [hbm4b:s5+s3], $0x80, v3, vm1, $0xb8;
	[tilespmem:$0x10080] =	vst v63  }
0x8a: {  	v3 =	vld [tilespmem:$0x70];
	_ =	sdelay $0x4  }
0x8b: {  	v55 =	vshrl.u32 v3, $0x3  }
0x8c: {  	v4 =	vmul.u32 $0x18, v55  }
0x8d: {  	v3 =	vand.u32 $0x7, v3  }
0x8e: {  	v3 =	vor.u32 v3, v4  }
0x8f: {  	v4 =	vperm.xlane v3, v0;
	_ =	sdelay $0x1  }
0x90: {  	v4 =	vadd.s32 v1, v4;
	_ =	sdelay $0x1  }
0x91: {  	v3 =	vperm.xlane v3, v2;
	_ =	sdelay $0x1  }
0x92: {  	s17 =	simm.s32 $0xA880;
	v3 =	vadd.s32 v1, v3  }
0x93: {  	[tilespmem:s17], [sflag:$0x1] =	stream.indirect_vreg.gather [hbm4b:s4+s3], $0x80, v4, vm0, $0xb8;
	[tilespmem:$0x10080] =	vst v63  }
0x94: {  	s18 =	simm.s32 $0xB080  }
0x95: {  	[tilespmem:s18], [sflag:$0x1] =	stream.indirect_vreg.gather [hbm4b:s5+s3], $0x80, v4, vm1, $0xb8;
	[tilespmem:$0x10080] =	vst v63  }
0x96: {  	s17 =	simm.s32 $0xB480  }
0x97: {  	[tilespmem:s17], [sflag:$0x1] =	stream.indirect_vreg.gather [hbm4b:s4+s3], $0x80, v3, vm0, $0xb8;
	[tilespmem:$0x10080] =	vst v63  }
0x98: {  	s18 =	simm.s32 $0xBC80  }
0x99: {  	[tilespmem:s18], [sflag:$0x1] =	stream.indirect_vreg.gather [hbm4b:s5+s3], $0x80, v3, vm1, $0xb8;
	[tilespmem:$0x10080] =	vst v63  }
0x9a: {  	_ =	swait.ge [sflag:s15], $0xC000  }
0x9b: {  	[sflag:s15] =	ssyncset.done $0x0  }
0x9c: {  	s0 =	rddreg [dreg:$0x5];
	[sflag:s15] =	ssyncadd.s32 $0xFFFF4000  }
0x9d: {  	[hbm4b:s0+s3] =	stream.linear.scatter [tilespmem:s1], [sflag:$0x2], $0xC000, $0x38;
	[tilespmem:$0x10080] =	vst v63  }
0x9e: {  	_ =	swait.ge [sflag:s7], $0xC000  }
0x9f: {  	[sflag:s7] =	ssyncset.done $0x0  }
0xa0: {  	[sflag:s7] =	ssyncadd.s32 $0xFFFF4000  }
0xa1: {  	s0 =	simm.s32 $0xC080;
	s18 =	rddreg [dreg:$0x1]  }
0xa2: {  	[tilespmem:s0], [sflag:$0x1] =	stream.indirect.gather [hbm4b:s18+s1], $0x80, s3, s1, $0xb8;
	[tilespmem:$0x10080] =	vst v63  }
0xa3: {  	_ =	swait.ge [sflag:s15], $0x4000  }
0xa4: {  	[sflag:s15] =	ssyncset.done $0x0  }
0xa5: {  	s17 =	rddreg [dreg:$0x6];
	[sflag:s15] =	ssyncadd.s32 $0xFFFFC000  }
0xa6: {  	[hbm4b:s17+s3] =	stream.linear.scatter [tilespmem:s0], [sflag:$0x2], $0x4000, $0x38;
	[tilespmem:$0x10080] =	vst v63  }
0xa7: {  	_ =	swait.ge [sflag:s7], $0x4000  }
0xa8: {  	[sflag:s7] =	ssyncset.done $0x0  }
0xa9: {  	s17 =	rddreg [dreg:$0x7];
	[sflag:s7] =	ssyncadd.s32 $0xFFFFC000  }
0xaa: {  	[tilespmem:s3], [sflag:$0x2] =	stream.linear.gather [hbm4b:s17+s3], $0x80, $0x38;
	[tilespmem:$0x10080] =	vst v63  }
0xab: {  	_ =	swait.ge [sflag:s7], $0x80  }
0xac: {  	[sflag:s7] =	ssyncset.done $0x0  }
0xad: {  	[sflag:s7] =	ssyncadd.s32 $0xFFFFFF80  }
0xae: {  	v3 =	vld [tilespmem:$0x0];
	_ =	sdelay $0x4  }
0xaf: {  	v56 =	vshrl.u32 v3, $0x3  }
0xb0: {  	v4 =	vmul.u32 $0x18, v56  }
0xb1: {  	v3 =	vand.u32 $0x7, v3  }
0xb2: {  	v3 =	vor.u32 v3, v4  }
0xb3: {  	v4 =	vperm.xlane v3, v0;
	_ =	sdelay $0x1  }
0xb4: {  	v4 =	vadd.s32 v1, v4;
	_ =	sdelay $0x1  }
0xb5: {  	v3 =	vperm.xlane v3, v2;
	_ =	sdelay $0x1  }
0xb6: {  	v3 =	vadd.s32 v1, v3  }
0xb7: {  	[tilespmem:s1], [sflag:$0x1] =	stream.indirect_vreg.gather [hbm4b:s4+s3], $0x80, v4, vm0, $0xb8;
	[tilespmem:$0x10080] =	vst v63  }
0xb8: {  	_ = 	snop  }
0xb9: {  	[tilespmem:s19], [sflag:$0x1] =	stream.indirect_vreg.gather [hbm4b:s5+s3], $0x80, v4, vm1, $0xb8;
	[tilespmem:$0x10080] =	vst v63  }
0xba: {  	_ = 	snop  }
0xbb: {  	[tilespmem:s20], [sflag:$0x1] =	stream.indirect_vreg.gather [hbm4b:s4+s3], $0x80, v3, vm0, $0xb8;
	[tilespmem:$0x10080] =	vst v63  }
0xbc: {  	_ = 	snop  }
0xbd: {  	[tilespmem:s21], [sflag:$0x1] =	stream.indirect_vreg.gather [hbm4b:s5+s3], $0x80, v3, vm1, $0xb8;
	[tilespmem:$0x10080] =	vst v63  }
0xbe: {  	v3 =	vld [tilespmem:$0x10];
	_ =	sdelay $0x4  }
0xbf: {  	v57 =	vshrl.u32 v3, $0x3  }
0xc0: {  	v4 =	vmul.u32 $0x18, v57  }
0xc1: {  	v3 =	vand.u32 $0x7, v3  }
0xc2: {  	v3 =	vor.u32 v3, v4  }
0xc3: {  	v4 =	vperm.xlane v3, v0;
	_ =	sdelay $0x1  }
0xc4: {  	v4 =	vadd.s32 v1, v4;
	_ =	sdelay $0x1  }
0xc5: {  	v3 =	vperm.xlane v3, v2;
	_ =	sdelay $0x1  }
0xc6: {  	v3 =	vadd.s32 v1, v3  }
0xc7: {  	[tilespmem:s22], [sflag:$0x1] =	stream.indirect_vreg.gather [hbm4b:s4+s3], $0x80, v4, vm0, $0xb8;
	[tilespmem:$0x10080] =	vst v63  }
0xc8: {  	_ = 	snop  }
0xc9: {  	[tilespmem:s23], [sflag:$0x1] =	stream.indirect_vreg.gather [hbm4b:s5+s3], $0x80, v4, vm1, $0xb8;
	[tilespmem:$0x10080] =	vst v63  }
0xca: {  	_ = 	snop  }
0xcb: {  	[tilespmem:s24], [sflag:$0x1] =	stream.indirect_vreg.gather [hbm4b:s4+s3], $0x80, v3, vm0, $0xb8;
	[tilespmem:$0x10080] =	vst v63  }
0xcc: {  	_ = 	snop  }
0xcd: {  	[tilespmem:s25], [sflag:$0x1] =	stream.indirect_vreg.gather [hbm4b:s5+s3], $0x80, v3, vm1, $0xb8;
	[tilespmem:$0x10080] =	vst v63  }
0xce: {  	v3 =	vld [tilespmem:$0x20];
	_ =	sdelay $0x4  }
0xcf: {  	v58 =	vshrl.u32 v3, $0x3  }
0xd0: {  	v4 =	vmul.u32 $0x18, v58  }
0xd1: {  	v3 =	vand.u32 $0x7, v3  }
0xd2: {  	v3 =	vor.u32 v3, v4  }
0xd3: {  	v4 =	vperm.xlane v3, v0;
	_ =	sdelay $0x1  }
0xd4: {  	v4 =	vadd.s32 v1, v4;
	_ =	sdelay $0x1  }
0xd5: {  	v3 =	vperm.xlane v3, v2;
	_ =	sdelay $0x1  }
0xd6: {  	v3 =	vadd.s32 v1, v3  }
0xd7: {  	[tilespmem:s26], [sflag:$0x1] =	stream.indirect_vreg.gather [hbm4b:s4+s3], $0x80, v4, vm0, $0xb8;
	[tilespmem:$0x10080] =	vst v63  }
0xd8: {  	_ = 	snop  }
0xd9: {  	[tilespmem:s28], [sflag:$0x1] =	stream.indirect_vreg.gather [hbm4b:s5+s3], $0x80, v4, vm1, $0xb8;
	[tilespmem:$0x10080] =	vst v63  }
0xda: {  	_ = 	snop  }
0xdb: {  	[tilespmem:s29], [sflag:$0x1] =	stream.indirect_vreg.gather [hbm4b:s4+s3], $0x80, v3, vm0, $0xb8;
	[tilespmem:$0x10080] =	vst v63  }
0xdc: {  	_ = 	snop  }
0xdd: {  	[tilespmem:s30], [sflag:$0x1] =	stream.indirect_vreg.gather [hbm4b:s5+s3], $0x80, v3, vm1, $0xb8;
	[tilespmem:$0x10080] =	vst v63  }
0xde: {  	v3 =	vld [tilespmem:$0x30];
	_ =	sdelay $0x4  }
0xdf: {  	v59 =	vshrl.u32 v3, $0x3  }
0xe0: {  	v4 =	vmul.u32 $0x18, v59  }
0xe1: {  	v3 =	vand.u32 $0x7, v3  }
0xe2: {  	v3 =	vor.u32 v3, v4  }
0xe3: {  	v4 =	vperm.xlane v3, v0;
	_ =	sdelay $0x1  }
0xe4: {  	v4 =	vadd.s32 v1, v4;
	_ =	sdelay $0x1  }
0xe5: {  	v3 =	vperm.xlane v3, v2;
	_ =	sdelay $0x1  }
0xe6: {  	v3 =	vadd.s32 v1, v3  }
0xe7: {  	[tilespmem:s31], [sflag:$0x1] =	stream.indirect_vreg.gather [hbm4b:s4+s3], $0x80, v4, vm0, $0xb8;
	[tilespmem:$0x10080] =	vst v63  }
0xe8: {  	s17 =	simm.s32 $0x5080  }
0xe9: {  	[tilespmem:s17], [sflag:$0x1] =	stream.indirect_vreg.gather [hbm4b:s5+s3], $0x80, v4, vm1, $0xb8;
	[tilespmem:$0x10080] =	vst v63  }
0xea: {  	s17 =	simm.s32 $0x5480  }
0xeb: {  	[tilespmem:s17], [sflag:$0x1] =	stream.indirect_vreg.gather [hbm4b:s4+s3], $0x80, v3, vm0, $0xb8;
	[tilespmem:$0x10080] =	vst v63  }
0xec: {  	_ = 	snop  }
0xed: {  	[tilespmem:s2], [sflag:$0x1] =	stream.indirect_vreg.gather [hbm4b:s5+s3], $0x80, v3, vm1, $0xb8;
	[tilespmem:$0x10080] =	vst v63  }
0xee: {  	v3 =	vld [tilespmem:$0x40];
	_ =	sdelay $0x4  }
0xef: {  	v60 =	vshrl.u32 v3, $0x3  }
0xf0: {  	v4 =	vmul.u32 $0x18, v60  }
0xf1: {  	v3 =	vand.u32 $0x7, v3  }
0xf2: {  	v3 =	vor.u32 v3, v4  }
0xf3: {  	v4 =	vperm.xlane v3, v0;
	_ =	sdelay $0x1  }
0xf4: {  	v4 =	vadd.s32 v1, v4;
	_ =	sdelay $0x1  }
0xf5: {  	v3 =	vperm.xlane v3, v2;
	_ =	sdelay $0x1  }
0xf6: {  	v3 =	vadd.s32 v1, v3  }
0xf7: {  	[tilespmem:s9], [sflag:$0x1] =	stream.indirect_vreg.gather [hbm4b:s4+s3], $0x80, v4, vm0, $0xb8;
	[tilespmem:$0x10080] =	vst v63  }
0xf8: {  	_ = 	snop  }
0xf9: {  	[tilespmem:s10], [sflag:$0x1] =	stream.indirect_vreg.gather [hbm4b:s5+s3], $0x80, v4, vm1, $0xb8;
	[tilespmem:$0x10080] =	vst v63  }
0xfa: {  	_ = 	snop  }
0xfb: {  	[tilespmem:s11], [sflag:$0x1] =	stream.indirect_vreg.gather [hbm4b:s4+s3], $0x80, v3, vm0, $0xb8;
	[tilespmem:$0x10080] =	vst v63  }
0xfc: {  	_ = 	snop  }
0xfd: {  	[tilespmem:s12], [sflag:$0x1] =	stream.indirect_vreg.gather [hbm4b:s5+s3], $0x80, v3, vm1, $0xb8;
	[tilespmem:$0x10080] =	vst v63  }
0xfe: {  	v3 =	vld [tilespmem:$0x50];
	_ =	sdelay $0x4  }
0xff: {  	v61 =	vshrl.u32 v3, $0x3  }
0x100: {  	v4 =	vmul.u32 $0x18, v61  }
0x101: {  	v3 =	vand.u32 $0x7, v3  }
0x102: {  	v3 =	vor.u32 v3, v4  }
0x103: {  	v4 =	vperm.xlane v3, v0;
	_ =	sdelay $0x1  }
0x104: {  	v4 =	vadd.s32 v1, v4;
	_ =	sdelay $0x1  }
0x105: {  	v3 =	vperm.xlane v3, v2;
	_ =	sdelay $0x1  }
0x106: {  	v3 =	vadd.s32 v1, v3  }
0x107: {  	[tilespmem:s13], [sflag:$0x1] =	stream.indirect_vreg.gather [hbm4b:s4+s3], $0x80, v4, vm0, $0xb8;
	[tilespmem:$0x10080] =	vst v63  }
0x108: {  	_ = 	snop  }
0x109: {  	[tilespmem:s14], [sflag:$0x1] =	stream.indirect_vreg.gather [hbm4b:s5+s3], $0x80, v4, vm1, $0xb8;
	[tilespmem:$0x10080] =	vst v63  }
0x10a: {  	_ = 	snop  }
0x10b: {  	[tilespmem:s16], [sflag:$0x1] =	stream.indirect_vreg.gather [hbm4b:s4+s3], $0x80, v3, vm0, $0xb8;
	[tilespmem:$0x10080] =	vst v63  }
0x10c: {  	_ = 	snop  }
0x10d: {  	[tilespmem:s8], [sflag:$0x1] =	stream.indirect_vreg.gather [hbm4b:s5+s3], $0x80, v3, vm1, $0xb8;
	[tilespmem:$0x10080] =	vst v63  }
0x10e: {  	v3 =	vld [tilespmem:$0x60];
	_ =	sdelay $0x4  }
0x10f: {  	v62 =	vshrl.u32 v3, $0x3  }
0x110: {  	v4 =	vmul.u32 $0x18, v62  }
0x111: {  	v3 =	vand.u32 $0x7, v3  }
0x112: {  	v3 =	vor.u32 v3, v4  }
0x113: {  	v4 =	vperm.xlane v3, v0;
	_ =	sdelay $0x1  }
0x114: {  	v4 =	vadd.s32 v1, v4;
	_ =	sdelay $0x1  }
0x115: {  	v3 =	vperm.xlane v3, v2;
	_ =	sdelay $0x1  }
0x116: {  	s17 =	simm.s32 $0x9080;
	v3 =	vadd.s32 v1, v3  }
0x117: {  	[tilespmem:s17], [sflag:$0x1] =	stream.indirect_vreg.gather [hbm4b:s4+s3], $0x80, v4, vm0, $0xb8;
	[tilespmem:$0x10080] =	vst v63  }
0x118: {  	s17 =	simm.s32 $0x9880  }
0x119: {  	[tilespmem:s17], [sflag:$0x1] =	stream.indirect_vreg.gather [hbm4b:s5+s3], $0x80, v4, vm1, $0xb8;
	[tilespmem:$0x10080] =	vst v63  }
0x11a: {  	s17 =	simm.s32 $0x9C80  }
0x11b: {  	[tilespmem:s17], [sflag:$0x1] =	stream.indirect_vreg.gather [hbm4b:s4+s3], $0x80, v3, vm0, $0xb8;
	[tilespmem:$0x10080] =	vst v63  }
0x11c: {  	s17 =	simm.s32 $0xA480  }
0x11d: {  	[tilespmem:s17], [sflag:$0x1] =	stream.indirect_vreg.gather [hbm4b:s5+s3], $0x80, v3, vm1, $0xb8;
	[tilespmem:$0x10080] =	vst v63  }
0x11e: {  	v3 =	vld [tilespmem:$0x70];
	_ =	sdelay $0x4  }
0x11f: {  	v63 =	vshrl.u32 v3, $0x3  }
0x120: {  	v4 =	vmul.u32 $0x18, v63  }
0x121: {  	v3 =	vand.u32 $0x7, v3  }
0x122: {  	v3 =	vor.u32 v3, v4  }
0x123: {  	v4 =	vperm.xlane v3, v0;
	_ =	sdelay $0x1  }
0x124: {  	v4 =	vadd.s32 v1, v4;
	_ =	sdelay $0x1  }
0x125: {  	v3 =	vperm.xlane v3, v2;
	_ =	sdelay $0x1  }
0x126: {  	s17 =	simm.s32 $0xA880;
	v3 =	vadd.s32 v1, v3  }
0x127: {  	[tilespmem:s17], [sflag:$0x1] =	stream.indirect_vreg.gather [hbm4b:s4+s3], $0x80, v4, vm0, $0xb8;
	[tilespmem:$0x10080] =	vst v63  }
0x128: {  	s17 =	simm.s32 $0xB080  }
0x129: {  	[tilespmem:s17], [sflag:$0x1] =	stream.indirect_vreg.gather [hbm4b:s5+s3], $0x80, v4, vm1, $0xb8;
	[tilespmem:$0x10080] =	vst v63  }
0x12a: {  	s17 =	simm.s32 $0xB480  }
0x12b: {  	[tilespmem:s17], [sflag:$0x1] =	stream.indirect_vreg.gather [hbm4b:s4+s3], $0x80, v3, vm0, $0xb8;
	[tilespmem:$0x10080] =	vst v63  }
0x12c: {  	s17 =	simm.s32 $0xBC80  }
0x12d: {  	[tilespmem:s17], [sflag:$0x1] =	stream.indirect_vreg.gather [hbm4b:s5+s3], $0x80, v3, vm1, $0xb8;
	[tilespmem:$0x10080] =	vst v63  }
0x12e: {  	_ =	swait.ge [sflag:s15], $0xC000  }
0x12f: {  	[sflag:s15] =	ssyncset.done $0x0  }
0x130: {  	s2 =	rddreg [dreg:$0x8];
	[sflag:s15] =	ssyncadd.s32 $0xFFFF4000  }
0x131: {  	[hbm4b:s2+s3] =	stream.linear.scatter [tilespmem:s1], [sflag:$0x2], $0xC000, $0x38;
	[tilespmem:$0x10080] =	vst v63  }
0x132: {  	_ =	swait.ge [sflag:s7], $0xC000  }
0x133: {  	[sflag:s7] =	ssyncset.done $0x0  }
0x134: {  	[sflag:s7] =	ssyncadd.s32 $0xFFFF4000  }
0x135: {  	[tilespmem:s0], [sflag:$0x1] =	stream.indirect.gather [hbm4b:s18+s1], $0x80, s3, s1, $0xb8;
	[tilespmem:$0x10080] =	vst v63  }
0x136: {  	_ =	swait.ge [sflag:s15], $0x4000  }
0x137: {  	p0 =	sne.s32 s6, $0x1;
	[sflag:s15] =	ssyncset.done $0x0  }
.Ltmp0:
0x138: {  	s18 =	rddreg [dreg:$0x9];
	[sflag:s15] =	ssyncadd.s32 $0xFFFFC000;
	(pc) =	sbr.rel @p0 .LBB2_1-.Ltmp0, $4  }
0x139: {  	[hbm4b:s18+s3] =	stream.linear.scatter [tilespmem:s0], [sflag:$0x2], $0x4000, $0x38;
	[tilespmem:$0x10080] =	vst v63  }
0x13a: {  	_ =	swait.ge [sflag:s7], $0x4000  }
0x13b: {  	[sflag:s7] =	ssyncset.done $0x0  }
0x13c: {  	s6 =	sadd.s32 $0xFFFFFFFF, s6;
	[sflag:s7] =	ssyncadd.s32 $0xFFFFC000  }
0x13d: {  	_ =	sfence.sel $0x180000  }
0x13e: {  	[bflag:$0x0] =	sbarrier.arrive $0xFFFF  }
0x13f: {  	_ =	strace $0x9000004A  }
0x140: {  	s0 =	stileid.u32;
	[bflag:$0x2] =	sbarrier.arrive $0xFFFF  }
0x141: {  	p0 =	sne.s32 s0, $0x0;
	s0 =	rddreg [dreg:$0x3]  }
0x142: {  	s0 =	sadd.s32 @!p0 $0x100000, s0  }
0x143: {  	[sflag:s0] =	ssyncadd.tile.s32 @!p0 $0x1;
	_ =	shalt  }
.Lfunc_end2:
_tile_overlayer_lowered:
.L_overlay_start_2:
0x144: {  	(tag) =	ssettag $0x2  }
0x145: {  	s0 =	rddreg [dreg:$0x0];
	s2 =	stileid.u32  }
0x146: {  	s1 =	rddreg [dreg:$0x1];
	p0 =	sne.s32 s2, $0x0  }
0x147: {  	s3 =	rddreg [dreg:$0x2];
	[bflag:$0x3] =	sbarrier.arrive $0xFFFF;
	s2 =	simm.s32 @!p0 $0x1C02  }
0x148: {  	[timem:s3], [sflag:s2] =	dma.local @!p0 [hbm:s0], s1  }
0x149: {  	s0 =	simm.s32 @!p0 $0x2  }
0x14a: {  	_ =	swait.ge @!p0 [sflag:s0], s1  }
0x14b: {  	s1 =	ssub.s32 @!p0 $0x0, s1;
	[sflag:s0] =	ssyncset.done @!p0 $0x0  }
0x14c: {  	[sflag:s0] =	ssyncadd.s32 @!p0 s1  }
0x14d: {  	[bflag:$0x3] =	sbarrier.arrive $0xFFFF  }
0x14e: {  	_ =	shalt  }

// kernel: scatter_offload_async_start
scs
__scs_entry_jumppad:
0x0: {  	(pc) =	sbr.rel $0x88, $3  }
0x1: {  	(tag) =	ssettag $0x0;
	lr =	simm.s32 $0x1  }
0x2: {  	[smem:$0x3F8F] =	sst lr;
	_ =	strace $0xD0000000  }
0x3: {  	_ = 	snop  }
0x4: {  	_ = 	snop  }
0x5: {  	_ = 	snop  }
0x6: {  	_ = 	snop  }
0x7: {  	_ = 	snop  }
__scs_overlays_trampoline_lowered:
0x8: {  	[smem:$0x3F9E] =	sst s0  }
0x9: {  	[smem:$0x3F9F] =	sst s1  }
0xa: {  	[smem:$0x3FA0] =	sst s2  }
0xb: {  	[smem:$0x3FA1] =	sst s3  }
0xc: {  	[smem:$0x3FA2] =	sst s4  }
0xd: {  	[smem:$0x3FA3] =	sst s5  }
0xe: {  	[smem:$0x3FA4] =	sst s6  }
0xf: {  	[smem:$0x3FA5] =	sst s7  }
0x10: {  	[smem:$0x3FA6] =	sst s8  }
0x11: {  	[smem:$0x3FA7] =	sst s9;
	s0 =	simm.s32 @!p0 $0x0  }
0x12: {  	s1 =	sld [smem:$0x3F8D];
	s0 =	simm.s32 @p0 $0x1  }
0x13: {  	[smem:$0x3FA8] =	sst s0;
	s0 =	simm.s32 @!p1 $0x0  }
0x14: {  	s2 =	sld [smem:$0x3F8C];
	s0 =	simm.s32 @p1 $0x1  }
0x15: {  	[smem:$0x3FA9] =	sst s0;
	s0 =	simm.s32 @!p2 $0x0  }
0x16: {  	s3 =	sld [smem:$0x3FDB];
	s0 =	simm.s32 @p2 $0x1  }
0x17: {  	s4 =	simm.s32 $0x1BF5;
	[smem:$0x3FAB] =	sst s0  }
0x18: {  	s0 =	sld [smem:$0x3F8E];
	_ =	swait.ge [sflag:s4], $0x0  }
0x19: {  	s7 =	sld [smem:$0x3F8F]  }
0x1a: {  	s8 =	sadd.s32 $0xFFFFE003, lr  }
0x1b: {  	s9 =	sadd.s32 $0xFFFFFEF7, lr;
	s5 =	simm.s32 $0xFFFFFFFF;
	p2 =	slt.u32 s8, $0xFFFFF086  }
0x1c: {  	p1 =	slt.u32 s9, $0xF7A;
	s5 =	simm.s32 @!p2 $0x0  }
0x1d: {  	s5 =	simm.s32 @p1 $0x1;
	p0 =	seq.s32 s7, s2  }
0x1e: {  	s7 =	smul.u32 @!p0 $0xF7A, s2;
	p2 =	seq.s32 @!p0 s5, $0x0  }
0x1f: {  	s9 =	smul.u32 $0xF7A, s1;
	s8 =	simm.s32 @!p0 $0x1BF5;
	p2 =	por !p2, p0  }
0x20: {  	[sflag:s8] =	ssyncset.s32 @!p0 $0xFFFFF086;
	s6 =	sadd.s32 @!p0 s3, s7;
	s7 =	simm.s32 @!p0 $0x108  }
0x21: {  	s3 =	sadd.s32 s3, s9;
	s6 =	sadd.s32 @!p0 $0x88, s6;
	s7 =	simm.s32 @p2 $0x1082  }
0x22: {  	[simem:s7], [sflag:s8] =	dma.local @!p0 [hbm:s6], $0xF7A  }
0x23: {  	s9 =	sor.u32 $0xD0000000, s2;
	s6 =	simm.s32 $0x108;
	_ =	swait.ge @!p0 [sflag:s8], $0x0  }
0x24: {  	s3 =	sadd.s32 $0x88, s3;
	s6 =	simm.s32 @!p1 $0x1082;
	[sflag:s4] =	ssyncset.s32 $0xFFFFF086  }
0x25: {  	[simem:s6], [sflag:s4] =	dma.local [hbm:s3], $0xF7A  }
0x26: {  	[smem:$0x3F8F] =	sst s1;
	(tag) =	ssettag s2;
	_ =	strace s9  }
0x27: {  	s1 =	sld [smem:$0x3F9F]  }
0x28: {  	s2 =	sld [smem:$0x3FA0]  }
0x29: {  	s4 =	sld [smem:$0x3FA2]  }
0x2a: {  	p0 =	seq.s32 s5, $0x0;
	s5 =	sld [smem:$0x3FA3]  }
0x2b: {  	s6 =	sld [smem:$0x3FA4]  }
0x2c: {  	s7 =	sld [smem:$0x3FA5]  }
0x2d: {  	s3 =	simm.s32 $0x108;
	s8 =	sld [smem:$0x3FA6]  }
0x2e: {  	s3 =	simm.s32 @!p0 $0x1082;
	s9 =	sld [smem:$0x3FA7]  }
0x2f: {  	lr =	sadd.s32 s0, s3;
	s0 =	sld [smem:$0x3F9E]  }
0x30: {  	s3 =	sld [smem:$0x3FA1]  }
0x31: {  	[smem:$0x3FAA] =	sst s10  }
0x32: {  	s10 =	sld [smem:$0x3FA8];
	_ =	sdelay $0x3  }
0x33: {  	p0 =	seq.s32 s10, $0x1;
	s10 =	sld [smem:$0x3FAA];
	_ =	sdelay $0x3  }
0x34: {  	[smem:$0x3FAA] =	sst s10  }
0x35: {  	s10 =	sld [smem:$0x3FA9];
	_ =	sdelay $0x3  }
0x36: {  	p1 =	seq.s32 s10, $0x1;
	s10 =	sld [smem:$0x3FAA];
	_ =	sdelay $0x3  }
0x37: {  	[smem:$0x3FAA] =	sst s10  }
0x38: {  	s10 =	sld [smem:$0x3FAB]  }
0x39: {  	_ = 	snop;
	(pc) =	sbr.ind lr, $3  }
0x3a: {  	_ = 	snop  }
0x3b: {  	_ = 	snop  }
0x3c: {  	p2 =	seq.s32 s10, $0x1;
	s10 =	sld [smem:$0x3FAA]  }
0x3d: {  	_ =	shalt  }
0x3e: {  	_ =	shalt  }
0x3f: {  	_ =	shalt  }
0x40: {  	_ =	shalt  }
0x41: {  	_ =	shalt  }
0x42: {  	_ =	shalt  }
0x43: {  	_ =	shalt  }
0x44: {  	_ =	shalt  }
0x45: {  	_ =	shalt  }
0x46: {  	_ =	shalt  }
0x47: {  	_ =	shalt  }
0x48: {  	_ =	shalt  }
0x49: {  	_ =	shalt  }
0x4a: {  	_ =	shalt  }
0x4b: {  	_ =	shalt  }
0x4c: {  	_ =	shalt  }
0x4d: {  	_ =	shalt  }
0x4e: {  	_ =	shalt  }
0x4f: {  	_ =	shalt  }
0x50: {  	_ =	shalt  }
0x51: {  	_ =	shalt  }
0x52: {  	_ =	shalt  }
0x53: {  	_ =	shalt  }
0x54: {  	_ =	shalt  }
0x55: {  	_ =	shalt  }
0x56: {  	_ =	shalt  }
0x57: {  	_ =	shalt  }
0x58: {  	_ =	shalt  }
0x59: {  	_ =	shalt  }
0x5a: {  	_ =	shalt  }
0x5b: {  	_ =	shalt  }
0x5c: {  	_ =	shalt  }
0x5d: {  	_ =	shalt  }
0x5e: {  	_ =	shalt  }
0x5f: {  	_ =	shalt  }
0x60: {  	_ =	shalt  }
0x61: {  	_ =	shalt  }
0x62: {  	_ =	shalt  }
0x63: {  	_ =	shalt  }
0x64: {  	_ =	shalt  }
0x65: {  	_ =	shalt  }
0x66: {  	_ =	shalt  }
0x67: {  	_ =	shalt  }
0x68: {  	_ =	shalt  }
0x69: {  	_ =	shalt  }
0x6a: {  	_ =	shalt  }
0x6b: {  	_ =	shalt  }
0x6c: {  	_ =	shalt  }
0x6d: {  	_ =	shalt  }
0x6e: {  	_ =	shalt  }
0x6f: {  	_ =	shalt  }
0x70: {  	_ =	shalt  }
0x71: {  	_ =	shalt  }
0x72: {  	_ =	shalt  }
0x73: {  	_ =	shalt  }
0x74: {  	_ =	shalt  }
0x75: {  	_ =	shalt  }
0x76: {  	_ =	shalt  }
0x77: {  	_ =	shalt  }
0x78: {  	_ =	shalt  }
0x79: {  	_ =	shalt  }
0x7a: {  	_ =	shalt  }
0x7b: {  	_ =	shalt  }
0x7c: {  	_ =	shalt  }
0x7d: {  	_ =	shalt  }
0x7e: {  	_ =	shalt  }
0x7f: {  	_ =	shalt  }
0x80: {  	_ =	shalt  }
0x81: {  	_ =	shalt  }
0x82: {  	_ =	shalt  }
0x83: {  	_ =	shalt  }
0x84: {  	_ =	shalt  }
0x85: {  	_ =	shalt  }
0x86: {  	_ =	shalt  }
0x87: {  	_ =	shalt  }
.Lfunc_end0:
.L_simem_size_0:
called_computation_lowered:
.L_overlay_start_0:
0x88: {  	s2 =	sld [smem:$0x3FD9]  }
0x89: {  	s3 =	sld [smem:$0x3FFE];
	_ =	sdelay $0x1  }
0x8a: {  	s1 =	srdreg.scid  }
0x8b: {  	s0 =	sand.u32 $0x1, s1  }
0x8c: {  	s16 =	sshll.u32 s0, $0xA;
	s2 =	sadd.s32 s3, s2  }
0x8d: {  	s2 =	sadd.s32 s2, s16  }
0x8e: {  	[smem:$0x3FB6] =	sst s2  }
0x8f: {  	_ = 	snop  }
0x90: {  	(tm) =	ssettm $0x1  }
0x91: {  	s17 =	sld [smem:$0x3FFB];
	_ =	sdelay $0x3  }
0x92: {  	_ =	strace s17  }
0x93: {  	s2 =	sld [smem:$0x3FFC];
	_ =	sdelay $0x3  }
0x94: {  	_ =	strace s2  }
0x95: {  	s2 =	sld [smem:$0x3FFD];
	_ =	sdelay $0x3  }
0x96: {  	_ =	strace s2  }
0x97: {  	_ =	strace $0x8FFFFFFF  }
0x98: {  	s18 =	sld [smem:$0x3FDB];
	_ =	sdelay $0x1  }
0x99: {  	s19 =	simm.s32 $_scs_section_size  }
0x9a: {  	s4 =	simm.s32 $_size__tile_overlayer_lowered;
	s5 =	simm.s32 $_tile_overlayer_lowered  }
0x9b: {  	s22 =	simm.s32 $0x1BFF;
	s21 =	sshll.u32 s5, $0x1;
	s2 =	sadd.s32 s19, s18  }
0x9c: {  	s6 =	simm.s32 $0x0;
	s20 =	sshll.u32 s4, $0x1;
	s4 =	sadd.s32 s21, s2  }
0x9d: {  	[timem:s6], [sflag:s22] =	dma.local [hbm:s4], s20  }
0x9e: {  	_ =	swait.ge [sflag:s22], s20  }
0x9f: {  	s3 =	ssub.s32 $0x0, s20;
	[sflag:s22] =	ssyncset.done $0x0  }
0xa0: {  	[sflag:s22] =	ssyncadd.s32 s3;
	_ =	sdelay $0x1  }
0xa1: {  	s23 =	simm.s32 $0x1B8B  }
0xa2: {  	_ =	swait.ge [sflag:s23], $0x1  }
0xa3: {  	[sflag:s23] =	ssyncset.done $0x0  }
0xa4: {  	s25 =	simm.s32 $0x1B8E;
	s24 =	sld [smem:$0x3FFE];
	[sflag:s23] =	ssyncadd.s32 $0xFFFFFFFF  }
0xa5: {  	s26 =	simm.s32 $execute0_lowered;
	[smem:$0x3FD2] =	sst s25  }
0xa6: {  	s4 =	sshll.u32 s26, $0x1;
	_ =	strace $0x80000046;
	[dreg:$0x1] =	wrdreg $0xFFFFFFFF  }
0xa7: {  	s28 =	simm.s32 $_size_execute0_lowered;
	s2 =	sadd.s32 s2, s4;
	[dreg:$0x0] =	wrdreg $0x0  }
0xa8: {  	s4 =	sshll.u32 s28, $0x1;
	[dreg:$0x2] =	wrdreg s2  }
0xa9: {  	[dreg:$0x3] =	wrdreg s4  }
0xaa: {  	[dreg:$0x4] =	wrdreg $0xC0  }
0xab: {  	_ =	task [dreg:s6], $0x5FFFF  }
0xac: {  	[dreg:$0x1] =	wrdreg $0xFFFFFFFF  }
0xad: {  	[dreg:$0x0] =	wrdreg $0x60  }
0xae: {  	[dreg:$0x2] =	wrdreg s24  }
0xaf: {  	[dreg:$0x3] =	wrdreg s1  }
0xb0: {  	[dreg:$0x4] =	wrdreg $0x9  }
0xb1: {  	_ =	task.clear_ibuf [dreg:s6], $0x5FFFF;
	_ =	strace $0x90000046  }
0xb2: {  	s29 =	simm.s32 $0x9;
	_ =	strace $0x80000048  }
0xb3: {  	_ =	swait.ge [sflag:s29], $0x1  }
0xb4: {  	[sflag:s29] =	ssyncadd.s32 $0xFFFFFFFF  }
0xb5: {  	_ =	strace $0x90000048  }
0xb6: {  	_ =	sfence  }
0xb7: {  	s30 =	sld [smem:$0x0];
	_ =	sdelay $0x2  }
0xb8: {  	s31 =	sshll.u32 s1, $0xD;
	s1 =	sshrl.u32 s1, $0x2  }
0xb9: {  	s3 =	sand.u32 $0x4000, s31;
	s1 =	sadd.s32 s1, s30  }
0xba: {  	s0 =	sor.u32 s3, s0;
	s1 =	sshll.u32 s1, $0x11  }
0xbb: {  	s0 =	sor.u32 s1, s0  }
0xbc: {  	s0 =	sadd.s32 $0x8F2B, s0  }
0xbd: {  	[sflag:s0] =	ssyncadd.remote.s32 $0x1  }
0xbe: {  	_ =	sfence.sel $0xFFFF  }
0xbf: {  	[dreg:$0x0] =	wrdreg $0xFFFFFFFF;
	(pc) =	sbr.abs _section_cstart, $3  }
0xc0: {  	[dreg:$0x1] =	wrdreg $0xFFFFFFFF  }
0xc1: {  	_ =	task.clear_ibuf [dreg:s6], $0x2FFFF;
	_ =	strace $0x9FFFFFFF  }
0xc2: {  	(tm) =	ssettm $0x7FFFFFFF  }
0xc3: {  	_ =	shalt  }
tec
execute0_lowered:
.L_overlay_start_1:
0x0: {  	(tag) =	ssettag $0x1  }
0x1: {  	s5 =	rddreg [dreg:$0x0]  }
0x2: {  	s1 =	rddreg [dreg:$0x1]  }
0x3: {  	s0 =	rddreg [dreg:$0x2];
	_ =	strace $0x80000047;
	s1 =	sand.u32 $0x1, s1  }
0x4: {  	s8 =	simm.s32 $0x1D4C00;
	s3 =	stileid.u32;
	p0 =	seq.s32 s1, $0x1  }
0x5: {  	s2 =	simm.s32 $0x3E;
	s8 =	simm.s32 @!p0 $0x0;
	p0 =	sne.s32 s3, $0x0  }
0x6: {  	[sflag:s2] =	ssyncpa.u1 $0x0;
	s1 =	sadd.s32 $0xCE00, s5;
	s4 =	sshrl.u32 @!p0 s8, $0x3  }
0x7: {  	s6 =	simm.s32 @!p0 $0x0;
	s1 =	sadd.s32 @!p0 s4, s1;
	s4 =	simm.s32 @!p0 $0x1C3E  }
0x8: {  	[spmem:s6], [sflag:s4] =	dma.local @!p0 [hbm:s1], $0x3A980  }
0x9: {  	s4 =	simm.s32 @!p0 $0x3E  }
0xa: {  	_ =	swait.ge @!p0 [sflag:s4], $0x3A980  }
0xb: {  	s7 =	simm.s32 $0x2;
	s3 =	smul.u32 $0x2710, s3;
	[sflag:s4] =	ssyncset.done @!p0 $0x0  }
.Ltmp0:
0xc: {  	s9 =	sadd.s32 $0x1D4C00, s8;
	[sflag:s4] =	ssyncadd.s32 @!p0 $0xFFFC5680;
	(pc) =	sbr.rel .LBB2_1-.Ltmp0, $4  }
0xd: {  	v0 =	vmov s8;
	s8 =	simm.s32 $0x0;
	s10 =	smov.u32 s3;
	[bflag:$0x0] =	sbarrier.arrive $0xFFFF  }
0xe: {  	v1 =	vmov s9;
	s9 =	simm.s32 $0x0;
	[sflag:s2] =	ssyncpa.u1 $0x1;
	s2 =	simm.s32 $0x1  }
0xf: {  	s6 =	sadd.s32 $0x2710, s3;
	s4 =	sadd.s32 $0x7E00, s5;
	[sflag:s2] =	ssyncpa.u1 $0x0  }
0x10: {  	vm0 =	vmmov $0xffff;
	s5 =	sadd.s32 $0x2E00, s5;
	(ifvalue) =	ssetifvalue $0x1D4C00;
	[sflag:s7] =	ssyncpa.u1 $0x0  }
.LBB2_5:
0x11: {  	s9 =	sadd.s32 $0x1, s9  }
0x12: {  	p2 =	sne.s32 s9, $0x6  }
.Ltmp1:
0x13: {  	_ = 	snop;
	(pc) =	sbr.rel @!p2 .LBB2_6-.Ltmp1, $4  }
0x14: {  	_ = 	snop  }
0x15: {  	s11 =	sadd.s32 $0x7D0, s10  }
0x16: {  	s10 =	smov.u32 s3;
	p1 =	slt.s32 s11, s6  }
0x17: {  	s10 =	smov.u32 @p1 s11  }
.LBB2_1:
0x18: {  	p1 =	seq.s32 s9, $0x5  }
0x19: {  	s11 =	sxor.u32 @!p1 $0xFFFFFFFF, s9  }
0x1a: {  	s11 =	sand.u32 @!p1 $0x1, s11  }
0x1b: {  	s11 =	smul.u32 @!p1 $0x7D0, s11  }
0x1c: {  	s12 =	sshrl.u32 @!p1 s10, $0x3  }
0x1d: {  	s15 =	sand.u32 @!p1 $0x7, s10;
	s13 =	sadd.s32 @!p1 s4, s12;
	s14 =	sadd.s32 @!p1 $0x1D4C0, s11  }
0x1e: {  	[tilespmem:s14], [sflag:$0x2] =	stream.linear.gather @!p1 [hbm4b:s13+s15], $0x7D0, $0x38;
	[tilespmem:$0x1F400] =	vst v63  }
0x1f: {  	p2 =	seq.s32 @!p1 s9, $0x0;
	s12 =	sadd.s32 @!p1 s5, s12;
	s11 =	sadd.s32 @!p1 $0x1E460, s11  }
0x20: {  	[tilespmem:s11], [sflag:$0x2] =	stream.linear.gather @!p1 [hbm4b:s12+s15], $0x7D0, $0x38;
	[tilespmem:$0x1F400] =	vst v63  }
0x21: {  	p1 =	por p1, !p2  }
.Ltmp2:
0x22: {  	_ = 	snop;
	(pc) =	sbr.rel @!p1 .LBB2_5-.Ltmp2, $1  }
0x23: {  	_ =	sdelay $0x3  }
0x24: {  	s11 =	sand.u32 $0x1, s9  }
0x25: {  	_ =	swait.ge [sflag:s7], $0xFA0;
	p1 =	seq.s32 s11, $0x1;
	s11 =	simm.s32 $0x7D0  }
0x26: {  	[sflag:s7] =	ssyncset.done $0x0;
	s11 =	simm.s32 @!p1 $0x0  }
0x27: {  	[sflag:s7] =	ssyncadd.s32 $0xFFFFF060;
	s13 =	sadd.s32 $0x1D4C0, s11  }
0x28: {  	v2 =	vld.msk [tilespmem:s13+$0x0 ss:$0x1], $0xffff;
	_ =	sdelay $0x4  }
0x29: {  	vm1 =	vge.s32 v2, v0;
	vm2 =	vlt.s32 v2, v1  }
0x2a: {  	v2 =	vsub.s32 v2, v0;
	vm1 =	vmand vm1, vm2  }
0x2b: {  	v2 =	vnsel vm1, $0x1D4C00, v2;
	_ =	sdelay $0x3  }
0x2c: {  	s12 =	simm.s32 $0x0;
	s11 =	sadd.s32 $0x1E460, s11;
	s13 =	sadd.s32 $0x10, s13  }
0x2d: {  	[spmem:s8] =	stream.indirect_vreg.scatter.add.s32 [tilespmem:s11], [sflag:$0x1], $0x1, v2, vm0, $0x4038;
	[tilespmem:$0x1F400] =	vst v63  }
.LBB2_3:
0x2e: {  	v2 =	vld.msk [tilespmem:s13+$0x0 ss:$0x1], $0xffff;
	s12 =	sadd.s32 $0x10, s12  }
0x2f: {  	p1 =	slt.u32 s12, $0x7C0;
	_ =	sdelay $0x4  }
0x30: {  	vm1 =	vge.s32 v2, v0;
	vm2 =	vlt.s32 v2, v1  }
0x31: {  	v2 =	vsub.s32 v2, v0;
	vm1 =	vmand vm1, vm2  }
0x32: {  	v2 =	vnsel vm1, $0x1D4C00, v2  }
.Ltmp3:
0x33: {  	(pc) =	sbr.rel @p1 .LBB2_3-.Ltmp3, $3  }
0x34: {  	_ =	sdelay $0x1  }
0x35: {  	s13 =	sadd.s32 $0x10, s13;
	s11 =	sadd.s32 $0x10, s11  }
0x36: {  	[spmem:s8] =	stream.indirect_vreg.scatter.add.s32 [tilespmem:s11], [sflag:$0x1], $0x1, v2, vm0, $0x4038;
	[tilespmem:$0x1F400] =	vst v63  }
.Ltmp4:
0x37: {  	(pc) =	sbr.rel .LBB2_5-.Ltmp4, $4  }
0x38: {  	_ = 	snop  }
0x39: {  	_ =	swait.ge [sflag:s2], $0x7D0  }
0x3a: {  	[sflag:s2] =	ssyncset.done $0x0  }
0x3b: {  	[sflag:s2] =	ssyncadd.s32 $0xFFFFF830  }
.LBB2_6:
0x3c: {  	_ =	sfence.sel $0x180000  }
0x3d: {  	s2 =	simm.s32 $0x2;
	[bflag:$0x0] =	sbarrier.arrive $0xFFFF  }
0x3e: {  	s30 =	simm.s32 $0x1;
	[sflag:s2] =	ssyncpa.u1 $0x1  }
0x3f: {  	[sflag:s30] =	ssyncpa.u1 $0x1  }
0x40: {  	_ =	sfence.stream.spmem  }
0x41: {  	s31 =	simm.s32 $0x3D;
	[bflag:$0x0] =	sbarrier.arrive $0xFFFF  }
0x42: {  	s2 =	simm.s32 @p0 $0x3D;
	[sflag:s31] =	ssyncpa.u1 $0x0  }
0x43: {  	[sflag:s2] =	ssyncpa.u1 @p0 $0x1  }
0x44: {  	[bflag:$0x0] =	sbarrier.arrive @p0 $0xFFFF  }
0x45: {  	_ =	strace @p0 $0x90000047  }
0x46: {  	s3 =	simm.s32 @!p0 $0x1C3D;
	s2 =	simm.s32 @!p0 $0x0;
	[bflag:$0x2] =	sbarrier.arrive @p0 $0xFFFF  }
0x47: {  	[hbm:s1], [sflag:s3] =	dma.local @!p0 [spmem:s2], $0x3A980  }
0x48: {  	s1 =	simm.s32 @!p0 $0x3D  }
0x49: {  	_ =	swait.ge @!p0 [sflag:s1], $0x3A980  }
0x4a: {  	[sflag:s1] =	ssyncset.done @!p0 $0x0  }
0x4b: {  	[sflag:s1] =	ssyncadd.s32 @!p0 $0xFFFC5680  }
0x4c: {  	[sflag:s1] =	ssyncpa.u1 @!p0 $0x1  }
0x4d: {  	[bflag:$0x0] =	sbarrier.arrive @!p0 $0xFFFF  }
0x4e: {  	_ =	strace @!p0 $0x90000047  }
0x4f: {  	s0 =	sadd.s32 @!p0 $0x100000, s0;
	[bflag:$0x2] =	sbarrier.arrive @!p0 $0xFFFF  }
0x50: {  	[sflag:s0] =	ssyncadd.tile.s32 @!p0 $0x1;
	_ =	shalt  }
.Lfunc_end2:
_tile_overlayer_lowered:
.L_overlay_start_2:
0x51: {  	(tag) =	ssettag $0x2  }
0x52: {  	s0 =	rddreg [dreg:$0x0];
	s2 =	stileid.u32  }
0x53: {  	s1 =	rddreg [dreg:$0x1];
	p0 =	sne.s32 s2, $0x0  }
0x54: {  	s3 =	rddreg [dreg:$0x2];
	[bflag:$0x3] =	sbarrier.arrive $0xFFFF;
	s2 =	simm.s32 @!p0 $0x1C01  }
0x55: {  	[timem:s3], [sflag:s2] =	dma.local @!p0 [hbm:s0], s1  }
0x56: {  	s0 =	simm.s32 @!p0 $0x1  }
0x57: {  	_ =	swait.ge @!p0 [sflag:s0], s1  }
0x58: {  	s1 =	ssub.s32 @!p0 $0x0, s1;
	[sflag:s0] =	ssyncset.done @!p0 $0x0  }
0x59: {  	[sflag:s0] =	ssyncadd.s32 @!p0 s1  }
0x5a: {  	[bflag:$0x3] =	sbarrier.arrive $0xFFFF  }
0x5b: {  	_ =	shalt  }

</sc_bundles>
